<compile_context>
chip_gen: v7x
topology: tpu7x:2x2x1
jax: 0.10.2.dev20260603
libtpu: 0.0.44.dev20260713+nightly
codegen_flags: <defaults>
</compile_context>

<pallas_src>
import functools

import jax
import jax.numpy as jnp
from jax import lax
from jax.experimental import pallas as pl
from jax.experimental.pallas import tpu as pltpu
from jax.experimental.pallas import tpu_sc as plsc

N = 1_000_000
B = 4096
T = 4000
NT = N // T
G = T // 16
NW = 32
MAXM = -(-NT // NW)
NBUF = 3
MB = 131072


def _mse_tc(pred_t, tgt_t, gen_flag):
    grid = -(-N // MB)

    def body(p_ref, t_ref, g_ref, u_ref):
        d = p_ref[...] - t_ref[...]
        sq = d * d
        mse = sq[0, :] + sq[1, :] + sq[2, :]
        u_ref[...] = jnp.where(g_ref[...] != 0, mse, jnp.float32(-1.0))

    return pl.pallas_call(
        body,
        grid=(grid,),
        in_specs=[
            pl.BlockSpec((3, MB), lambda i: (0, i)),
            pl.BlockSpec((3, MB), lambda i: (0, i)),
            pl.BlockSpec((MB,), lambda i: (i,)),
        ],
        out_specs=pl.BlockSpec((MB,), lambda i: (i,)),
        out_shape=jax.ShapeDtypeStruct((N,), jnp.float32),
    )(pred_t, tgt_t, gen_flag)


def _sc_segment_partials(u, batch_idx):

    mesh = plsc.VectorSubcoreMesh(core_axis_name="c", subcore_axis_name="s")

    @functools.partial(
        pl.kernel,
        out_type=jax.ShapeDtypeStruct((128, 128), jnp.float32),
        mesh=mesh,
        compiler_params=pltpu.CompilerParams(needs_layout_passes=False),
        scratch_types=[
            pltpu.VMEM((T,), jnp.float32),
            pltpu.VMEM((T,), jnp.float32),
            pltpu.VMEM((T,), jnp.float32),
            pltpu.VMEM((T,), jnp.int32),
            pltpu.VMEM((T,), jnp.int32),
            pltpu.VMEM((T,), jnp.int32),
            pltpu.VMEM((17 * B,), jnp.float32),
            pltpu.VMEM((2, B), jnp.float32),
            pltpu.VMEM((16, 2, 256), jnp.float32),
            pltpu.VMEM((4, 128), jnp.float32),
            pltpu.VMEM_SHARED((16, 2, B), jnp.float32),
            pltpu.SemaphoreType.DMA,
            pltpu.SemaphoreType.DMA,
            pltpu.SemaphoreType.DMA,
        ],
    )
    def body(u_hbm, idx_hbm, out_hbm,
             vbuf0, vbuf1, vbuf2, ibuf0, ibuf1, ibuf2,
             acc, part, red_all, obuf, shared, sem0, sem1, sem2):
        cid = lax.axis_index("c")
        sid = lax.axis_index("s")
        wid = sid * 2 + cid

        bufs = ((vbuf0, ibuf0, sem0),
                (vbuf1, ibuf1, sem1),
                (vbuf2, ibuf2, sem2))

        it = lax.iota(jnp.int32, 16)
        it17 = it * 17
        mask8 = it < 8
        zeros16 = jnp.zeros((16,), jnp.float32)
        ones16 = jnp.ones((16,), jnp.float32)

        m_tiles = jnp.where(wid < NT - NW * (NT // NW), NT // NW + 1, NT // NW)

        def _copies(j, slot):
            vbuf, ibuf, sem = slot
            t = wid + NW * j
            r0 = pl.multiple_of(t * T, 8)
            return (
                pltpu.make_async_copy(u_hbm.at[pl.ds(r0, T)], vbuf, sem),
                pltpu.make_async_copy(idx_hbm.at[pl.ds(r0, T)], ibuf, sem),
            )

        def issue(j, slot):
            for c in _copies(j, slot):
                c.start()

        def drain(j, slot):
            for c in _copies(j, slot):
                c.wait()

        @plsc.parallel_loop(0, (17 * B) // 256, 1, unroll=2)
        def zacc(i):
            for r in range(16):
                acc[pl.ds((i * 16 + r) * 16, 16)] = zeros16

        def process(slot):
            vbuf, ibuf, _ = slot

            @plsc.parallel_loop(0, G, 1, unroll=4)
            def grp(i):
                d = pl.ds(i * 16, 16)
                idxv = ibuf[d]
                u = vbuf[d]
                wv = jnp.where(u >= 0.0, ones16, zeros16)
                v = jnp.maximum(u, 0.0)
                vr = jnp.flip(v, 0)
                wr = jnp.flip(wv, 0)
                ir = jnp.flip(idxv, 0)
                p1 = jnp.where(mask8, v, wr)
                c1 = jnp.where(mask8, idxv, ir)
                p2 = jnp.where(mask8, vr, wv)
                c2 = jnp.where(mask8, ir, idxv)
                plsc.addupdate_scatter(acc, [c1 * 17 + it], p1)
                plsc.addupdate_scatter(acc, [c2 * 17 + it], p2)

        @pl.when(0 < m_tiles)
        def _prime0():
            issue(0, bufs[0])

        @pl.when(1 < m_tiles)
        def _prime1():
            issue(1, bufs[1])

        def outer(k, carry):
            for b in range(NBUF):
                j = NBUF * k + b

                @pl.when(j < m_tiles)
                def _step():
                    @pl.when(j + 2 < m_tiles)
                    def _prefetch():
                        issue(j + 2, bufs[(b + 2) % NBUF])
                    drain(j, bufs[b])
                    process(bufs[b])
            return carry

        lax.fori_loop(0, -(-MAXM // NBUF), outer, 0)

        @plsc.parallel_loop(0, B // 16, 1, unroll=2)
        def lred(i):
            d = pl.ds(i * 16, 16)
            bv = i * 272 + it17
            s = plsc.load_gather(acc, [bv])
            for r in range(1, 8):
                s = s + plsc.load_gather(acc, [bv + r])
            c = plsc.load_gather(acc, [bv + 8])
            for r in range(9, 16):
                c = c + plsc.load_gather(acc, [bv + r])
            part[0, d] = s
            part[1, d] = c

        pltpu.sync_copy(part, shared.at[sid])
        plsc.subcore_barrier()

        off = pl.multiple_of(sid * 256, 8)
        for tt in range(16):
            pltpu.sync_copy(shared.at[tt, :, pl.ds(off, 256)],
                            red_all.at[tt])

        for rr in range(4):
            kind = rr // 2
            loff = (rr % 2) * 128

            @plsc.parallel_loop(0, 8, 1, unroll=2)
            def red(i):
                d2 = pl.ds(loff + i * 16, 16)
                s = red_all[0, kind, d2]
                for tt in range(1, 16):
                    s = s + red_all[tt, kind, d2]
                obuf[rr, pl.ds(i * 16, 16)] = s

        for kind in range(2):
            row0 = pl.multiple_of(cid * 64 + kind * 32 + sid * 2, 2)
            pltpu.sync_copy(obuf.at[pl.ds(kind * 2, 2), :],
                            out_hbm.at[pl.ds(row0, 2), :])

    return body(u, batch_idx)


def _finish(partials4):
    def fin(x_ref, o_ref):
        x = x_ref[...]
        s = x[0:32] + x[64:96]
        c = x[32:64] + x[96:128]
        loss = s / jnp.maximum(c, 1.0)
        o_ref[...] = (jnp.sum(loss) * (1.0 / B)).reshape(1, 1)

    return pl.pallas_call(
        fin,
        out_shape=jax.ShapeDtypeStruct((1, 1), jnp.float32),
    )(partials4)


def kernel(pred, tgt, t, gen_flag, batch_idx, gamma):
    del t, gamma
    u = _mse_tc(pred.T, tgt.T, gen_flag.view(jnp.int8))
    partials = _sc_segment_partials(u, batch_idx)
    return _finish(partials)[0, 0]

# --- scband reference (transcript-rebuilt; emitter-appended) ---
"""Pipeline reference for scband-variational-scheduler-29618094473607 (READ-ONLY COPY).

The authoritative reference and input builder live on the scoring server;
editing this copy changes nothing except your own understanding.
"""

import jax, jax.numpy as jnp
import numpy as np

NUM_TIMESTEP = 1000
N = 1000000
B = 4096
D = 3


def _clip_noise_schedule(alphas2, clip_value=0.001):
    alphas2 = np.concatenate([np.ones(1), alphas2], axis=0)
    alphas_step = alphas2[1:] / alphas2[:-1]
    alphas_step = np.clip(alphas_step, clip_value, 1.0)
    return np.cumprod(alphas_step, axis=0)


def _polynomial_schedule(timesteps, s=0.0005, power=2.0):
    steps = timesteps + 1
    x = np.linspace(0, steps, steps)
    alphas2 = (1.0 - np.power(x / steps, power)) ** 2
    alphas2 = _clip_noise_schedule(alphas2, clip_value=0.001)
    precision = 1.0 - 2.0 * s
    return precision * alphas2 + s


def _gamma_table():
    # PredefinedNoiseSchedule('polynomial_2', timesteps=1000, precision=0.0005)
    alphas2 = _polynomial_schedule(NUM_TIMESTEP, s=0.0005, power=2.0)
    sigmas2 = 1.0 - alphas2
    log_alphas2_to_sigmas2 = np.log(alphas2) - np.log(sigmas2)
    return jnp.asarray(-log_alphas2_to_sigmas2, dtype=jnp.float32)


def setup_inputs(seed: int = 0):
    key = jax.random.key(seed)
    k1, k2, k3, k4, k5 = jax.random.split(key, 5)
    pred = jax.random.normal(k1, (N, D), dtype=jnp.float32)
    tgt = jax.random.normal(k2, (N, D), dtype=jnp.float32)
    t = jax.random.uniform(k3, (B,), dtype=jnp.float32)
    gen_flag = jax.random.randint(k4, (N,), 0, 2).astype(bool)
    batch_idx = jnp.sort(jax.random.randint(k5, (N,), 0, B))
    gamma = _gamma_table()
    return {"pred": pred, "tgt": tgt, "t": t, "gen_flag": gen_flag, "batch_idx": batch_idx, "gamma": gamma}


def reference(pred, tgt, t, gen_flag, batch_idx, gamma):
    # VariationalScheduler.get_score_loss with score_in=False, info_tag=None
    t_int = jnp.round(t * NUM_TIMESTEP).astype(jnp.int32)
    gamma_per_graph = jnp.take(gamma, t_int, axis=0)          # [B] gather from schedule table
    gamma_t = jnp.take(gamma_per_graph, batch_idx, axis=0)[:, None]  # [N,1] gather per atom
    sigma_t = jnp.sqrt(jax.nn.sigmoid(gamma_t))
    noise = tgt  # score_in=False
    mse = jnp.sum((pred - noise) ** 2, axis=-1)               # [N]
    # scatter_mean(mse[gen_flag], batch_idx[gen_flag]) via masked segment sums
    w = gen_flag.astype(mse.dtype)
    seg_sum = jax.ops.segment_sum(mse * w, batch_idx, num_segments=B)
    seg_cnt = jax.ops.segment_sum(w, batch_idx, num_segments=B)
    loss = seg_sum / jnp.clip(seg_cnt, 1.0, None)
    # pos_info tensors (computed for fidelity; dict itself not returned)
    score_0 = noise * sigma_t
    score_pred = pred * sigma_t
    del score_0, score_pred
    return jnp.mean(loss)

if __name__ == "__main__":
    import jax
    _d = setup_inputs()
    print(jax.jit(kernel)(*tuple(_d.values())))

</pallas_src>

<mosaic_0001>
#map = affine_map<(d0, d1) -> (0)>
#map1 = affine_map<(d0, d1) -> (0, 0)>
module attributes {stable_mosaic.version = 14 : i64} {
  func.func @body(%arg0: i32, %arg1: i32, %arg2: memref<1000000xf32, #tpu.memory_space<hbm>>, %arg3: memref<1000000xi32, #tpu.memory_space<hbm>>, %arg4: memref<128x128xf32, #tpu.memory_space<hbm>>, %arg5: memref<4000xf32, #tpu.memory_space<vmem>>, %arg6: memref<4000xf32, #tpu.memory_space<vmem>>, %arg7: memref<4000xf32, #tpu.memory_space<vmem>>, %arg8: memref<4000xi32, #tpu.memory_space<vmem>>, %arg9: memref<4000xi32, #tpu.memory_space<vmem>>, %arg10: memref<4000xi32, #tpu.memory_space<vmem>>, %arg11: memref<69632xf32, #tpu.memory_space<vmem>>, %arg12: memref<2x4096xf32, #tpu.memory_space<vmem>>, %arg13: memref<16x2x256xf32, #tpu.memory_space<vmem>>, %arg14: memref<4x128xf32, #tpu.memory_space<vmem>>, %arg15: memref<16x2x4096xf32, #tpu.memory_space<vmem_shared>>, %arg16: memref<!tpu.dma_semaphore, #tpu.memory_space<semaphore_mem>>, %arg17: memref<!tpu.dma_semaphore, #tpu.memory_space<semaphore_mem>>, %arg18: memref<!tpu.dma_semaphore, #tpu.memory_space<semaphore_mem>>) attributes {dimension_semantics = [#tpu.dimension_semantics<core_parallel>, #tpu.dimension_semantics<subcore_parallel>], iteration_bounds = array<i64: 2, 16>, scalar_prefetch = 0 : i64, scratch_operands = 14 : i64, tpu.core_type = #tpu.core_type<sc_vector_subcore>, window_params = [{transform_indices = #map}, {transform_indices = #map}, {transform_indices = #map1}]} {
    %mul3A = arith.constant 2 : i32
    %mul3A_0 = arith.muli %arg1, %mul3A : i32
    %add3A = arith.addi %mul3A_0, %arg0 : i32
    %iota3A = tpu.iota {dimensions = array<i32: 0>} : vector<16xi32>
    %mul3A_1 = arith.constant 17 : i32
    %mul3A_2 = vector.broadcast %mul3A_1 : i32 to vector<16xi32>
    %mul3A_3 = arith.muli %iota3A, %mul3A_2 : vector<16xi32>
    %lt3A = arith.constant 8 : i32
    %lt3A_4 = vector.broadcast %lt3A : i32 to vector<16xi32>
    %lt3A_5 = arith.cmpi slt, %iota3A, %lt3A_4 : vector<16xi32>
    %broadcast_in_dim3A = arith.constant 0.000000e+00 : f32
    %broadcast_in_dim3A_6 = vector.broadcast %broadcast_in_dim3A : f32 to vector<16xf32>
    %broadcast_in_dim3A_7 = arith.constant 1.000000e+00 : f32
    %broadcast_in_dim3A_8 = vector.broadcast %broadcast_in_dim3A_7 : f32 to vector<16xf32>
    %lt3A_9 = arith.constant 26 : i32
    %lt3A_10 = arith.cmpi slt, %add3A, %lt3A_9 : i32
    %jit3A = arith.constant 8 : i32
    %jit3A_11 = arith.constant 7 : i32
    %select_n3A = arith.select %lt3A_10, %jit3A, %jit3A_11 : i32
    %parallel_loop3A = arith.constant 0 : i32
    %parallel_loop3A_12 = arith.constant 272 : i32
    %parallel_loop3A_13 = arith.constant 1 : i32
    scf.for %parallel_loop3A_90 = %parallel_loop3A to %parallel_loop3A_12 step %parallel_loop3A_13  : i32 {
      %parallel_loop3A_91 = arith.constant 16 : i32
      %parallel_loop3A_92 = arith.muli %parallel_loop3A_90, %parallel_loop3A_91 : i32
      %parallel_loop3A_93 = arith.constant 0 : i32
      %parallel_loop3A_94 = arith.addi %parallel_loop3A_92, %parallel_loop3A_93 : i32
      %parallel_loop3A_95 = arith.constant 16 : i32
      %parallel_loop3A_96 = arith.muli %parallel_loop3A_94, %parallel_loop3A_95 : i32
      %parallel_loop3A_97 = arith.index_cast %parallel_loop3A_96 : i32 to index
      %parallel_loop3A_98 = tpu.vector_load %arg11[%parallel_loop3A_97] {strides = array<i32>} : memref<69632xf32, #tpu.memory_space<vmem>>, vector<16xf32>,
      tpu.vector_store %arg11[%parallel_loop3A_97], %broadcast_in_dim3A_6 {strides = array<i32>} : memref<69632xf32, #tpu.memory_space<vmem>>, vector<16xf32>,
      %parallel_loop3A_99 = arith.constant 16 : i32
      %parallel_loop3A_100 = arith.muli %parallel_loop3A_90, %parallel_loop3A_99 : i32
      %parallel_loop3A_101 = arith.constant 1 : i32
      %parallel_loop3A_102 = arith.addi %parallel_loop3A_100, %parallel_loop3A_101 : i32
      %parallel_loop3A_103 = arith.constant 16 : i32
      %parallel_loop3A_104 = arith.muli %parallel_loop3A_102, %parallel_loop3A_103 : i32
      %parallel_loop3A_105 = arith.index_cast %parallel_loop3A_104 : i32 to index
      %parallel_loop3A_106 = tpu.vector_load %arg11[%parallel_loop3A_105] {strides = array<i32>} : memref<69632xf32, #tpu.memory_space<vmem>>, vector<16xf32>,
      tpu.vector_store %arg11[%parallel_loop3A_105], %broadcast_in_dim3A_6 {strides = array<i32>} : memref<69632xf32, #tpu.memory_space<vmem>>, vector<16xf32>,
      %parallel_loop3A_107 = arith.constant 16 : i32
      %parallel_loop3A_108 = arith.muli %parallel_loop3A_90, %parallel_loop3A_107 : i32
      %parallel_loop3A_109 = arith.constant 2 : i32
      %parallel_loop3A_110 = arith.addi %parallel_loop3A_108, %parallel_loop3A_109 : i32
      %parallel_loop3A_111 = arith.constant 16 : i32
      %parallel_loop3A_112 = arith.muli %parallel_loop3A_110, %parallel_loop3A_111 : i32
      %parallel_loop3A_113 = arith.index_cast %parallel_loop3A_112 : i32 to index
      %parallel_loop3A_114 = tpu.vector_load %arg11[%parallel_loop3A_113] {strides = array<i32>} : memref<69632xf32, #tpu.memory_space<vmem>>, vector<16xf32>,
      tpu.vector_store %arg11[%parallel_loop3A_113], %broadcast_in_dim3A_6 {strides = array<i32>} : memref<69632xf32, #tpu.memory_space<vmem>>, vector<16xf32>,
      %parallel_loop3A_115 = arith.constant 16 : i32
      %parallel_loop3A_116 = arith.muli %parallel_loop3A_90, %parallel_loop3A_115 : i32
      %parallel_loop3A_117 = arith.constant 3 : i32
      %parallel_loop3A_118 = arith.addi %parallel_loop3A_116, %parallel_loop3A_117 : i32
      %parallel_loop3A_119 = arith.constant 16 : i32
      %parallel_loop3A_120 = arith.muli %parallel_loop3A_118, %parallel_loop3A_119 : i32
      %parallel_loop3A_121 = arith.index_cast %parallel_loop3A_120 : i32 to index
      %parallel_loop3A_122 = tpu.vector_load %arg11[%parallel_loop3A_121] {strides = array<i32>} : memref<69632xf32, #tpu.memory_space<vmem>>, vector<16xf32>,
      tpu.vector_store %arg11[%parallel_loop3A_121], %broadcast_in_dim3A_6 {strides = array<i32>} : memref<69632xf32, #tpu.memory_space<vmem>>, vector<16xf32>,
      %parallel_loop3A_123 = arith.constant 16 : i32
      %parallel_loop3A_124 = arith.muli %parallel_loop3A_90, %parallel_loop3A_123 : i32
      %parallel_loop3A_125 = arith.constant 4 : i32
      %parallel_loop3A_126 = arith.addi %parallel_loop3A_124, %parallel_loop3A_125 : i32
      %parallel_loop3A_127 = arith.constant 16 : i32
      %parallel_loop3A_128 = arith.muli %parallel_loop3A_126, %parallel_loop3A_127 : i32
      %parallel_loop3A_129 = arith.index_cast %parallel_loop3A_128 : i32 to index
      %parallel_loop3A_130 = tpu.vector_load %arg11[%parallel_loop3A_129] {strides = array<i32>} : memref<69632xf32, #tpu.memory_space<vmem>>, vector<16xf32>,
      tpu.vector_store %arg11[%parallel_loop3A_129], %broadcast_in_dim3A_6 {strides = array<i32>} : memref<69632xf32, #tpu.memory_space<vmem>>, vector<16xf32>,
      %parallel_loop3A_131 = arith.constant 16 : i32
      %parallel_loop3A_132 = arith.muli %parallel_loop3A_90, %parallel_loop3A_131 : i32
      %parallel_loop3A_133 = arith.constant 5 : i32
      %parallel_loop3A_134 = arith.addi %parallel_loop3A_132, %parallel_loop3A_133 : i32
      %parallel_loop3A_135 = arith.constant 16 : i32
      %parallel_loop3A_136 = arith.muli %parallel_loop3A_134, %parallel_loop3A_135 : i32
      %parallel_loop3A_137 = arith.index_cast %parallel_loop3A_136 : i32 to index
      %parallel_loop3A_138 = tpu.vector_load %arg11[%parallel_loop3A_137] {strides = array<i32>} : memref<69632xf32, #tpu.memory_space<vmem>>, vector<16xf32>,
      tpu.vector_store %arg11[%parallel_loop3A_137], %broadcast_in_dim3A_6 {strides = array<i32>} : memref<69632xf32, #tpu.memory_space<vmem>>, vector<16xf32>,
      %parallel_loop3A_139 = arith.constant 16 : i32
      %parallel_loop3A_140 = arith.muli %parallel_loop3A_90, %parallel_loop3A_139 : i32
      %parallel_loop3A_141 = arith.constant 6 : i32
      %parallel_loop3A_142 = arith.addi %parallel_loop3A_140, %parallel_loop3A_141 : i32
      %parallel_loop3A_143 = arith.constant 16 : i32
      %parallel_loop3A_144 = arith.muli %parallel_loop3A_142, %parallel_loop3A_143 : i32
      %parallel_loop3A_145 = arith.index_cast %parallel_loop3A_144 : i32 to index
      %parallel_loop3A_146 = tpu.vector_load %arg11[%parallel_loop3A_145] {strides = array<i32>} : memref<69632xf32, #tpu.memory_space<vmem>>, vector<16xf32>,
      tpu.vector_store %arg11[%parallel_loop3A_145], %broadcast_in_dim3A_6 {strides = array<i32>} : memref<69632xf32, #tpu.memory_space<vmem>>, vector<16xf32>,
      %parallel_loop3A_147 = arith.constant 16 : i32
      %parallel_loop3A_148 = arith.muli %parallel_loop3A_90, %parallel_loop3A_147 : i32
      %parallel_loop3A_149 = arith.constant 7 : i32
      %parallel_loop3A_150 = arith.addi %parallel_loop3A_148, %parallel_loop3A_149 : i32
      %parallel_loop3A_151 = arith.constant 16 : i32
      %parallel_loop3A_152 = arith.muli %parallel_loop3A_150, %parallel_loop3A_151 : i32
      %parallel_loop3A_153 = arith.index_cast %parallel_loop3A_152 : i32 to index
      %parallel_loop3A_154 = tpu.vector_load %arg11[%parallel_loop3A_153] {strides = array<i32>} : memref<69632xf32, #tpu.memory_space<vmem>>, vector<16xf32>,
      tpu.vector_store %arg11[%parallel_loop3A_153], %broadcast_in_dim3A_6 {strides = array<i32>} : memref<69632xf32, #tpu.memory_space<vmem>>, vector<16xf32>,
      %parallel_loop3A_155 = arith.constant 16 : i32
      %parallel_loop3A_156 = arith.muli %parallel_loop3A_90, %parallel_loop3A_155 : i32
      %parallel_loop3A_157 = arith.constant 8 : i32
      %parallel_loop3A_158 = arith.addi %parallel_loop3A_156, %parallel_loop3A_157 : i32
      %parallel_loop3A_159 = arith.constant 16 : i32
      %parallel_loop3A_160 = arith.muli %parallel_loop3A_158, %parallel_loop3A_159 : i32
      %parallel_loop3A_161 = arith.index_cast %parallel_loop3A_160 : i32 to index
      %parallel_loop3A_162 = tpu.vector_load %arg11[%parallel_loop3A_161] {strides = array<i32>} : memref<69632xf32, #tpu.memory_space<vmem>>, vector<16xf32>,
      tpu.vector_store %arg11[%parallel_loop3A_161], %broadcast_in_dim3A_6 {strides = array<i32>} : memref<69632xf32, #tpu.memory_space<vmem>>, vector<16xf32>,
      %parallel_loop3A_163 = arith.constant 16 : i32
      %parallel_loop3A_164 = arith.muli %parallel_loop3A_90, %parallel_loop3A_163 : i32
      %parallel_loop3A_165 = arith.constant 9 : i32
      %parallel_loop3A_166 = arith.addi %parallel_loop3A_164, %parallel_loop3A_165 : i32
      %parallel_loop3A_167 = arith.constant 16 : i32
      %parallel_loop3A_168 = arith.muli %parallel_loop3A_166, %parallel_loop3A_167 : i32
      %parallel_loop3A_169 = arith.index_cast %parallel_loop3A_168 : i32 to index
      %parallel_loop3A_170 = tpu.vector_load %arg11[%parallel_loop3A_169] {strides = array<i32>} : memref<69632xf32, #tpu.memory_space<vmem>>, vector<16xf32>,
      tpu.vector_store %arg11[%parallel_loop3A_169], %broadcast_in_dim3A_6 {strides = array<i32>} : memref<69632xf32, #tpu.memory_space<vmem>>, vector<16xf32>,
      %parallel_loop3A_171 = arith.constant 16 : i32
      %parallel_loop3A_172 = arith.muli %parallel_loop3A_90, %parallel_loop3A_171 : i32
      %parallel_loop3A_173 = arith.constant 10 : i32
      %parallel_loop3A_174 = arith.addi %parallel_loop3A_172, %parallel_loop3A_173 : i32
      %parallel_loop3A_175 = arith.constant 16 : i32
      %parallel_loop3A_176 = arith.muli %parallel_loop3A_174, %parallel_loop3A_175 : i32
      %parallel_loop3A_177 = arith.index_cast %parallel_loop3A_176 : i32 to index
      %parallel_loop3A_178 = tpu.vector_load %arg11[%parallel_loop3A_177] {strides = array<i32>} : memref<69632xf32, #tpu.memory_space<vmem>>, vector<16xf32>,
      tpu.vector_store %arg11[%parallel_loop3A_177], %broadcast_in_dim3A_6 {strides = array<i32>} : memref<69632xf32, #tpu.memory_space<vmem>>, vector<16xf32>,
      %parallel_loop3A_179 = arith.constant 16 : i32
      %parallel_loop3A_180 = arith.muli %parallel_loop3A_90, %parallel_loop3A_179 : i32
      %parallel_loop3A_181 = arith.constant 11 : i32
      %parallel_loop3A_182 = arith.addi %parallel_loop3A_180, %parallel_loop3A_181 : i32
      %parallel_loop3A_183 = arith.constant 16 : i32
      %parallel_loop3A_184 = arith.muli %parallel_loop3A_182, %parallel_loop3A_183 : i32
      %parallel_loop3A_185 = arith.index_cast %parallel_loop3A_184 : i32 to index
      %parallel_loop3A_186 = tpu.vector_load %arg11[%parallel_loop3A_185] {strides = array<i32>} : memref<69632xf32, #tpu.memory_space<vmem>>, vector<16xf32>,
      tpu.vector_store %arg11[%parallel_loop3A_185], %broadcast_in_dim3A_6 {strides = array<i32>} : memref<69632xf32, #tpu.memory_space<vmem>>, vector<16xf32>,
      %parallel_loop3A_187 = arith.constant 16 : i32
      %parallel_loop3A_188 = arith.muli %parallel_loop3A_90, %parallel_loop3A_187 : i32
      %parallel_loop3A_189 = arith.constant 12 : i32
      %parallel_loop3A_190 = arith.addi %parallel_loop3A_188, %parallel_loop3A_189 : i32
      %parallel_loop3A_191 = arith.constant 16 : i32
      %parallel_loop3A_192 = arith.muli %parallel_loop3A_190, %parallel_loop3A_191 : i32
      %parallel_loop3A_193 = arith.index_cast %parallel_loop3A_192 : i32 to index
      %parallel_loop3A_194 = tpu.vector_load %arg11[%parallel_loop3A_193] {strides = array<i32>} : memref<69632xf32, #tpu.memory_space<vmem>>, vector<16xf32>,
      tpu.vector_store %arg11[%parallel_loop3A_193], %broadcast_in_dim3A_6 {strides = array<i32>} : memref<69632xf32, #tpu.memory_space<vmem>>, vector<16xf32>,
      %parallel_loop3A_195 = arith.constant 16 : i32
      %parallel_loop3A_196 = arith.muli %parallel_loop3A_90, %parallel_loop3A_195 : i32
      %parallel_loop3A_197 = arith.constant 13 : i32
      %parallel_loop3A_198 = arith.addi %parallel_loop3A_196, %parallel_loop3A_197 : i32
      %parallel_loop3A_199 = arith.constant 16 : i32
      %parallel_loop3A_200 = arith.muli %parallel_loop3A_198, %parallel_loop3A_199 : i32
      %parallel_loop3A_201 = arith.index_cast %parallel_loop3A_200 : i32 to index
      %parallel_loop3A_202 = tpu.vector_load %arg11[%parallel_loop3A_201] {strides = array<i32>} : memref<69632xf32, #tpu.memory_space<vmem>>, vector<16xf32>,
      tpu.vector_store %arg11[%parallel_loop3A_201], %broadcast_in_dim3A_6 {strides = array<i32>} : memref<69632xf32, #tpu.memory_space<vmem>>, vector<16xf32>,
      %parallel_loop3A_203 = arith.constant 16 : i32
      %parallel_loop3A_204 = arith.muli %parallel_loop3A_90, %parallel_loop3A_203 : i32
      %parallel_loop3A_205 = arith.constant 14 : i32
      %parallel_loop3A_206 = arith.addi %parallel_loop3A_204, %parallel_loop3A_205 : i32
      %parallel_loop3A_207 = arith.constant 16 : i32
      %parallel_loop3A_208 = arith.muli %parallel_loop3A_206, %parallel_loop3A_207 : i32
      %parallel_loop3A_209 = arith.index_cast %parallel_loop3A_208 : i32 to index
      %parallel_loop3A_210 = tpu.vector_load %arg11[%parallel_loop3A_209] {strides = array<i32>} : memref<69632xf32, #tpu.memory_space<vmem>>, vector<16xf32>,
      tpu.vector_store %arg11[%parallel_loop3A_209], %broadcast_in_dim3A_6 {strides = array<i32>} : memref<69632xf32, #tpu.memory_space<vmem>>, vector<16xf32>,
      %parallel_loop3A_211 = arith.constant 16 : i32
      %parallel_loop3A_212 = arith.muli %parallel_loop3A_90, %parallel_loop3A_211 : i32
      %parallel_loop3A_213 = arith.constant 15 : i32
      %parallel_loop3A_214 = arith.addi %parallel_loop3A_212, %parallel_loop3A_213 : i32
      %parallel_loop3A_215 = arith.constant 16 : i32
      %parallel_loop3A_216 = arith.muli %parallel_loop3A_214, %parallel_loop3A_215 : i32
      %parallel_loop3A_217 = arith.index_cast %parallel_loop3A_216 : i32 to index
      %parallel_loop3A_218 = tpu.vector_load %arg11[%parallel_loop3A_217] {strides = array<i32>} : memref<69632xf32, #tpu.memory_space<vmem>>, vector<16xf32>,
      tpu.vector_store %arg11[%parallel_loop3A_217], %broadcast_in_dim3A_6 {strides = array<i32>} : memref<69632xf32, #tpu.memory_space<vmem>>, vector<16xf32>,
    } {sc.loop_unroll_factor = 2 : i64, sc.parallel_access}
    %gt3A = arith.constant 0 : i32
    %gt3A_14 = arith.cmpi sgt, %select_n3A, %gt3A : i32
    %convert_element_type3A = arith.extui %gt3A_14 : i1 to i32
    %cond3A = arith.constant 0 : i32
    %cond3A_15 = arith.cmpi ne, %convert_element_type3A, %cond3A : i32
    scf.if %cond3A_15 {
      %add3A_90 = arith.constant 0 : i32
      %add3A_91 = arith.addi %add3A, %add3A_90 : i32
      %mul3A_92 = arith.constant 4000 : i32
      %mul3A_93 = arith.muli %add3A_91, %mul3A_92 : i32
      %multiple_of3A_94 = tpu.assume_multiple %mul3A_93, 8 : i32
      %dma_start3A = tpu.memref_slice %arg2[%multiple_of3A_94] : memref<1000000xf32, #tpu.memory_space<hbm>> -> memref<4000xf32, #tpu.memory_space<hbm>>
      %dma_start3A_95 = tpu.memref_slice %arg2[%multiple_of3A_94] : memref<1000000xf32, #tpu.memory_space<hbm>> -> memref<4000xf32, #tpu.memory_space<hbm>>
      tpu.enqueue_dma source(%dma_start3A_95 : memref<4000xf32, #tpu.memory_space<hbm>>) target(%arg5 : memref<4000xf32, #tpu.memory_space<vmem>>) target_semaphore(%arg16 : memref<!tpu.dma_semaphore, #tpu.memory_space<semaphore_mem>>)
      %dma_start3A_96 = tpu.memref_slice %arg3[%multiple_of3A_94] : memref<1000000xi32, #tpu.memory_space<hbm>> -> memref<4000xi32, #tpu.memory_space<hbm>>
      %dma_start3A_97 = tpu.memref_slice %arg3[%multiple_of3A_94] : memref<1000000xi32, #tpu.memory_space<hbm>> -> memref<4000xi32, #tpu.memory_space<hbm>>
      tpu.enqueue_dma source(%dma_start3A_97 : memref<4000xi32, #tpu.memory_space<hbm>>) target(%arg8 : memref<4000xi32, #tpu.memory_space<vmem>>) target_semaphore(%arg16 : memref<!tpu.dma_semaphore, #tpu.memory_space<semaphore_mem>>)
    } else {
    }
    %gt3A_16 = arith.constant 1 : i32
    %gt3A_17 = arith.cmpi sgt, %select_n3A, %gt3A_16 : i32
    %convert_element_type3A_18 = arith.extui %gt3A_17 : i1 to i32
    %cond3A_19 = arith.constant 0 : i32
    %cond3A_20 = arith.cmpi ne, %convert_element_type3A_18, %cond3A_19 : i32
    scf.if %cond3A_20 {
      %add3A_90 = arith.constant 32 : i32
      %add3A_91 = arith.addi %add3A, %add3A_90 : i32
      %mul3A_92 = arith.constant 4000 : i32
      %mul3A_93 = arith.muli %add3A_91, %mul3A_92 : i32
      %multiple_of3A_94 = tpu.assume_multiple %mul3A_93, 8 : i32
      %dma_start3A = tpu.memref_slice %arg2[%multiple_of3A_94] : memref<1000000xf32, #tpu.memory_space<hbm>> -> memref<4000xf32, #tpu.memory_space<hbm>>
      %dma_start3A_95 = tpu.memref_slice %arg2[%multiple_of3A_94] : memref<1000000xf32, #tpu.memory_space<hbm>> -> memref<4000xf32, #tpu.memory_space<hbm>>
      tpu.enqueue_dma source(%dma_start3A_95 : memref<4000xf32, #tpu.memory_space<hbm>>) target(%arg6 : memref<4000xf32, #tpu.memory_space<vmem>>) target_semaphore(%arg17 : memref<!tpu.dma_semaphore, #tpu.memory_space<semaphore_mem>>)
      %dma_start3A_96 = tpu.memref_slice %arg3[%multiple_of3A_94] : memref<1000000xi32, #tpu.memory_space<hbm>> -> memref<4000xi32, #tpu.memory_space<hbm>>
      %dma_start3A_97 = tpu.memref_slice %arg3[%multiple_of3A_94] : memref<1000000xi32, #tpu.memory_space<hbm>> -> memref<4000xi32, #tpu.memory_space<hbm>>
      tpu.enqueue_dma source(%dma_start3A_97 : memref<4000xi32, #tpu.memory_space<hbm>>) target(%arg9 : memref<4000xi32, #tpu.memory_space<vmem>>) target_semaphore(%arg17 : memref<!tpu.dma_semaphore, #tpu.memory_space<semaphore_mem>>)
    } else {
    }
    %scan3A = arith.constant 0 : i32
    %scan3A_21 = arith.constant 0 : i32
    %scan3A_22 = arith.constant 3 : i32
    %scan3A_23 = arith.addi %scan3A_21, %scan3A_22 : i32
    %scan3A_24 = arith.constant 1 : i32
    scf.for %scan3A_90 = %scan3A_21 to %scan3A_23 step %scan3A_24  : i32 {
      %mul3A_91 = arith.constant 3 : i32
      %mul3A_92 = arith.muli %mul3A_91, %scan3A_90 : i32
      %add3A_93 = arith.constant 0 : i32
      %add3A_94 = arith.addi %mul3A_92, %add3A_93 : i32
      %lt3A_95 = arith.cmpi slt, %add3A_94, %select_n3A : i32
      %convert_element_type3A_96 = arith.extui %lt3A_95 : i1 to i32
      %cond3A_97 = arith.constant 0 : i32
      %cond3A_98 = arith.cmpi ne, %convert_element_type3A_96, %cond3A_97 : i32
      scf.if %cond3A_98 {
        %add3A_115 = arith.constant 2 : i32
        %add3A_116 = arith.addi %add3A_94, %add3A_115 : i32
        %lt3A_117 = arith.cmpi slt, %add3A_116, %select_n3A : i32
        %convert_element_type3A_118 = arith.extui %lt3A_117 : i1 to i32
        %cond3A_119 = arith.constant 0 : i32
        %cond3A_120 = arith.cmpi ne, %convert_element_type3A_118, %cond3A_119 : i32
        scf.if %cond3A_120 {
          %add3A_133 = arith.constant 2 : i32
          %add3A_134 = arith.addi %add3A_94, %add3A_133 : i32
          %mul3A_135 = arith.constant 32 : i32
          %mul3A_136 = arith.muli %mul3A_135, %add3A_134 : i32
          %add3A_137 = arith.addi %add3A, %mul3A_136 : i32
          %mul3A_138 = arith.constant 4000 : i32
          %mul3A_139 = arith.muli %add3A_137, %mul3A_138 : i32
          %multiple_of3A_140 = tpu.assume_multiple %mul3A_139, 8 : i32
          %dma_start3A = tpu.memref_slice %arg2[%multiple_of3A_140] : memref<1000000xf32, #tpu.memory_space<hbm>> -> memref<4000xf32, #tpu.memory_space<hbm>>
          %dma_start3A_141 = tpu.memref_slice %arg2[%multiple_of3A_140] : memref<1000000xf32, #tpu.memory_space<hbm>> -> memref<4000xf32, #tpu.memory_space<hbm>>
          tpu.enqueue_dma source(%dma_start3A_141 : memref<4000xf32, #tpu.memory_space<hbm>>) target(%arg7 : memref<4000xf32, #tpu.memory_space<vmem>>) target_semaphore(%arg18 : memref<!tpu.dma_semaphore, #tpu.memory_space<semaphore_mem>>)
          %dma_start3A_142 = tpu.memref_slice %arg3[%multiple_of3A_140] : memref<1000000xi32, #tpu.memory_space<hbm>> -> memref<4000xi32, #tpu.memory_space<hbm>>
          %dma_start3A_143 = tpu.memref_slice %arg3[%multiple_of3A_140] : memref<1000000xi32, #tpu.memory_space<hbm>> -> memref<4000xi32, #tpu.memory_space<hbm>>
          tpu.enqueue_dma source(%dma_start3A_143 : memref<4000xi32, #tpu.memory_space<hbm>>) target(%arg10 : memref<4000xi32, #tpu.memory_space<vmem>>) target_semaphore(%arg18 : memref<!tpu.dma_semaphore, #tpu.memory_space<semaphore_mem>>)
        } else {
        }
        %mul3A_121 = arith.constant 32 : i32
        %mul3A_122 = arith.muli %mul3A_121, %add3A_94 : i32
        %add3A_123 = arith.addi %add3A, %mul3A_122 : i32
        %mul3A_124 = arith.constant 4000 : i32
        %mul3A_125 = arith.muli %add3A_123, %mul3A_124 : i32
        %multiple_of3A_126 = tpu.assume_multiple %mul3A_125, 8 : i32
        %dma_wait3A = tpu.memref_slice %arg2[%multiple_of3A_126] : memref<1000000xf32, #tpu.memory_space<hbm>> -> memref<4000xf32, #tpu.memory_space<hbm>>
        %dma_wait3A_127 = tpu.memref_slice %arg2[%multiple_of3A_126] : memref<1000000xf32, #tpu.memory_space<hbm>> -> memref<4000xf32, #tpu.memory_space<hbm>>
        tpu.wait_dma2 semaphore(%arg16 : memref<!tpu.dma_semaphore, #tpu.memory_space<semaphore_mem>>) src(%dma_wait3A_127 : memref<4000xf32, #tpu.memory_space<hbm>>) dst(%arg5 : memref<4000xf32, #tpu.memory_space<vmem>>)
        %dma_wait3A_128 = tpu.memref_slice %arg3[%multiple_of3A_126] : memref<1000000xi32, #tpu.memory_space<hbm>> -> memref<4000xi32, #tpu.memory_space<hbm>>
        %dma_wait3A_129 = tpu.memref_slice %arg3[%multiple_of3A_126] : memref<1000000xi32, #tpu.memory_space<hbm>> -> memref<4000xi32, #tpu.memory_space<hbm>>
        tpu.wait_dma2 semaphore(%arg16 : memref<!tpu.dma_semaphore, #tpu.memory_space<semaphore_mem>>) src(%dma_wait3A_129 : memref<4000xi32, #tpu.memory_space<hbm>>) dst(%arg8 : memref<4000xi32, #tpu.memory_space<vmem>>)
        %parallel_loop3A_130 = arith.constant 0 : i32
        %parallel_loop3A_131 = arith.constant 250 : i32
        %parallel_loop3A_132 = arith.constant 1 : i32
        scf.for %parallel_loop3A_133 = %parallel_loop3A_130 to %parallel_loop3A_131 step %parallel_loop3A_132  : i32 {
          %parallel_loop3A_134 = arith.constant 16 : i32
          %parallel_loop3A_135 = arith.muli %parallel_loop3A_133, %parallel_loop3A_134 : i32
          %parallel_loop3A_136 = arith.index_cast %parallel_loop3A_135 : i32 to index
          %parallel_loop3A_137 = tpu.vector_load %arg8[%parallel_loop3A_136] {strides = array<i32>} : memref<4000xi32, #tpu.memory_space<vmem>>, vector<16xi32>,
          %parallel_loop3A_138 = arith.index_cast %parallel_loop3A_135 : i32 to index
          %parallel_loop3A_139 = tpu.vector_load %arg5[%parallel_loop3A_138] {strides = array<i32>} : memref<4000xf32, #tpu.memory_space<vmem>>, vector<16xf32>,
          %parallel_loop3A_140 = arith.constant 0.000000e+00 : f32
          %parallel_loop3A_141 = vector.broadcast %parallel_loop3A_140 : f32 to vector<16xf32>
          %parallel_loop3A_142 = arith.cmpf oge, %parallel_loop3A_139, %parallel_loop3A_141 : vector<16xf32>
          %parallel_loop3A_143 = arith.select %parallel_loop3A_142, %broadcast_in_dim3A_8, %broadcast_in_dim3A_6 : vector<16xi1>, vector<16xf32>
          %parallel_loop3A_144 = arith.constant 0.000000e+00 : f32
          %parallel_loop3A_145 = vector.broadcast %parallel_loop3A_144 : f32 to vector<16xf32>
          %parallel_loop3A_146 = arith.maximumf %parallel_loop3A_139, %parallel_loop3A_145 : vector<16xf32>
          %parallel_loop3A_147 = arith.constant 15 : i32
          %parallel_loop3A_148 = vector.broadcast %parallel_loop3A_147 : i32 to vector<16xi32>
          %parallel_loop3A_149 = tpu.iota {dimensions = array<i32: 0>} : vector<16xi32>
          %parallel_loop3A_150 = arith.subi %parallel_loop3A_148, %parallel_loop3A_149 : vector<16xi32>
          %parallel_loop3A_151 = tpu.dynamic_gather %parallel_loop3A_146[%parallel_loop3A_150] in [0] : vector<16xf32>, vector<16xi32> -> vector<16xf32>
          %parallel_loop3A_152 = arith.constant 15 : i32
          %parallel_loop3A_153 = vector.broadcast %parallel_loop3A_152 : i32 to vector<16xi32>
          %parallel_loop3A_154 = tpu.iota {dimensions = array<i32: 0>} : vector<16xi32>
          %parallel_loop3A_155 = arith.subi %parallel_loop3A_153, %parallel_loop3A_154 : vector<16xi32>
          %parallel_loop3A_156 = tpu.dynamic_gather %parallel_loop3A_143[%parallel_loop3A_155] in [0] : vector<16xf32>, vector<16xi32> -> vector<16xf32>
          %parallel_loop3A_157 = arith.constant 15 : i32
          %parallel_loop3A_158 = vector.broadcast %parallel_loop3A_157 : i32 to vector<16xi32>
          %parallel_loop3A_159 = tpu.iota {dimensions = array<i32: 0>} : vector<16xi32>
          %parallel_loop3A_160 = arith.subi %parallel_loop3A_158, %parallel_loop3A_159 : vector<16xi32>
          %parallel_loop3A_161 = tpu.dynamic_gather %parallel_loop3A_137[%parallel_loop3A_160] in [0] : vector<16xi32>, vector<16xi32> -> vector<16xi32>
          %parallel_loop3A_162 = arith.select %lt3A_5, %parallel_loop3A_146, %parallel_loop3A_156 : vector<16xi1>, vector<16xf32>
          %parallel_loop3A_163 = arith.select %lt3A_5, %parallel_loop3A_137, %parallel_loop3A_161 : vector<16xi1>, vector<16xi32>
          %parallel_loop3A_164 = arith.select %lt3A_5, %parallel_loop3A_151, %parallel_loop3A_143 : vector<16xi1>, vector<16xf32>
          %parallel_loop3A_165 = arith.select %lt3A_5, %parallel_loop3A_161, %parallel_loop3A_137 : vector<16xi1>, vector<16xi32>
          %parallel_loop3A_166 = arith.constant 17 : i32
          %parallel_loop3A_167 = vector.broadcast %parallel_loop3A_166 : i32 to vector<16xi32>
          %parallel_loop3A_168 = arith.muli %parallel_loop3A_163, %parallel_loop3A_167 : vector<16xi32>
          %parallel_loop3A_169 = arith.addi %parallel_loop3A_168, %iota3A : vector<16xi32>
          tpu.vector_store_idx %arg11[%parallel_loop3A_169], %parallel_loop3A_162 {add = true} : memref<69632xf32, #tpu.memory_space<vmem>>[vector<16xi32>], vector<16xf32>,
          %parallel_loop3A_170 = arith.constant 17 : i32
          %parallel_loop3A_171 = vector.broadcast %parallel_loop3A_170 : i32 to vector<16xi32>
          %parallel_loop3A_172 = arith.muli %parallel_loop3A_165, %parallel_loop3A_171 : vector<16xi32>
          %parallel_loop3A_173 = arith.addi %parallel_loop3A_172, %iota3A : vector<16xi32>
          tpu.vector_store_idx %arg11[%parallel_loop3A_173], %parallel_loop3A_164 {add = true} : memref<69632xf32, #tpu.memory_space<vmem>>[vector<16xi32>], vector<16xf32>,
        } {sc.loop_unroll_factor = 4 : i64, sc.parallel_access}
      } else {
      }
      %mul3A_99 = arith.constant 3 : i32
      %mul3A_100 = arith.muli %mul3A_99, %scan3A_90 : i32
      %add3A_101 = arith.constant 1 : i32
      %add3A_102 = arith.addi %mul3A_100, %add3A_101 : i32
      %lt3A_103 = arith.cmpi slt, %add3A_102, %select_n3A : i32
      %convert_element_type3A_104 = arith.extui %lt3A_103 : i1 to i32
      %cond3A_105 = arith.constant 0 : i32
      %cond3A_106 = arith.cmpi ne, %convert_element_type3A_104, %cond3A_105 : i32
      scf.if %cond3A_106 {
        %add3A_115 = arith.constant 2 : i32
        %add3A_116 = arith.addi %add3A_102, %add3A_115 : i32
        %lt3A_117 = arith.cmpi slt, %add3A_116, %select_n3A : i32
        %convert_element_type3A_118 = arith.extui %lt3A_117 : i1 to i32
        %cond3A_119 = arith.constant 0 : i32
        %cond3A_120 = arith.cmpi ne, %convert_element_type3A_118, %cond3A_119 : i32
        scf.if %cond3A_120 {
          %add3A_133 = arith.constant 2 : i32
          %add3A_134 = arith.addi %add3A_102, %add3A_133 : i32
          %mul3A_135 = arith.constant 32 : i32
          %mul3A_136 = arith.muli %mul3A_135, %add3A_134 : i32
          %add3A_137 = arith.addi %add3A, %mul3A_136 : i32
          %mul3A_138 = arith.constant 4000 : i32
          %mul3A_139 = arith.muli %add3A_137, %mul3A_138 : i32
          %multiple_of3A_140 = tpu.assume_multiple %mul3A_139, 8 : i32
          %dma_start3A = tpu.memref_slice %arg2[%multiple_of3A_140] : memref<1000000xf32, #tpu.memory_space<hbm>> -> memref<4000xf32, #tpu.memory_space<hbm>>
          %dma_start3A_141 = tpu.memref_slice %arg2[%multiple_of3A_140] : memref<1000000xf32, #tpu.memory_space<hbm>> -> memref<4000xf32, #tpu.memory_space<hbm>>
          tpu.enqueue_dma source(%dma_start3A_141 : memref<4000xf32, #tpu.memory_space<hbm>>) target(%arg5 : memref<4000xf32, #tpu.memory_space<vmem>>) target_semaphore(%arg16 : memref<!tpu.dma_semaphore, #tpu.memory_space<semaphore_mem>>)
          %dma_start3A_142 = tpu.memref_slice %arg3[%multiple_of3A_140] : memref<1000000xi32, #tpu.memory_space<hbm>> -> memref<4000xi32, #tpu.memory_space<hbm>>
          %dma_start3A_143 = tpu.memref_slice %arg3[%multiple_of3A_140] : memref<1000000xi32, #tpu.memory_space<hbm>> -> memref<4000xi32, #tpu.memory_space<hbm>>
          tpu.enqueue_dma source(%dma_start3A_143 : memref<4000xi32, #tpu.memory_space<hbm>>) target(%arg8 : memref<4000xi32, #tpu.memory_space<vmem>>) target_semaphore(%arg16 : memref<!tpu.dma_semaphore, #tpu.memory_space<semaphore_mem>>)
        } else {
        }
        %mul3A_121 = arith.constant 32 : i32
        %mul3A_122 = arith.muli %mul3A_121, %add3A_102 : i32
        %add3A_123 = arith.addi %add3A, %mul3A_122 : i32
        %mul3A_124 = arith.constant 4000 : i32
        %mul3A_125 = arith.muli %add3A_123, %mul3A_124 : i32
        %multiple_of3A_126 = tpu.assume_multiple %mul3A_125, 8 : i32
        %dma_wait3A = tpu.memref_slice %arg2[%multiple_of3A_126] : memref<1000000xf32, #tpu.memory_space<hbm>> -> memref<4000xf32, #tpu.memory_space<hbm>>
        %dma_wait3A_127 = tpu.memref_slice %arg2[%multiple_of3A_126] : memref<1000000xf32, #tpu.memory_space<hbm>> -> memref<4000xf32, #tpu.memory_space<hbm>>
        tpu.wait_dma2 semaphore(%arg17 : memref<!tpu.dma_semaphore, #tpu.memory_space<semaphore_mem>>) src(%dma_wait3A_127 : memref<4000xf32, #tpu.memory_space<hbm>>) dst(%arg6 : memref<4000xf32, #tpu.memory_space<vmem>>)
        %dma_wait3A_128 = tpu.memref_slice %arg3[%multiple_of3A_126] : memref<1000000xi32, #tpu.memory_space<hbm>> -> memref<4000xi32, #tpu.memory_space<hbm>>
        %dma_wait3A_129 = tpu.memref_slice %arg3[%multiple_of3A_126] : memref<1000000xi32, #tpu.memory_space<hbm>> -> memref<4000xi32, #tpu.memory_space<hbm>>
        tpu.wait_dma2 semaphore(%arg17 : memref<!tpu.dma_semaphore, #tpu.memory_space<semaphore_mem>>) src(%dma_wait3A_129 : memref<4000xi32, #tpu.memory_space<hbm>>) dst(%arg9 : memref<4000xi32, #tpu.memory_space<vmem>>)
        %parallel_loop3A_130 = arith.constant 0 : i32
        %parallel_loop3A_131 = arith.constant 250 : i32
        %parallel_loop3A_132 = arith.constant 1 : i32
        scf.for %parallel_loop3A_133 = %parallel_loop3A_130 to %parallel_loop3A_131 step %parallel_loop3A_132  : i32 {
          %parallel_loop3A_134 = arith.constant 16 : i32
          %parallel_loop3A_135 = arith.muli %parallel_loop3A_133, %parallel_loop3A_134 : i32
          %parallel_loop3A_136 = arith.index_cast %parallel_loop3A_135 : i32 to index
          %parallel_loop3A_137 = tpu.vector_load %arg9[%parallel_loop3A_136] {strides = array<i32>} : memref<4000xi32, #tpu.memory_space<vmem>>, vector<16xi32>,
          %parallel_loop3A_138 = arith.index_cast %parallel_loop3A_135 : i32 to index
          %parallel_loop3A_139 = tpu.vector_load %arg6[%parallel_loop3A_138] {strides = array<i32>} : memref<4000xf32, #tpu.memory_space<vmem>>, vector<16xf32>,
          %parallel_loop3A_140 = arith.constant 0.000000e+00 : f32
          %parallel_loop3A_141 = vector.broadcast %parallel_loop3A_140 : f32 to vector<16xf32>
          %parallel_loop3A_142 = arith.cmpf oge, %parallel_loop3A_139, %parallel_loop3A_141 : vector<16xf32>
          %parallel_loop3A_143 = arith.select %parallel_loop3A_142, %broadcast_in_dim3A_8, %broadcast_in_dim3A_6 : vector<16xi1>, vector<16xf32>
          %parallel_loop3A_144 = arith.constant 0.000000e+00 : f32
          %parallel_loop3A_145 = vector.broadcast %parallel_loop3A_144 : f32 to vector<16xf32>
          %parallel_loop3A_146 = arith.maximumf %parallel_loop3A_139, %parallel_loop3A_145 : vector<16xf32>
          %parallel_loop3A_147 = arith.constant 15 : i32
          %parallel_loop3A_148 = vector.broadcast %parallel_loop3A_147 : i32 to vector<16xi32>
          %parallel_loop3A_149 = tpu.iota {dimensions = array<i32: 0>} : vector<16xi32>
          %parallel_loop3A_150 = arith.subi %parallel_loop3A_148, %parallel_loop3A_149 : vector<16xi32>
          %parallel_loop3A_151 = tpu.dynamic_gather %parallel_loop3A_146[%parallel_loop3A_150] in [0] : vector<16xf32>, vector<16xi32> -> vector<16xf32>
          %parallel_loop3A_152 = arith.constant 15 : i32
          %parallel_loop3A_153 = vector.broadcast %parallel_loop3A_152 : i32 to vector<16xi32>
          %parallel_loop3A_154 = tpu.iota {dimensions = array<i32: 0>} : vector<16xi32>
          %parallel_loop3A_155 = arith.subi %parallel_loop3A_153, %parallel_loop3A_154 : vector<16xi32>
          %parallel_loop3A_156 = tpu.dynamic_gather %parallel_loop3A_143[%parallel_loop3A_155] in [0] : vector<16xf32>, vector<16xi32> -> vector<16xf32>
          %parallel_loop3A_157 = arith.constant 15 : i32
          %parallel_loop3A_158 = vector.broadcast %parallel_loop3A_157 : i32 to vector<16xi32>
          %parallel_loop3A_159 = tpu.iota {dimensions = array<i32: 0>} : vector<16xi32>
          %parallel_loop3A_160 = arith.subi %parallel_loop3A_158, %parallel_loop3A_159 : vector<16xi32>
          %parallel_loop3A_161 = tpu.dynamic_gather %parallel_loop3A_137[%parallel_loop3A_160] in [0] : vector<16xi32>, vector<16xi32> -> vector<16xi32>
          %parallel_loop3A_162 = arith.select %lt3A_5, %parallel_loop3A_146, %parallel_loop3A_156 : vector<16xi1>, vector<16xf32>
          %parallel_loop3A_163 = arith.select %lt3A_5, %parallel_loop3A_137, %parallel_loop3A_161 : vector<16xi1>, vector<16xi32>
          %parallel_loop3A_164 = arith.select %lt3A_5, %parallel_loop3A_151, %parallel_loop3A_143 : vector<16xi1>, vector<16xf32>
          %parallel_loop3A_165 = arith.select %lt3A_5, %parallel_loop3A_161, %parallel_loop3A_137 : vector<16xi1>, vector<16xi32>
          %parallel_loop3A_166 = arith.constant 17 : i32
          %parallel_loop3A_167 = vector.broadcast %parallel_loop3A_166 : i32 to vector<16xi32>
          %parallel_loop3A_168 = arith.muli %parallel_loop3A_163, %parallel_loop3A_167 : vector<16xi32>
          %parallel_loop3A_169 = arith.addi %parallel_loop3A_168, %iota3A : vector<16xi32>
          tpu.vector_store_idx %arg11[%parallel_loop3A_169], %parallel_loop3A_162 {add = true} : memref<69632xf32, #tpu.memory_space<vmem>>[vector<16xi32>], vector<16xf32>,
          %parallel_loop3A_170 = arith.constant 17 : i32
          %parallel_loop3A_171 = vector.broadcast %parallel_loop3A_170 : i32 to vector<16xi32>
          %parallel_loop3A_172 = arith.muli %parallel_loop3A_165, %parallel_loop3A_171 : vector<16xi32>
          %parallel_loop3A_173 = arith.addi %parallel_loop3A_172, %iota3A : vector<16xi32>
          tpu.vector_store_idx %arg11[%parallel_loop3A_173], %parallel_loop3A_164 {add = true} : memref<69632xf32, #tpu.memory_space<vmem>>[vector<16xi32>], vector<16xf32>,
        } {sc.loop_unroll_factor = 4 : i64, sc.parallel_access}
      } else {
      }
      %mul3A_107 = arith.constant 3 : i32
      %mul3A_108 = arith.muli %mul3A_107, %scan3A_90 : i32
      %add3A_109 = arith.constant 2 : i32
      %add3A_110 = arith.addi %mul3A_108, %add3A_109 : i32
      %lt3A_111 = arith.cmpi slt, %add3A_110, %select_n3A : i32
      %convert_element_type3A_112 = arith.extui %lt3A_111 : i1 to i32
      %cond3A_113 = arith.constant 0 : i32
      %cond3A_114 = arith.cmpi ne, %convert_element_type3A_112, %cond3A_113 : i32
      scf.if %cond3A_114 {
        %add3A_115 = arith.constant 2 : i32
        %add3A_116 = arith.addi %add3A_110, %add3A_115 : i32
        %lt3A_117 = arith.cmpi slt, %add3A_116, %select_n3A : i32
        %convert_element_type3A_118 = arith.extui %lt3A_117 : i1 to i32
        %cond3A_119 = arith.constant 0 : i32
        %cond3A_120 = arith.cmpi ne, %convert_element_type3A_118, %cond3A_119 : i32
        scf.if %cond3A_120 {
          %add3A_133 = arith.constant 2 : i32
          %add3A_134 = arith.addi %add3A_110, %add3A_133 : i32
          %mul3A_135 = arith.constant 32 : i32
          %mul3A_136 = arith.muli %mul3A_135, %add3A_134 : i32
          %add3A_137 = arith.addi %add3A, %mul3A_136 : i32
          %mul3A_138 = arith.constant 4000 : i32
          %mul3A_139 = arith.muli %add3A_137, %mul3A_138 : i32
          %multiple_of3A_140 = tpu.assume_multiple %mul3A_139, 8 : i32
          %dma_start3A = tpu.memref_slice %arg2[%multiple_of3A_140] : memref<1000000xf32, #tpu.memory_space<hbm>> -> memref<4000xf32, #tpu.memory_space<hbm>>
          %dma_start3A_141 = tpu.memref_slice %arg2[%multiple_of3A_140] : memref<1000000xf32, #tpu.memory_space<hbm>> -> memref<4000xf32, #tpu.memory_space<hbm>>
          tpu.enqueue_dma source(%dma_start3A_141 : memref<4000xf32, #tpu.memory_space<hbm>>) target(%arg6 : memref<4000xf32, #tpu.memory_space<vmem>>) target_semaphore(%arg17 : memref<!tpu.dma_semaphore, #tpu.memory_space<semaphore_mem>>)
          %dma_start3A_142 = tpu.memref_slice %arg3[%multiple_of3A_140] : memref<1000000xi32, #tpu.memory_space<hbm>> -> memref<4000xi32, #tpu.memory_space<hbm>>
          %dma_start3A_143 = tpu.memref_slice %arg3[%multiple_of3A_140] : memref<1000000xi32, #tpu.memory_space<hbm>> -> memref<4000xi32, #tpu.memory_space<hbm>>
          tpu.enqueue_dma source(%dma_start3A_143 : memref<4000xi32, #tpu.memory_space<hbm>>) target(%arg9 : memref<4000xi32, #tpu.memory_space<vmem>>) target_semaphore(%arg17 : memref<!tpu.dma_semaphore, #tpu.memory_space<semaphore_mem>>)
        } else {
        }
        %mul3A_121 = arith.constant 32 : i32
        %mul3A_122 = arith.muli %mul3A_121, %add3A_110 : i32
        %add3A_123 = arith.addi %add3A, %mul3A_122 : i32
        %mul3A_124 = arith.constant 4000 : i32
        %mul3A_125 = arith.muli %add3A_123, %mul3A_124 : i32
        %multiple_of3A_126 = tpu.assume_multiple %mul3A_125, 8 : i32
        %dma_wait3A = tpu.memref_slice %arg2[%multiple_of3A_126] : memref<1000000xf32, #tpu.memory_space<hbm>> -> memref<4000xf32, #tpu.memory_space<hbm>>
        %dma_wait3A_127 = tpu.memref_slice %arg2[%multiple_of3A_126] : memref<1000000xf32, #tpu.memory_space<hbm>> -> memref<4000xf32, #tpu.memory_space<hbm>>
        tpu.wait_dma2 semaphore(%arg18 : memref<!tpu.dma_semaphore, #tpu.memory_space<semaphore_mem>>) src(%dma_wait3A_127 : memref<4000xf32, #tpu.memory_space<hbm>>) dst(%arg7 : memref<4000xf32, #tpu.memory_space<vmem>>)
        %dma_wait3A_128 = tpu.memref_slice %arg3[%multiple_of3A_126] : memref<1000000xi32, #tpu.memory_space<hbm>> -> memref<4000xi32, #tpu.memory_space<hbm>>
        %dma_wait3A_129 = tpu.memref_slice %arg3[%multiple_of3A_126] : memref<1000000xi32, #tpu.memory_space<hbm>> -> memref<4000xi32, #tpu.memory_space<hbm>>
        tpu.wait_dma2 semaphore(%arg18 : memref<!tpu.dma_semaphore, #tpu.memory_space<semaphore_mem>>) src(%dma_wait3A_129 : memref<4000xi32, #tpu.memory_space<hbm>>) dst(%arg10 : memref<4000xi32, #tpu.memory_space<vmem>>)
        %parallel_loop3A_130 = arith.constant 0 : i32
        %parallel_loop3A_131 = arith.constant 250 : i32
        %parallel_loop3A_132 = arith.constant 1 : i32
        scf.for %parallel_loop3A_133 = %parallel_loop3A_130 to %parallel_loop3A_131 step %parallel_loop3A_132  : i32 {
          %parallel_loop3A_134 = arith.constant 16 : i32
          %parallel_loop3A_135 = arith.muli %parallel_loop3A_133, %parallel_loop3A_134 : i32
          %parallel_loop3A_136 = arith.index_cast %parallel_loop3A_135 : i32 to index
          %parallel_loop3A_137 = tpu.vector_load %arg10[%parallel_loop3A_136] {strides = array<i32>} : memref<4000xi32, #tpu.memory_space<vmem>>, vector<16xi32>,
          %parallel_loop3A_138 = arith.index_cast %parallel_loop3A_135 : i32 to index
          %parallel_loop3A_139 = tpu.vector_load %arg7[%parallel_loop3A_138] {strides = array<i32>} : memref<4000xf32, #tpu.memory_space<vmem>>, vector<16xf32>,
          %parallel_loop3A_140 = arith.constant 0.000000e+00 : f32
          %parallel_loop3A_141 = vector.broadcast %parallel_loop3A_140 : f32 to vector<16xf32>
          %parallel_loop3A_142 = arith.cmpf oge, %parallel_loop3A_139, %parallel_loop3A_141 : vector<16xf32>
          %parallel_loop3A_143 = arith.select %parallel_loop3A_142, %broadcast_in_dim3A_8, %broadcast_in_dim3A_6 : vector<16xi1>, vector<16xf32>
          %parallel_loop3A_144 = arith.constant 0.000000e+00 : f32
          %parallel_loop3A_145 = vector.broadcast %parallel_loop3A_144 : f32 to vector<16xf32>
          %parallel_loop3A_146 = arith.maximumf %parallel_loop3A_139, %parallel_loop3A_145 : vector<16xf32>
          %parallel_loop3A_147 = arith.constant 15 : i32
          %parallel_loop3A_148 = vector.broadcast %parallel_loop3A_147 : i32 to vector<16xi32>
          %parallel_loop3A_149 = tpu.iota {dimensions = array<i32: 0>} : vector<16xi32>
          %parallel_loop3A_150 = arith.subi %parallel_loop3A_148, %parallel_loop3A_149 : vector<16xi32>
          %parallel_loop3A_151 = tpu.dynamic_gather %parallel_loop3A_146[%parallel_loop3A_150] in [0] : vector<16xf32>, vector<16xi32> -> vector<16xf32>
          %parallel_loop3A_152 = arith.constant 15 : i32
          %parallel_loop3A_153 = vector.broadcast %parallel_loop3A_152 : i32 to vector<16xi32>
          %parallel_loop3A_154 = tpu.iota {dimensions = array<i32: 0>} : vector<16xi32>
          %parallel_loop3A_155 = arith.subi %parallel_loop3A_153, %parallel_loop3A_154 : vector<16xi32>
          %parallel_loop3A_156 = tpu.dynamic_gather %parallel_loop3A_143[%parallel_loop3A_155] in [0] : vector<16xf32>, vector<16xi32> -> vector<16xf32>
          %parallel_loop3A_157 = arith.constant 15 : i32
          %parallel_loop3A_158 = vector.broadcast %parallel_loop3A_157 : i32 to vector<16xi32>
          %parallel_loop3A_159 = tpu.iota {dimensions = array<i32: 0>} : vector<16xi32>
          %parallel_loop3A_160 = arith.subi %parallel_loop3A_158, %parallel_loop3A_159 : vector<16xi32>
          %parallel_loop3A_161 = tpu.dynamic_gather %parallel_loop3A_137[%parallel_loop3A_160] in [0] : vector<16xi32>, vector<16xi32> -> vector<16xi32>
          %parallel_loop3A_162 = arith.select %lt3A_5, %parallel_loop3A_146, %parallel_loop3A_156 : vector<16xi1>, vector<16xf32>
          %parallel_loop3A_163 = arith.select %lt3A_5, %parallel_loop3A_137, %parallel_loop3A_161 : vector<16xi1>, vector<16xi32>
          %parallel_loop3A_164 = arith.select %lt3A_5, %parallel_loop3A_151, %parallel_loop3A_143 : vector<16xi1>, vector<16xf32>
          %parallel_loop3A_165 = arith.select %lt3A_5, %parallel_loop3A_161, %parallel_loop3A_137 : vector<16xi1>, vector<16xi32>
          %parallel_loop3A_166 = arith.constant 17 : i32
          %parallel_loop3A_167 = vector.broadcast %parallel_loop3A_166 : i32 to vector<16xi32>
          %parallel_loop3A_168 = arith.muli %parallel_loop3A_163, %parallel_loop3A_167 : vector<16xi32>
          %parallel_loop3A_169 = arith.addi %parallel_loop3A_168, %iota3A : vector<16xi32>
          tpu.vector_store_idx %arg11[%parallel_loop3A_169], %parallel_loop3A_162 {add = true} : memref<69632xf32, #tpu.memory_space<vmem>>[vector<16xi32>], vector<16xf32>,
          %parallel_loop3A_170 = arith.constant 17 : i32
          %parallel_loop3A_171 = vector.broadcast %parallel_loop3A_170 : i32 to vector<16xi32>
          %parallel_loop3A_172 = arith.muli %parallel_loop3A_165, %parallel_loop3A_171 : vector<16xi32>
          %parallel_loop3A_173 = arith.addi %parallel_loop3A_172, %iota3A : vector<16xi32>
          tpu.vector_store_idx %arg11[%parallel_loop3A_173], %parallel_loop3A_164 {add = true} : memref<69632xf32, #tpu.memory_space<vmem>>[vector<16xi32>], vector<16xf32>,
        } {sc.loop_unroll_factor = 4 : i64, sc.parallel_access}
      } else {
      }
    }
    %scan3A_25 = arith.constant 3 : i32
    %parallel_loop3A_26 = arith.constant 0 : i32
    %parallel_loop3A_27 = arith.constant 256 : i32
    %parallel_loop3A_28 = arith.constant 1 : i32
    scf.for %parallel_loop3A_90 = %parallel_loop3A_26 to %parallel_loop3A_27 step %parallel_loop3A_28  : i32 {
      %parallel_loop3A_91 = arith.constant 16 : i32
      %parallel_loop3A_92 = arith.muli %parallel_loop3A_90, %parallel_loop3A_91 : i32
      %parallel_loop3A_93 = arith.constant 272 : i32
      %parallel_loop3A_94 = arith.muli %parallel_loop3A_90, %parallel_loop3A_93 : i32
      %parallel_loop3A_95 = vector.broadcast %parallel_loop3A_94 : i32 to vector<16xi32>
      %parallel_loop3A_96 = arith.addi %parallel_loop3A_95, %mul3A_3 : vector<16xi32>
      %parallel_loop3A_97 = tpu.vector_load_idx %arg11[%parallel_loop3A_96] : memref<69632xf32, #tpu.memory_space<vmem>>[vector<16xi32>], vector<16xf32>,
      %parallel_loop3A_98 = arith.constant 1 : i32
      %parallel_loop3A_99 = vector.broadcast %parallel_loop3A_98 : i32 to vector<16xi32>
      %parallel_loop3A_100 = arith.addi %parallel_loop3A_96, %parallel_loop3A_99 : vector<16xi32>
      %parallel_loop3A_101 = tpu.vector_load_idx %arg11[%parallel_loop3A_100] : memref<69632xf32, #tpu.memory_space<vmem>>[vector<16xi32>], vector<16xf32>,
      %parallel_loop3A_102 = arith.addf %parallel_loop3A_97, %parallel_loop3A_101 : vector<16xf32>
      %parallel_loop3A_103 = arith.constant 2 : i32
      %parallel_loop3A_104 = vector.broadcast %parallel_loop3A_103 : i32 to vector<16xi32>
      %parallel_loop3A_105 = arith.addi %parallel_loop3A_96, %parallel_loop3A_104 : vector<16xi32>
      %parallel_loop3A_106 = tpu.vector_load_idx %arg11[%parallel_loop3A_105] : memref<69632xf32, #tpu.memory_space<vmem>>[vector<16xi32>], vector<16xf32>,
      %parallel_loop3A_107 = arith.addf %parallel_loop3A_102, %parallel_loop3A_106 : vector<16xf32>
      %parallel_loop3A_108 = arith.constant 3 : i32
      %parallel_loop3A_109 = vector.broadcast %parallel_loop3A_108 : i32 to vector<16xi32>
      %parallel_loop3A_110 = arith.addi %parallel_loop3A_96, %parallel_loop3A_109 : vector<16xi32>
      %parallel_loop3A_111 = tpu.vector_load_idx %arg11[%parallel_loop3A_110] : memref<69632xf32, #tpu.memory_space<vmem>>[vector<16xi32>], vector<16xf32>,
      %parallel_loop3A_112 = arith.addf %parallel_loop3A_107, %parallel_loop3A_111 : vector<16xf32>
      %parallel_loop3A_113 = arith.constant 4 : i32
      %parallel_loop3A_114 = vector.broadcast %parallel_loop3A_113 : i32 to vector<16xi32>
      %parallel_loop3A_115 = arith.addi %parallel_loop3A_96, %parallel_loop3A_114 : vector<16xi32>
      %parallel_loop3A_116 = tpu.vector_load_idx %arg11[%parallel_loop3A_115] : memref<69632xf32, #tpu.memory_space<vmem>>[vector<16xi32>], vector<16xf32>,
      %parallel_loop3A_117 = arith.addf %parallel_loop3A_112, %parallel_loop3A_116 : vector<16xf32>
      %parallel_loop3A_118 = arith.constant 5 : i32
      %parallel_loop3A_119 = vector.broadcast %parallel_loop3A_118 : i32 to vector<16xi32>
      %parallel_loop3A_120 = arith.addi %parallel_loop3A_96, %parallel_loop3A_119 : vector<16xi32>
      %parallel_loop3A_121 = tpu.vector_load_idx %arg11[%parallel_loop3A_120] : memref<69632xf32, #tpu.memory_space<vmem>>[vector<16xi32>], vector<16xf32>,
      %parallel_loop3A_122 = arith.addf %parallel_loop3A_117, %parallel_loop3A_121 : vector<16xf32>
      %parallel_loop3A_123 = arith.constant 6 : i32
      %parallel_loop3A_124 = vector.broadcast %parallel_loop3A_123 : i32 to vector<16xi32>
      %parallel_loop3A_125 = arith.addi %parallel_loop3A_96, %parallel_loop3A_124 : vector<16xi32>
      %parallel_loop3A_126 = tpu.vector_load_idx %arg11[%parallel_loop3A_125] : memref<69632xf32, #tpu.memory_space<vmem>>[vector<16xi32>], vector<16xf32>,
      %parallel_loop3A_127 = arith.addf %parallel_loop3A_122, %parallel_loop3A_126 : vector<16xf32>
      %parallel_loop3A_128 = arith.constant 7 : i32
      %parallel_loop3A_129 = vector.broadcast %parallel_loop3A_128 : i32 to vector<16xi32>
      %parallel_loop3A_130 = arith.addi %parallel_loop3A_96, %parallel_loop3A_129 : vector<16xi32>
      %parallel_loop3A_131 = tpu.vector_load_idx %arg11[%parallel_loop3A_130] : memref<69632xf32, #tpu.memory_space<vmem>>[vector<16xi32>], vector<16xf32>,
      %parallel_loop3A_132 = arith.addf %parallel_loop3A_127, %parallel_loop3A_131 : vector<16xf32>
      %parallel_loop3A_133 = arith.constant 8 : i32
      %parallel_loop3A_134 = vector.broadcast %parallel_loop3A_133 : i32 to vector<16xi32>
      %parallel_loop3A_135 = arith.addi %parallel_loop3A_96, %parallel_loop3A_134 : vector<16xi32>
      %parallel_loop3A_136 = tpu.vector_load_idx %arg11[%parallel_loop3A_135] : memref<69632xf32, #tpu.memory_space<vmem>>[vector<16xi32>], vector<16xf32>,
      %parallel_loop3A_137 = arith.constant 9 : i32
      %parallel_loop3A_138 = vector.broadcast %parallel_loop3A_137 : i32 to vector<16xi32>
      %parallel_loop3A_139 = arith.addi %parallel_loop3A_96, %parallel_loop3A_138 : vector<16xi32>
      %parallel_loop3A_140 = tpu.vector_load_idx %arg11[%parallel_loop3A_139] : memref<69632xf32, #tpu.memory_space<vmem>>[vector<16xi32>], vector<16xf32>,
      %parallel_loop3A_141 = arith.addf %parallel_loop3A_136, %parallel_loop3A_140 : vector<16xf32>
      %parallel_loop3A_142 = arith.constant 10 : i32
      %parallel_loop3A_143 = vector.broadcast %parallel_loop3A_142 : i32 to vector<16xi32>
      %parallel_loop3A_144 = arith.addi %parallel_loop3A_96, %parallel_loop3A_143 : vector<16xi32>
      %parallel_loop3A_145 = tpu.vector_load_idx %arg11[%parallel_loop3A_144] : memref<69632xf32, #tpu.memory_space<vmem>>[vector<16xi32>], vector<16xf32>,
      %parallel_loop3A_146 = arith.addf %parallel_loop3A_141, %parallel_loop3A_145 : vector<16xf32>
      %parallel_loop3A_147 = arith.constant 11 : i32
      %parallel_loop3A_148 = vector.broadcast %parallel_loop3A_147 : i32 to vector<16xi32>
      %parallel_loop3A_149 = arith.addi %parallel_loop3A_96, %parallel_loop3A_148 : vector<16xi32>
      %parallel_loop3A_150 = tpu.vector_load_idx %arg11[%parallel_loop3A_149] : memref<69632xf32, #tpu.memory_space<vmem>>[vector<16xi32>], vector<16xf32>,
      %parallel_loop3A_151 = arith.addf %parallel_loop3A_146, %parallel_loop3A_150 : vector<16xf32>
      %parallel_loop3A_152 = arith.constant 12 : i32
      %parallel_loop3A_153 = vector.broadcast %parallel_loop3A_152 : i32 to vector<16xi32>
      %parallel_loop3A_154 = arith.addi %parallel_loop3A_96, %parallel_loop3A_153 : vector<16xi32>
      %parallel_loop3A_155 = tpu.vector_load_idx %arg11[%parallel_loop3A_154] : memref<69632xf32, #tpu.memory_space<vmem>>[vector<16xi32>], vector<16xf32>,
      %parallel_loop3A_156 = arith.addf %parallel_loop3A_151, %parallel_loop3A_155 : vector<16xf32>
      %parallel_loop3A_157 = arith.constant 13 : i32
      %parallel_loop3A_158 = vector.broadcast %parallel_loop3A_157 : i32 to vector<16xi32>
      %parallel_loop3A_159 = arith.addi %parallel_loop3A_96, %parallel_loop3A_158 : vector<16xi32>
      %parallel_loop3A_160 = tpu.vector_load_idx %arg11[%parallel_loop3A_159] : memref<69632xf32, #tpu.memory_space<vmem>>[vector<16xi32>], vector<16xf32>,
      %parallel_loop3A_161 = arith.addf %parallel_loop3A_156, %parallel_loop3A_160 : vector<16xf32>
      %parallel_loop3A_162 = arith.constant 14 : i32
      %parallel_loop3A_163 = vector.broadcast %parallel_loop3A_162 : i32 to vector<16xi32>
      %parallel_loop3A_164 = arith.addi %parallel_loop3A_96, %parallel_loop3A_163 : vector<16xi32>
      %parallel_loop3A_165 = tpu.vector_load_idx %arg11[%parallel_loop3A_164] : memref<69632xf32, #tpu.memory_space<vmem>>[vector<16xi32>], vector<16xf32>,
      %parallel_loop3A_166 = arith.addf %parallel_loop3A_161, %parallel_loop3A_165 : vector<16xf32>
      %parallel_loop3A_167 = arith.constant 15 : i32
      %parallel_loop3A_168 = vector.broadcast %parallel_loop3A_167 : i32 to vector<16xi32>
      %parallel_loop3A_169 = arith.addi %parallel_loop3A_96, %parallel_loop3A_168 : vector<16xi32>
      %parallel_loop3A_170 = tpu.vector_load_idx %arg11[%parallel_loop3A_169] : memref<69632xf32, #tpu.memory_space<vmem>>[vector<16xi32>], vector<16xf32>,
      %parallel_loop3A_171 = arith.addf %parallel_loop3A_166, %parallel_loop3A_170 : vector<16xf32>
      %parallel_loop3A_172 = arith.constant 0 : i32
      %parallel_loop3A_173 = arith.index_cast %parallel_loop3A_172 : i32 to index
      %parallel_loop3A_174 = arith.index_cast %parallel_loop3A_92 : i32 to index
      %parallel_loop3A_175 = tpu.vector_load %arg12[%parallel_loop3A_173, %parallel_loop3A_174] {strides = array<i32>} : memref<2x4096xf32, #tpu.memory_space<vmem>>, vector<16xf32>,
      tpu.vector_store %arg12[%parallel_loop3A_173, %parallel_loop3A_174], %parallel_loop3A_132 {strides = array<i32>} : memref<2x4096xf32, #tpu.memory_space<vmem>>, vector<16xf32>,
      %parallel_loop3A_176 = arith.constant 1 : i32
      %parallel_loop3A_177 = arith.index_cast %parallel_loop3A_176 : i32 to index
      %parallel_loop3A_178 = arith.index_cast %parallel_loop3A_92 : i32 to index
      %parallel_loop3A_179 = tpu.vector_load %arg12[%parallel_loop3A_177, %parallel_loop3A_178] {strides = array<i32>} : memref<2x4096xf32, #tpu.memory_space<vmem>>, vector<16xf32>,
      tpu.vector_store %arg12[%parallel_loop3A_177, %parallel_loop3A_178], %parallel_loop3A_171 {strides = array<i32>} : memref<2x4096xf32, #tpu.memory_space<vmem>>, vector<16xf32>,
    } {sc.loop_unroll_factor = 2 : i64, sc.parallel_access}
    "tpu.region"() ({
      %run_scoped3A_90 = tpu.sem_alloc : memref<!tpu.dma_semaphore, #tpu.memory_space<semaphore_mem>>
      %dma_start3A = arith.constant 0 : i32
      %dma_start3A_91 = arith.constant 0 : i32
      %dma_start3A_92 = tpu.memref_slice %arg15[%arg1, %dma_start3A, %dma_start3A_91] : memref<16x2x4096xf32, #tpu.memory_space<vmem_shared>> -> memref<1x2x4096xf32, #tpu.memory_space<vmem_shared>>
      %dma_start3A_93 = tpu.memref_squeeze %dma_start3A_92 : memref<1x2x4096xf32, #tpu.memory_space<vmem_shared>> -> memref<2x4096xf32, #tpu.memory_space<vmem_shared>>
      %dma_start3A_94 = arith.constant 0 : i32
      %dma_start3A_95 = arith.constant 0 : i32
      %dma_start3A_96 = tpu.memref_slice %arg15[%arg1, %dma_start3A_94, %dma_start3A_95] : memref<16x2x4096xf32, #tpu.memory_space<vmem_shared>> -> memref<1x2x4096xf32, #tpu.memory_space<vmem_shared>>
      %dma_start3A_97 = tpu.memref_squeeze %dma_start3A_96 : memref<1x2x4096xf32, #tpu.memory_space<vmem_shared>> -> memref<2x4096xf32, #tpu.memory_space<vmem_shared>>
      tpu.enqueue_dma source(%arg12 : memref<2x4096xf32, #tpu.memory_space<vmem>>) target(%dma_start3A_97 : memref<2x4096xf32, #tpu.memory_space<vmem_shared>>) target_semaphore(%run_scoped3A_90 : memref<!tpu.dma_semaphore, #tpu.memory_space<semaphore_mem>>)
      %dma_wait3A = arith.constant 0 : i32
      %dma_wait3A_98 = arith.constant 0 : i32
      %dma_wait3A_99 = tpu.memref_slice %arg15[%arg1, %dma_wait3A, %dma_wait3A_98] : memref<16x2x4096xf32, #tpu.memory_space<vmem_shared>> -> memref<1x2x4096xf32, #tpu.memory_space<vmem_shared>>
      %dma_wait3A_100 = tpu.memref_squeeze %dma_wait3A_99 : memref<1x2x4096xf32, #tpu.memory_space<vmem_shared>> -> memref<2x4096xf32, #tpu.memory_space<vmem_shared>>
      %dma_wait3A_101 = arith.constant 0 : i32
      %dma_wait3A_102 = arith.constant 0 : i32
      %dma_wait3A_103 = tpu.memref_slice %arg15[%arg1, %dma_wait3A_101, %dma_wait3A_102] : memref<16x2x4096xf32, #tpu.memory_space<vmem_shared>> -> memref<1x2x4096xf32, #tpu.memory_space<vmem_shared>>
      %dma_wait3A_104 = tpu.memref_squeeze %dma_wait3A_103 : memref<1x2x4096xf32, #tpu.memory_space<vmem_shared>> -> memref<2x4096xf32, #tpu.memory_space<vmem_shared>>
      tpu.wait_dma2 semaphore(%run_scoped3A_90 : memref<!tpu.dma_semaphore, #tpu.memory_space<semaphore_mem>>) src(%arg12 : memref<2x4096xf32, #tpu.memory_space<vmem>>) dst(%dma_wait3A_104 : memref<2x4096xf32, #tpu.memory_space<vmem_shared>>)
      tpu.yield
    }) : () -> ()
    %barrier3A = arith.constant 0 : index
    tpu.barrier barrier_id(%barrier3A)
    %mul3A_29 = arith.constant 256 : i32
    %mul3A_30 = arith.muli %arg1, %mul3A_29 : i32
    %multiple_of3A = tpu.assume_multiple %mul3A_30, 8 : i32
    %run_scoped3A = arith.constant 0 : i32
    %run_scoped3A_31 = arith.constant 0 : i32
    "tpu.region"() ({
      %run_scoped3A_90 = tpu.sem_alloc : memref<!tpu.dma_semaphore, #tpu.memory_space<semaphore_mem>>
      %dma_start3A = arith.constant 0 : i32
      %dma_start3A_91 = arith.constant 0 : i32
      %dma_start3A_92 = tpu.memref_slice %arg13[%run_scoped3A_31, %dma_start3A, %dma_start3A_91] : memref<16x2x256xf32, #tpu.memory_space<vmem>> -> memref<1x2x256xf32, #tpu.memory_space<vmem>>
      %dma_start3A_93 = tpu.memref_squeeze %dma_start3A_92 : memref<1x2x256xf32, #tpu.memory_space<vmem>> -> memref<2x256xf32, #tpu.memory_space<vmem>>
      %dma_start3A_94 = arith.constant 0 : i32
      %dma_start3A_95 = tpu.memref_slice %arg15[%run_scoped3A, %dma_start3A_94, %multiple_of3A] : memref<16x2x4096xf32, #tpu.memory_space<vmem_shared>> -> memref<1x2x256xf32, #tpu.memory_space<vmem_shared>>
      %dma_start3A_96 = tpu.memref_squeeze %dma_start3A_95 : memref<1x2x256xf32, #tpu.memory_space<vmem_shared>> -> memref<2x256xf32, #tpu.memory_space<vmem_shared>>
      %dma_start3A_97 = arith.constant 0 : i32
      %dma_start3A_98 = arith.constant 0 : i32
      %dma_start3A_99 = tpu.memref_slice %arg13[%run_scoped3A_31, %dma_start3A_97, %dma_start3A_98] : memref<16x2x256xf32, #tpu.memory_space<vmem>> -> memref<1x2x256xf32, #tpu.memory_space<vmem>>
      %dma_start3A_100 = tpu.memref_squeeze %dma_start3A_99 : memref<1x2x256xf32, #tpu.memory_space<vmem>> -> memref<2x256xf32, #tpu.memory_space<vmem>>
      %dma_start3A_101 = arith.constant 0 : i32
      %dma_start3A_102 = tpu.memref_slice %arg15[%run_scoped3A, %dma_start3A_101, %multiple_of3A] : memref<16x2x4096xf32, #tpu.memory_space<vmem_shared>> -> memref<1x2x256xf32, #tpu.memory_space<vmem_shared>>
      %dma_start3A_103 = tpu.memref_squeeze %dma_start3A_102 : memref<1x2x256xf32, #tpu.memory_space<vmem_shared>> -> memref<2x256xf32, #tpu.memory_space<vmem_shared>>
      tpu.enqueue_dma source(%dma_start3A_103 : memref<2x256xf32, #tpu.memory_space<vmem_shared>>) target(%dma_start3A_100 : memref<2x256xf32, #tpu.memory_space<vmem>>) target_semaphore(%run_scoped3A_90 : memref<!tpu.dma_semaphore, #tpu.memory_space<semaphore_mem>>)
      %dma_wait3A = arith.constant 0 : i32
      %dma_wait3A_104 = arith.constant 0 : i32
      %dma_wait3A_105 = tpu.memref_slice %arg13[%run_scoped3A_31, %dma_wait3A, %dma_wait3A_104] : memref<16x2x256xf32, #tpu.memory_space<vmem>> -> memref<1x2x256xf32, #tpu.memory_space<vmem>>
      %dma_wait3A_106 = tpu.memref_squeeze %dma_wait3A_105 : memref<1x2x256xf32, #tpu.memory_space<vmem>> -> memref<2x256xf32, #tpu.memory_space<vmem>>
      %dma_wait3A_107 = arith.constant 0 : i32
      %dma_wait3A_108 = tpu.memref_slice %arg15[%run_scoped3A, %dma_wait3A_107, %multiple_of3A] : memref<16x2x4096xf32, #tpu.memory_space<vmem_shared>> -> memref<1x2x256xf32, #tpu.memory_space<vmem_shared>>
      %dma_wait3A_109 = tpu.memref_squeeze %dma_wait3A_108 : memref<1x2x256xf32, #tpu.memory_space<vmem_shared>> -> memref<2x256xf32, #tpu.memory_space<vmem_shared>>
      %dma_wait3A_110 = arith.constant 0 : i32
      %dma_wait3A_111 = arith.constant 0 : i32
      %dma_wait3A_112 = tpu.memref_slice %arg13[%run_scoped3A_31, %dma_wait3A_110, %dma_wait3A_111] : memref<16x2x256xf32, #tpu.memory_space<vmem>> -> memref<1x2x256xf32, #tpu.memory_space<vmem>>
      %dma_wait3A_113 = tpu.memref_squeeze %dma_wait3A_112 : memref<1x2x256xf32, #tpu.memory_space<vmem>> -> memref<2x256xf32, #tpu.memory_space<vmem>>
      %dma_wait3A_114 = arith.constant 0 : i32
      %dma_wait3A_115 = tpu.memref_slice %arg15[%run_scoped3A, %dma_wait3A_114, %multiple_of3A] : memref<16x2x4096xf32, #tpu.memory_space<vmem_shared>> -> memref<1x2x256xf32, #tpu.memory_space<vmem_shared>>
      %dma_wait3A_116 = tpu.memref_squeeze %dma_wait3A_115 : memref<1x2x256xf32, #tpu.memory_space<vmem_shared>> -> memref<2x256xf32, #tpu.memory_space<vmem_shared>>
      tpu.wait_dma2 semaphore(%run_scoped3A_90 : memref<!tpu.dma_semaphore, #tpu.memory_space<semaphore_mem>>) src(%dma_wait3A_116 : memref<2x256xf32, #tpu.memory_space<vmem_shared>>) dst(%dma_wait3A_113 : memref<2x256xf32, #tpu.memory_space<vmem>>)
      tpu.yield
    }) : () -> ()
    %run_scoped3A_32 = arith.constant 1 : i32
    %run_scoped3A_33 = arith.constant 1 : i32
    "tpu.region"() ({
      %run_scoped3A_90 = tpu.sem_alloc : memref<!tpu.dma_semaphore, #tpu.memory_space<semaphore_mem>>
      %dma_start3A = arith.constant 0 : i32
      %dma_start3A_91 = arith.constant 0 : i32
      %dma_start3A_92 = tpu.memref_slice %arg13[%run_scoped3A_33, %dma_start3A, %dma_start3A_91] : memref<16x2x256xf32, #tpu.memory_space<vmem>> -> memref<1x2x256xf32, #tpu.memory_space<vmem>>
      %dma_start3A_93 = tpu.memref_squeeze %dma_start3A_92 : memref<1x2x256xf32, #tpu.memory_space<vmem>> -> memref<2x256xf32, #tpu.memory_space<vmem>>
      %dma_start3A_94 = arith.constant 0 : i32
      %dma_start3A_95 = tpu.memref_slice %arg15[%run_scoped3A_32, %dma_start3A_94, %multiple_of3A] : memref<16x2x4096xf32, #tpu.memory_space<vmem_shared>> -> memref<1x2x256xf32, #tpu.memory_space<vmem_shared>>
      %dma_start3A_96 = tpu.memref_squeeze %dma_start3A_95 : memref<1x2x256xf32, #tpu.memory_space<vmem_shared>> -> memref<2x256xf32, #tpu.memory_space<vmem_shared>>
      %dma_start3A_97 = arith.constant 0 : i32
      %dma_start3A_98 = arith.constant 0 : i32
      %dma_start3A_99 = tpu.memref_slice %arg13[%run_scoped3A_33, %dma_start3A_97, %dma_start3A_98] : memref<16x2x256xf32, #tpu.memory_space<vmem>> -> memref<1x2x256xf32, #tpu.memory_space<vmem>>
      %dma_start3A_100 = tpu.memref_squeeze %dma_start3A_99 : memref<1x2x256xf32, #tpu.memory_space<vmem>> -> memref<2x256xf32, #tpu.memory_space<vmem>>
      %dma_start3A_101 = arith.constant 0 : i32
      %dma_start3A_102 = tpu.memref_slice %arg15[%run_scoped3A_32, %dma_start3A_101, %multiple_of3A] : memref<16x2x4096xf32, #tpu.memory_space<vmem_shared>> -> memref<1x2x256xf32, #tpu.memory_space<vmem_shared>>
      %dma_start3A_103 = tpu.memref_squeeze %dma_start3A_102 : memref<1x2x256xf32, #tpu.memory_space<vmem_shared>> -> memref<2x256xf32, #tpu.memory_space<vmem_shared>>
      tpu.enqueue_dma source(%dma_start3A_103 : memref<2x256xf32, #tpu.memory_space<vmem_shared>>) target(%dma_start3A_100 : memref<2x256xf32, #tpu.memory_space<vmem>>) target_semaphore(%run_scoped3A_90 : memref<!tpu.dma_semaphore, #tpu.memory_space<semaphore_mem>>)
      %dma_wait3A = arith.constant 0 : i32
      %dma_wait3A_104 = arith.constant 0 : i32
      %dma_wait3A_105 = tpu.memref_slice %arg13[%run_scoped3A_33, %dma_wait3A, %dma_wait3A_104] : memref<16x2x256xf32, #tpu.memory_space<vmem>> -> memref<1x2x256xf32, #tpu.memory_space<vmem>>
      %dma_wait3A_106 = tpu.memref_squeeze %dma_wait3A_105 : memref<1x2x256xf32, #tpu.memory_space<vmem>> -> memref<2x256xf32, #tpu.memory_space<vmem>>
      %dma_wait3A_107 = arith.constant 0 : i32
      %dma_wait3A_108 = tpu.memref_slice %arg15[%run_scoped3A_32, %dma_wait3A_107, %multiple_of3A] : memref<16x2x4096xf32, #tpu.memory_space<vmem_shared>> -> memref<1x2x256xf32, #tpu.memory_space<vmem_shared>>
      %dma_wait3A_109 = tpu.memref_squeeze %dma_wait3A_108 : memref<1x2x256xf32, #tpu.memory_space<vmem_shared>> -> memref<2x256xf32, #tpu.memory_space<vmem_shared>>
      %dma_wait3A_110 = arith.constant 0 : i32
      %dma_wait3A_111 = arith.constant 0 : i32
      %dma_wait3A_112 = tpu.memref_slice %arg13[%run_scoped3A_33, %dma_wait3A_110, %dma_wait3A_111] : memref<16x2x256xf32, #tpu.memory_space<vmem>> -> memref<1x2x256xf32, #tpu.memory_space<vmem>>
      %dma_wait3A_113 = tpu.memref_squeeze %dma_wait3A_112 : memref<1x2x256xf32, #tpu.memory_space<vmem>> -> memref<2x256xf32, #tpu.memory_space<vmem>>
      %dma_wait3A_114 = arith.constant 0 : i32
      %dma_wait3A_115 = tpu.memref_slice %arg15[%run_scoped3A_32, %dma_wait3A_114, %multiple_of3A] : memref<16x2x4096xf32, #tpu.memory_space<vmem_shared>> -> memref<1x2x256xf32, #tpu.memory_space<vmem_shared>>
      %dma_wait3A_116 = tpu.memref_squeeze %dma_wait3A_115 : memref<1x2x256xf32, #tpu.memory_space<vmem_shared>> -> memref<2x256xf32, #tpu.memory_space<vmem_shared>>
      tpu.wait_dma2 semaphore(%run_scoped3A_90 : memref<!tpu.dma_semaphore, #tpu.memory_space<semaphore_mem>>) src(%dma_wait3A_116 : memref<2x256xf32, #tpu.memory_space<vmem_shared>>) dst(%dma_wait3A_113 : memref<2x256xf32, #tpu.memory_space<vmem>>)
      tpu.yield
    }) : () -> ()
    %run_scoped3A_34 = arith.constant 2 : i32
    %run_scoped3A_35 = arith.constant 2 : i32
    "tpu.region"() ({
      %run_scoped3A_90 = tpu.sem_alloc : memref<!tpu.dma_semaphore, #tpu.memory_space<semaphore_mem>>
      %dma_start3A = arith.constant 0 : i32
      %dma_start3A_91 = arith.constant 0 : i32
      %dma_start3A_92 = tpu.memref_slice %arg13[%run_scoped3A_35, %dma_start3A, %dma_start3A_91] : memref<16x2x256xf32, #tpu.memory_space<vmem>> -> memref<1x2x256xf32, #tpu.memory_space<vmem>>
      %dma_start3A_93 = tpu.memref_squeeze %dma_start3A_92 : memref<1x2x256xf32, #tpu.memory_space<vmem>> -> memref<2x256xf32, #tpu.memory_space<vmem>>
      %dma_start3A_94 = arith.constant 0 : i32
      %dma_start3A_95 = tpu.memref_slice %arg15[%run_scoped3A_34, %dma_start3A_94, %multiple_of3A] : memref<16x2x4096xf32, #tpu.memory_space<vmem_shared>> -> memref<1x2x256xf32, #tpu.memory_space<vmem_shared>>
      %dma_start3A_96 = tpu.memref_squeeze %dma_start3A_95 : memref<1x2x256xf32, #tpu.memory_space<vmem_shared>> -> memref<2x256xf32, #tpu.memory_space<vmem_shared>>
      %dma_start3A_97 = arith.constant 0 : i32
      %dma_start3A_98 = arith.constant 0 : i32
      %dma_start3A_99 = tpu.memref_slice %arg13[%run_scoped3A_35, %dma_start3A_97, %dma_start3A_98] : memref<16x2x256xf32, #tpu.memory_space<vmem>> -> memref<1x2x256xf32, #tpu.memory_space<vmem>>
      %dma_start3A_100 = tpu.memref_squeeze %dma_start3A_99 : memref<1x2x256xf32, #tpu.memory_space<vmem>> -> memref<2x256xf32, #tpu.memory_space<vmem>>
      %dma_start3A_101 = arith.constant 0 : i32
      %dma_start3A_102 = tpu.memref_slice %arg15[%run_scoped3A_34, %dma_start3A_101, %multiple_of3A] : memref<16x2x4096xf32, #tpu.memory_space<vmem_shared>> -> memref<1x2x256xf32, #tpu.memory_space<vmem_shared>>
      %dma_start3A_103 = tpu.memref_squeeze %dma_start3A_102 : memref<1x2x256xf32, #tpu.memory_space<vmem_shared>> -> memref<2x256xf32, #tpu.memory_space<vmem_shared>>
      tpu.enqueue_dma source(%dma_start3A_103 : memref<2x256xf32, #tpu.memory_space<vmem_shared>>) target(%dma_start3A_100 : memref<2x256xf32, #tpu.memory_space<vmem>>) target_semaphore(%run_scoped3A_90 : memref<!tpu.dma_semaphore, #tpu.memory_space<semaphore_mem>>)
      %dma_wait3A = arith.constant 0 : i32
      %dma_wait3A_104 = arith.constant 0 : i32
      %dma_wait3A_105 = tpu.memref_slice %arg13[%run_scoped3A_35, %dma_wait3A, %dma_wait3A_104] : memref<16x2x256xf32, #tpu.memory_space<vmem>> -> memref<1x2x256xf32, #tpu.memory_space<vmem>>
      %dma_wait3A_106 = tpu.memref_squeeze %dma_wait3A_105 : memref<1x2x256xf32, #tpu.memory_space<vmem>> -> memref<2x256xf32, #tpu.memory_space<vmem>>
      %dma_wait3A_107 = arith.constant 0 : i32
      %dma_wait3A_108 = tpu.memref_slice %arg15[%run_scoped3A_34, %dma_wait3A_107, %multiple_of3A] : memref<16x2x4096xf32, #tpu.memory_space<vmem_shared>> -> memref<1x2x256xf32, #tpu.memory_space<vmem_shared>>
      %dma_wait3A_109 = tpu.memref_squeeze %dma_wait3A_108 : memref<1x2x256xf32, #tpu.memory_space<vmem_shared>> -> memref<2x256xf32, #tpu.memory_space<vmem_shared>>
      %dma_wait3A_110 = arith.constant 0 : i32
      %dma_wait3A_111 = arith.constant 0 : i32
      %dma_wait3A_112 = tpu.memref_slice %arg13[%run_scoped3A_35, %dma_wait3A_110, %dma_wait3A_111] : memref<16x2x256xf32, #tpu.memory_space<vmem>> -> memref<1x2x256xf32, #tpu.memory_space<vmem>>
      %dma_wait3A_113 = tpu.memref_squeeze %dma_wait3A_112 : memref<1x2x256xf32, #tpu.memory_space<vmem>> -> memref<2x256xf32, #tpu.memory_space<vmem>>
      %dma_wait3A_114 = arith.constant 0 : i32
      %dma_wait3A_115 = tpu.memref_slice %arg15[%run_scoped3A_34, %dma_wait3A_114, %multiple_of3A] : memref<16x2x4096xf32, #tpu.memory_space<vmem_shared>> -> memref<1x2x256xf32, #tpu.memory_space<vmem_shared>>
      %dma_wait3A_116 = tpu.memref_squeeze %dma_wait3A_115 : memref<1x2x256xf32, #tpu.memory_space<vmem_shared>> -> memref<2x256xf32, #tpu.memory_space<vmem_shared>>
      tpu.wait_dma2 semaphore(%run_scoped3A_90 : memref<!tpu.dma_semaphore, #tpu.memory_space<semaphore_mem>>) src(%dma_wait3A_116 : memref<2x256xf32, #tpu.memory_space<vmem_shared>>) dst(%dma_wait3A_113 : memref<2x256xf32, #tpu.memory_space<vmem>>)
      tpu.yield
    }) : () -> ()
    %run_scoped3A_36 = arith.constant 3 : i32
    %run_scoped3A_37 = arith.constant 3 : i32
    "tpu.region"() ({
      %run_scoped3A_90 = tpu.sem_alloc : memref<!tpu.dma_semaphore, #tpu.memory_space<semaphore_mem>>
      %dma_start3A = arith.constant 0 : i32
      %dma_start3A_91 = arith.constant 0 : i32
      %dma_start3A_92 = tpu.memref_slice %arg13[%run_scoped3A_37, %dma_start3A, %dma_start3A_91] : memref<16x2x256xf32, #tpu.memory_space<vmem>> -> memref<1x2x256xf32, #tpu.memory_space<vmem>>
      %dma_start3A_93 = tpu.memref_squeeze %dma_start3A_92 : memref<1x2x256xf32, #tpu.memory_space<vmem>> -> memref<2x256xf32, #tpu.memory_space<vmem>>
      %dma_start3A_94 = arith.constant 0 : i32
      %dma_start3A_95 = tpu.memref_slice %arg15[%run_scoped3A_36, %dma_start3A_94, %multiple_of3A] : memref<16x2x4096xf32, #tpu.memory_space<vmem_shared>> -> memref<1x2x256xf32, #tpu.memory_space<vmem_shared>>
      %dma_start3A_96 = tpu.memref_squeeze %dma_start3A_95 : memref<1x2x256xf32, #tpu.memory_space<vmem_shared>> -> memref<2x256xf32, #tpu.memory_space<vmem_shared>>
      %dma_start3A_97 = arith.constant 0 : i32
      %dma_start3A_98 = arith.constant 0 : i32
      %dma_start3A_99 = tpu.memref_slice %arg13[%run_scoped3A_37, %dma_start3A_97, %dma_start3A_98] : memref<16x2x256xf32, #tpu.memory_space<vmem>> -> memref<1x2x256xf32, #tpu.memory_space<vmem>>
      %dma_start3A_100 = tpu.memref_squeeze %dma_start3A_99 : memref<1x2x256xf32, #tpu.memory_space<vmem>> -> memref<2x256xf32, #tpu.memory_space<vmem>>
      %dma_start3A_101 = arith.constant 0 : i32
      %dma_start3A_102 = tpu.memref_slice %arg15[%run_scoped3A_36, %dma_start3A_101, %multiple_of3A] : memref<16x2x4096xf32, #tpu.memory_space<vmem_shared>> -> memref<1x2x256xf32, #tpu.memory_space<vmem_shared>>
      %dma_start3A_103 = tpu.memref_squeeze %dma_start3A_102 : memref<1x2x256xf32, #tpu.memory_space<vmem_shared>> -> memref<2x256xf32, #tpu.memory_space<vmem_shared>>
      tpu.enqueue_dma source(%dma_start3A_103 : memref<2x256xf32, #tpu.memory_space<vmem_shared>>) target(%dma_start3A_100 : memref<2x256xf32, #tpu.memory_space<vmem>>) target_semaphore(%run_scoped3A_90 : memref<!tpu.dma_semaphore, #tpu.memory_space<semaphore_mem>>)
      %dma_wait3A = arith.constant 0 : i32
      %dma_wait3A_104 = arith.constant 0 : i32
      %dma_wait3A_105 = tpu.memref_slice %arg13[%run_scoped3A_37, %dma_wait3A, %dma_wait3A_104] : memref<16x2x256xf32, #tpu.memory_space<vmem>> -> memref<1x2x256xf32, #tpu.memory_space<vmem>>
      %dma_wait3A_106 = tpu.memref_squeeze %dma_wait3A_105 : memref<1x2x256xf32, #tpu.memory_space<vmem>> -> memref<2x256xf32, #tpu.memory_space<vmem>>
      %dma_wait3A_107 = arith.constant 0 : i32
      %dma_wait3A_108 = tpu.memref_slice %arg15[%run_scoped3A_36, %dma_wait3A_107, %multiple_of3A] : memref<16x2x4096xf32, #tpu.memory_space<vmem_shared>> -> memref<1x2x256xf32, #tpu.memory_space<vmem_shared>>
      %dma_wait3A_109 = tpu.memref_squeeze %dma_wait3A_108 : memref<1x2x256xf32, #tpu.memory_space<vmem_shared>> -> memref<2x256xf32, #tpu.memory_space<vmem_shared>>
      %dma_wait3A_110 = arith.constant 0 : i32
      %dma_wait3A_111 = arith.constant 0 : i32
      %dma_wait3A_112 = tpu.memref_slice %arg13[%run_scoped3A_37, %dma_wait3A_110, %dma_wait3A_111] : memref<16x2x256xf32, #tpu.memory_space<vmem>> -> memref<1x2x256xf32, #tpu.memory_space<vmem>>
      %dma_wait3A_113 = tpu.memref_squeeze %dma_wait3A_112 : memref<1x2x256xf32, #tpu.memory_space<vmem>> -> memref<2x256xf32, #tpu.memory_space<vmem>>
      %dma_wait3A_114 = arith.constant 0 : i32
      %dma_wait3A_115 = tpu.memref_slice %arg15[%run_scoped3A_36, %dma_wait3A_114, %multiple_of3A] : memref<16x2x4096xf32, #tpu.memory_space<vmem_shared>> -> memref<1x2x256xf32, #tpu.memory_space<vmem_shared>>
      %dma_wait3A_116 = tpu.memref_squeeze %dma_wait3A_115 : memref<1x2x256xf32, #tpu.memory_space<vmem_shared>> -> memref<2x256xf32, #tpu.memory_space<vmem_shared>>
      tpu.wait_dma2 semaphore(%run_scoped3A_90 : memref<!tpu.dma_semaphore, #tpu.memory_space<semaphore_mem>>) src(%dma_wait3A_116 : memref<2x256xf32, #tpu.memory_space<vmem_shared>>) dst(%dma_wait3A_113 : memref<2x256xf32, #tpu.memory_space<vmem>>)
      tpu.yield
    }) : () -> ()
    %run_scoped3A_38 = arith.constant 4 : i32
    %run_scoped3A_39 = arith.constant 4 : i32
    "tpu.region"() ({
      %run_scoped3A_90 = tpu.sem_alloc : memref<!tpu.dma_semaphore, #tpu.memory_space<semaphore_mem>>
      %dma_start3A = arith.constant 0 : i32
      %dma_start3A_91 = arith.constant 0 : i32
      %dma_start3A_92 = tpu.memref_slice %arg13[%run_scoped3A_39, %dma_start3A, %dma_start3A_91] : memref<16x2x256xf32, #tpu.memory_space<vmem>> -> memref<1x2x256xf32, #tpu.memory_space<vmem>>
      %dma_start3A_93 = tpu.memref_squeeze %dma_start3A_92 : memref<1x2x256xf32, #tpu.memory_space<vmem>> -> memref<2x256xf32, #tpu.memory_space<vmem>>
      %dma_start3A_94 = arith.constant 0 : i32
      %dma_start3A_95 = tpu.memref_slice %arg15[%run_scoped3A_38, %dma_start3A_94, %multiple_of3A] : memref<16x2x4096xf32, #tpu.memory_space<vmem_shared>> -> memref<1x2x256xf32, #tpu.memory_space<vmem_shared>>
      %dma_start3A_96 = tpu.memref_squeeze %dma_start3A_95 : memref<1x2x256xf32, #tpu.memory_space<vmem_shared>> -> memref<2x256xf32, #tpu.memory_space<vmem_shared>>
      %dma_start3A_97 = arith.constant 0 : i32
      %dma_start3A_98 = arith.constant 0 : i32
      %dma_start3A_99 = tpu.memref_slice %arg13[%run_scoped3A_39, %dma_start3A_97, %dma_start3A_98] : memref<16x2x256xf32, #tpu.memory_space<vmem>> -> memref<1x2x256xf32, #tpu.memory_space<vmem>>
      %dma_start3A_100 = tpu.memref_squeeze %dma_start3A_99 : memref<1x2x256xf32, #tpu.memory_space<vmem>> -> memref<2x256xf32, #tpu.memory_space<vmem>>
      %dma_start3A_101 = arith.constant 0 : i32
      %dma_start3A_102 = tpu.memref_slice %arg15[%run_scoped3A_38, %dma_start3A_101, %multiple_of3A] : memref<16x2x4096xf32, #tpu.memory_space<vmem_shared>> -> memref<1x2x256xf32, #tpu.memory_space<vmem_shared>>
      %dma_start3A_103 = tpu.memref_squeeze %dma_start3A_102 : memref<1x2x256xf32, #tpu.memory_space<vmem_shared>> -> memref<2x256xf32, #tpu.memory_space<vmem_shared>>
      tpu.enqueue_dma source(%dma_start3A_103 : memref<2x256xf32, #tpu.memory_space<vmem_shared>>) target(%dma_start3A_100 : memref<2x256xf32, #tpu.memory_space<vmem>>) target_semaphore(%run_scoped3A_90 : memref<!tpu.dma_semaphore, #tpu.memory_space<semaphore_mem>>)
      %dma_wait3A = arith.constant 0 : i32
      %dma_wait3A_104 = arith.constant 0 : i32
      %dma_wait3A_105 = tpu.memref_slice %arg13[%run_scoped3A_39, %dma_wait3A, %dma_wait3A_104] : memref<16x2x256xf32, #tpu.memory_space<vmem>> -> memref<1x2x256xf32, #tpu.memory_space<vmem>>
      %dma_wait3A_106 = tpu.memref_squeeze %dma_wait3A_105 : memref<1x2x256xf32, #tpu.memory_space<vmem>> -> memref<2x256xf32, #tpu.memory_space<vmem>>
      %dma_wait3A_107 = arith.constant 0 : i32
      %dma_wait3A_108 = tpu.memref_slice %arg15[%run_scoped3A_38, %dma_wait3A_107, %multiple_of3A] : memref<16x2x4096xf32, #tpu.memory_space<vmem_shared>> -> memref<1x2x256xf32, #tpu.memory_space<vmem_shared>>
      %dma_wait3A_109 = tpu.memref_squeeze %dma_wait3A_108 : memref<1x2x256xf32, #tpu.memory_space<vmem_shared>> -> memref<2x256xf32, #tpu.memory_space<vmem_shared>>
      %dma_wait3A_110 = arith.constant 0 : i32
      %dma_wait3A_111 = arith.constant 0 : i32
      %dma_wait3A_112 = tpu.memref_slice %arg13[%run_scoped3A_39, %dma_wait3A_110, %dma_wait3A_111] : memref<16x2x256xf32, #tpu.memory_space<vmem>> -> memref<1x2x256xf32, #tpu.memory_space<vmem>>
      %dma_wait3A_113 = tpu.memref_squeeze %dma_wait3A_112 : memref<1x2x256xf32, #tpu.memory_space<vmem>> -> memref<2x256xf32, #tpu.memory_space<vmem>>
      %dma_wait3A_114 = arith.constant 0 : i32
      %dma_wait3A_115 = tpu.memref_slice %arg15[%run_scoped3A_38, %dma_wait3A_114, %multiple_of3A] : memref<16x2x4096xf32, #tpu.memory_space<vmem_shared>> -> memref<1x2x256xf32, #tpu.memory_space<vmem_shared>>
      %dma_wait3A_116 = tpu.memref_squeeze %dma_wait3A_115 : memref<1x2x256xf32, #tpu.memory_space<vmem_shared>> -> memref<2x256xf32, #tpu.memory_space<vmem_shared>>
      tpu.wait_dma2 semaphore(%run_scoped3A_90 : memref<!tpu.dma_semaphore, #tpu.memory_space<semaphore_mem>>) src(%dma_wait3A_116 : memref<2x256xf32, #tpu.memory_space<vmem_shared>>) dst(%dma_wait3A_113 : memref<2x256xf32, #tpu.memory_space<vmem>>)
      tpu.yield
    }) : () -> ()
    %run_scoped3A_40 = arith.constant 5 : i32
    %run_scoped3A_41 = arith.constant 5 : i32
    "tpu.region"() ({
      %run_scoped3A_90 = tpu.sem_alloc : memref<!tpu.dma_semaphore, #tpu.memory_space<semaphore_mem>>
      %dma_start3A = arith.constant 0 : i32
      %dma_start3A_91 = arith.constant 0 : i32
      %dma_start3A_92 = tpu.memref_slice %arg13[%run_scoped3A_41, %dma_start3A, %dma_start3A_91] : memref<16x2x256xf32, #tpu.memory_space<vmem>> -> memref<1x2x256xf32, #tpu.memory_space<vmem>>
      %dma_start3A_93 = tpu.memref_squeeze %dma_start3A_92 : memref<1x2x256xf32, #tpu.memory_space<vmem>> -> memref<2x256xf32, #tpu.memory_space<vmem>>
      %dma_start3A_94 = arith.constant 0 : i32
      %dma_start3A_95 = tpu.memref_slice %arg15[%run_scoped3A_40, %dma_start3A_94, %multiple_of3A] : memref<16x2x4096xf32, #tpu.memory_space<vmem_shared>> -> memref<1x2x256xf32, #tpu.memory_space<vmem_shared>>
      %dma_start3A_96 = tpu.memref_squeeze %dma_start3A_95 : memref<1x2x256xf32, #tpu.memory_space<vmem_shared>> -> memref<2x256xf32, #tpu.memory_space<vmem_shared>>
      %dma_start3A_97 = arith.constant 0 : i32
      %dma_start3A_98 = arith.constant 0 : i32
      %dma_start3A_99 = tpu.memref_slice %arg13[%run_scoped3A_41, %dma_start3A_97, %dma_start3A_98] : memref<16x2x256xf32, #tpu.memory_space<vmem>> -> memref<1x2x256xf32, #tpu.memory_space<vmem>>
      %dma_start3A_100 = tpu.memref_squeeze %dma_start3A_99 : memref<1x2x256xf32, #tpu.memory_space<vmem>> -> memref<2x256xf32, #tpu.memory_space<vmem>>
      %dma_start3A_101 = arith.constant 0 : i32
      %dma_start3A_102 = tpu.memref_slice %arg15[%run_scoped3A_40, %dma_start3A_101, %multiple_of3A] : memref<16x2x4096xf32, #tpu.memory_space<vmem_shared>> -> memref<1x2x256xf32, #tpu.memory_space<vmem_shared>>
      %dma_start3A_103 = tpu.memref_squeeze %dma_start3A_102 : memref<1x2x256xf32, #tpu.memory_space<vmem_shared>> -> memref<2x256xf32, #tpu.memory_space<vmem_shared>>
      tpu.enqueue_dma source(%dma_start3A_103 : memref<2x256xf32, #tpu.memory_space<vmem_shared>>) target(%dma_start3A_100 : memref<2x256xf32, #tpu.memory_space<vmem>>) target_semaphore(%run_scoped3A_90 : memref<!tpu.dma_semaphore, #tpu.memory_space<semaphore_mem>>)
      %dma_wait3A = arith.constant 0 : i32
      %dma_wait3A_104 = arith.constant 0 : i32
      %dma_wait3A_105 = tpu.memref_slice %arg13[%run_scoped3A_41, %dma_wait3A, %dma_wait3A_104] : memref<16x2x256xf32, #tpu.memory_space<vmem>> -> memref<1x2x256xf32, #tpu.memory_space<vmem>>
      %dma_wait3A_106 = tpu.memref_squeeze %dma_wait3A_105 : memref<1x2x256xf32, #tpu.memory_space<vmem>> -> memref<2x256xf32, #tpu.memory_space<vmem>>
      %dma_wait3A_107 = arith.constant 0 : i32
      %dma_wait3A_108 = tpu.memref_slice %arg15[%run_scoped3A_40, %dma_wait3A_107, %multiple_of3A] : memref<16x2x4096xf32, #tpu.memory_space<vmem_shared>> -> memref<1x2x256xf32, #tpu.memory_space<vmem_shared>>
      %dma_wait3A_109 = tpu.memref_squeeze %dma_wait3A_108 : memref<1x2x256xf32, #tpu.memory_space<vmem_shared>> -> memref<2x256xf32, #tpu.memory_space<vmem_shared>>
      %dma_wait3A_110 = arith.constant 0 : i32
      %dma_wait3A_111 = arith.constant 0 : i32
      %dma_wait3A_112 = tpu.memref_slice %arg13[%run_scoped3A_41, %dma_wait3A_110, %dma_wait3A_111] : memref<16x2x256xf32, #tpu.memory_space<vmem>> -> memref<1x2x256xf32, #tpu.memory_space<vmem>>
      %dma_wait3A_113 = tpu.memref_squeeze %dma_wait3A_112 : memref<1x2x256xf32, #tpu.memory_space<vmem>> -> memref<2x256xf32, #tpu.memory_space<vmem>>
      %dma_wait3A_114 = arith.constant 0 : i32
      %dma_wait3A_115 = tpu.memref_slice %arg15[%run_scoped3A_40, %dma_wait3A_114, %multiple_of3A] : memref<16x2x4096xf32, #tpu.memory_space<vmem_shared>> -> memref<1x2x256xf32, #tpu.memory_space<vmem_shared>>
      %dma_wait3A_116 = tpu.memref_squeeze %dma_wait3A_115 : memref<1x2x256xf32, #tpu.memory_space<vmem_shared>> -> memref<2x256xf32, #tpu.memory_space<vmem_shared>>
      tpu.wait_dma2 semaphore(%run_scoped3A_90 : memref<!tpu.dma_semaphore, #tpu.memory_space<semaphore_mem>>) src(%dma_wait3A_116 : memref<2x256xf32, #tpu.memory_space<vmem_shared>>) dst(%dma_wait3A_113 : memref<2x256xf32, #tpu.memory_space<vmem>>)
      tpu.yield
    }) : () -> ()
    %run_scoped3A_42 = arith.constant 6 : i32
    %run_scoped3A_43 = arith.constant 6 : i32
    "tpu.region"() ({
      %run_scoped3A_90 = tpu.sem_alloc : memref<!tpu.dma_semaphore, #tpu.memory_space<semaphore_mem>>
      %dma_start3A = arith.constant 0 : i32
      %dma_start3A_91 = arith.constant 0 : i32
      %dma_start3A_92 = tpu.memref_slice %arg13[%run_scoped3A_43, %dma_start3A, %dma_start3A_91] : memref<16x2x256xf32, #tpu.memory_space<vmem>> -> memref<1x2x256xf32, #tpu.memory_space<vmem>>
      %dma_start3A_93 = tpu.memref_squeeze %dma_start3A_92 : memref<1x2x256xf32, #tpu.memory_space<vmem>> -> memref<2x256xf32, #tpu.memory_space<vmem>>
      %dma_start3A_94 = arith.constant 0 : i32
      %dma_start3A_95 = tpu.memref_slice %arg15[%run_scoped3A_42, %dma_start3A_94, %multiple_of3A] : memref<16x2x4096xf32, #tpu.memory_space<vmem_shared>> -> memref<1x2x256xf32, #tpu.memory_space<vmem_shared>>
      %dma_start3A_96 = tpu.memref_squeeze %dma_start3A_95 : memref<1x2x256xf32, #tpu.memory_space<vmem_shared>> -> memref<2x256xf32, #tpu.memory_space<vmem_shared>>
      %dma_start3A_97 = arith.constant 0 : i32
      %dma_start3A_98 = arith.constant 0 : i32
      %dma_start3A_99 = tpu.memref_slice %arg13[%run_scoped3A_43, %dma_start3A_97, %dma_start3A_98] : memref<16x2x256xf32, #tpu.memory_space<vmem>> -> memref<1x2x256xf32, #tpu.memory_space<vmem>>
      %dma_start3A_100 = tpu.memref_squeeze %dma_start3A_99 : memref<1x2x256xf32, #tpu.memory_space<vmem>> -> memref<2x256xf32, #tpu.memory_space<vmem>>
      %dma_start3A_101 = arith.constant 0 : i32
      %dma_start3A_102 = tpu.memref_slice %arg15[%run_scoped3A_42, %dma_start3A_101, %multiple_of3A] : memref<16x2x4096xf32, #tpu.memory_space<vmem_shared>> -> memref<1x2x256xf32, #tpu.memory_space<vmem_shared>>
      %dma_start3A_103 = tpu.memref_squeeze %dma_start3A_102 : memref<1x2x256xf32, #tpu.memory_space<vmem_shared>> -> memref<2x256xf32, #tpu.memory_space<vmem_shared>>
      tpu.enqueue_dma source(%dma_start3A_103 : memref<2x256xf32, #tpu.memory_space<vmem_shared>>) target(%dma_start3A_100 : memref<2x256xf32, #tpu.memory_space<vmem>>) target_semaphore(%run_scoped3A_90 : memref<!tpu.dma_semaphore, #tpu.memory_space<semaphore_mem>>)
      %dma_wait3A = arith.constant 0 : i32
      %dma_wait3A_104 = arith.constant 0 : i32
      %dma_wait3A_105 = tpu.memref_slice %arg13[%run_scoped3A_43, %dma_wait3A, %dma_wait3A_104] : memref<16x2x256xf32, #tpu.memory_space<vmem>> -> memref<1x2x256xf32, #tpu.memory_space<vmem>>
      %dma_wait3A_106 = tpu.memref_squeeze %dma_wait3A_105 : memref<1x2x256xf32, #tpu.memory_space<vmem>> -> memref<2x256xf32, #tpu.memory_space<vmem>>
      %dma_wait3A_107 = arith.constant 0 : i32
      %dma_wait3A_108 = tpu.memref_slice %arg15[%run_scoped3A_42, %dma_wait3A_107, %multiple_of3A] : memref<16x2x4096xf32, #tpu.memory_space<vmem_shared>> -> memref<1x2x256xf32, #tpu.memory_space<vmem_shared>>
      %dma_wait3A_109 = tpu.memref_squeeze %dma_wait3A_108 : memref<1x2x256xf32, #tpu.memory_space<vmem_shared>> -> memref<2x256xf32, #tpu.memory_space<vmem_shared>>
      %dma_wait3A_110 = arith.constant 0 : i32
      %dma_wait3A_111 = arith.constant 0 : i32
      %dma_wait3A_112 = tpu.memref_slice %arg13[%run_scoped3A_43, %dma_wait3A_110, %dma_wait3A_111] : memref<16x2x256xf32, #tpu.memory_space<vmem>> -> memref<1x2x256xf32, #tpu.memory_space<vmem>>
      %dma_wait3A_113 = tpu.memref_squeeze %dma_wait3A_112 : memref<1x2x256xf32, #tpu.memory_space<vmem>> -> memref<2x256xf32, #tpu.memory_space<vmem>>
      %dma_wait3A_114 = arith.constant 0 : i32
      %dma_wait3A_115 = tpu.memref_slice %arg15[%run_scoped3A_42, %dma_wait3A_114, %multiple_of3A] : memref<16x2x4096xf32, #tpu.memory_space<vmem_shared>> -> memref<1x2x256xf32, #tpu.memory_space<vmem_shared>>
      %dma_wait3A_116 = tpu.memref_squeeze %dma_wait3A_115 : memref<1x2x256xf32, #tpu.memory_space<vmem_shared>> -> memref<2x256xf32, #tpu.memory_space<vmem_shared>>
      tpu.wait_dma2 semaphore(%run_scoped3A_90 : memref<!tpu.dma_semaphore, #tpu.memory_space<semaphore_mem>>) src(%dma_wait3A_116 : memref<2x256xf32, #tpu.memory_space<vmem_shared>>) dst(%dma_wait3A_113 : memref<2x256xf32, #tpu.memory_space<vmem>>)
      tpu.yield
    }) : () -> ()
    %run_scoped3A_44 = arith.constant 7 : i32
    %run_scoped3A_45 = arith.constant 7 : i32
    "tpu.region"() ({
      %run_scoped3A_90 = tpu.sem_alloc : memref<!tpu.dma_semaphore, #tpu.memory_space<semaphore_mem>>
      %dma_start3A = arith.constant 0 : i32
      %dma_start3A_91 = arith.constant 0 : i32
      %dma_start3A_92 = tpu.memref_slice %arg13[%run_scoped3A_45, %dma_start3A, %dma_start3A_91] : memref<16x2x256xf32, #tpu.memory_space<vmem>> -> memref<1x2x256xf32, #tpu.memory_space<vmem>>
      %dma_start3A_93 = tpu.memref_squeeze %dma_start3A_92 : memref<1x2x256xf32, #tpu.memory_space<vmem>> -> memref<2x256xf32, #tpu.memory_space<vmem>>
      %dma_start3A_94 = arith.constant 0 : i32
      %dma_start3A_95 = tpu.memref_slice %arg15[%run_scoped3A_44, %dma_start3A_94, %multiple_of3A] : memref<16x2x4096xf32, #tpu.memory_space<vmem_shared>> -> memref<1x2x256xf32, #tpu.memory_space<vmem_shared>>
      %dma_start3A_96 = tpu.memref_squeeze %dma_start3A_95 : memref<1x2x256xf32, #tpu.memory_space<vmem_shared>> -> memref<2x256xf32, #tpu.memory_space<vmem_shared>>
      %dma_start3A_97 = arith.constant 0 : i32
      %dma_start3A_98 = arith.constant 0 : i32
      %dma_start3A_99 = tpu.memref_slice %arg13[%run_scoped3A_45, %dma_start3A_97, %dma_start3A_98] : memref<16x2x256xf32, #tpu.memory_space<vmem>> -> memref<1x2x256xf32, #tpu.memory_space<vmem>>
      %dma_start3A_100 = tpu.memref_squeeze %dma_start3A_99 : memref<1x2x256xf32, #tpu.memory_space<vmem>> -> memref<2x256xf32, #tpu.memory_space<vmem>>
      %dma_start3A_101 = arith.constant 0 : i32
      %dma_start3A_102 = tpu.memref_slice %arg15[%run_scoped3A_44, %dma_start3A_101, %multiple_of3A] : memref<16x2x4096xf32, #tpu.memory_space<vmem_shared>> -> memref<1x2x256xf32, #tpu.memory_space<vmem_shared>>
      %dma_start3A_103 = tpu.memref_squeeze %dma_start3A_102 : memref<1x2x256xf32, #tpu.memory_space<vmem_shared>> -> memref<2x256xf32, #tpu.memory_space<vmem_shared>>
      tpu.enqueue_dma source(%dma_start3A_103 : memref<2x256xf32, #tpu.memory_space<vmem_shared>>) target(%dma_start3A_100 : memref<2x256xf32, #tpu.memory_space<vmem>>) target_semaphore(%run_scoped3A_90 : memref<!tpu.dma_semaphore, #tpu.memory_space<semaphore_mem>>)
      %dma_wait3A = arith.constant 0 : i32
      %dma_wait3A_104 = arith.constant 0 : i32
      %dma_wait3A_105 = tpu.memref_slice %arg13[%run_scoped3A_45, %dma_wait3A, %dma_wait3A_104] : memref<16x2x256xf32, #tpu.memory_space<vmem>> -> memref<1x2x256xf32, #tpu.memory_space<vmem>>
      %dma_wait3A_106 = tpu.memref_squeeze %dma_wait3A_105 : memref<1x2x256xf32, #tpu.memory_space<vmem>> -> memref<2x256xf32, #tpu.memory_space<vmem>>
      %dma_wait3A_107 = arith.constant 0 : i32
      %dma_wait3A_108 = tpu.memref_slice %arg15[%run_scoped3A_44, %dma_wait3A_107, %multiple_of3A] : memref<16x2x4096xf32, #tpu.memory_space<vmem_shared>> -> memref<1x2x256xf32, #tpu.memory_space<vmem_shared>>
      %dma_wait3A_109 = tpu.memref_squeeze %dma_wait3A_108 : memref<1x2x256xf32, #tpu.memory_space<vmem_shared>> -> memref<2x256xf32, #tpu.memory_space<vmem_shared>>
      %dma_wait3A_110 = arith.constant 0 : i32
      %dma_wait3A_111 = arith.constant 0 : i32
      %dma_wait3A_112 = tpu.memref_slice %arg13[%run_scoped3A_45, %dma_wait3A_110, %dma_wait3A_111] : memref<16x2x256xf32, #tpu.memory_space<vmem>> -> memref<1x2x256xf32, #tpu.memory_space<vmem>>
      %dma_wait3A_113 = tpu.memref_squeeze %dma_wait3A_112 : memref<1x2x256xf32, #tpu.memory_space<vmem>> -> memref<2x256xf32, #tpu.memory_space<vmem>>
      %dma_wait3A_114 = arith.constant 0 : i32
      %dma_wait3A_115 = tpu.memref_slice %arg15[%run_scoped3A_44, %dma_wait3A_114, %multiple_of3A] : memref<16x2x4096xf32, #tpu.memory_space<vmem_shared>> -> memref<1x2x256xf32, #tpu.memory_space<vmem_shared>>
      %dma_wait3A_116 = tpu.memref_squeeze %dma_wait3A_115 : memref<1x2x256xf32, #tpu.memory_space<vmem_shared>> -> memref<2x256xf32, #tpu.memory_space<vmem_shared>>
      tpu.wait_dma2 semaphore(%run_scoped3A_90 : memref<!tpu.dma_semaphore, #tpu.memory_space<semaphore_mem>>) src(%dma_wait3A_116 : memref<2x256xf32, #tpu.memory_space<vmem_shared>>) dst(%dma_wait3A_113 : memref<2x256xf32, #tpu.memory_space<vmem>>)
      tpu.yield
    }) : () -> ()
    %run_scoped3A_46 = arith.constant 8 : i32
    %run_scoped3A_47 = arith.constant 8 : i32
    "tpu.region"() ({
      %run_scoped3A_90 = tpu.sem_alloc : memref<!tpu.dma_semaphore, #tpu.memory_space<semaphore_mem>>
      %dma_start3A = arith.constant 0 : i32
      %dma_start3A_91 = arith.constant 0 : i32
      %dma_start3A_92 = tpu.memref_slice %arg13[%run_scoped3A_47, %dma_start3A, %dma_start3A_91] : memref<16x2x256xf32, #tpu.memory_space<vmem>> -> memref<1x2x256xf32, #tpu.memory_space<vmem>>
      %dma_start3A_93 = tpu.memref_squeeze %dma_start3A_92 : memref<1x2x256xf32, #tpu.memory_space<vmem>> -> memref<2x256xf32, #tpu.memory_space<vmem>>
      %dma_start3A_94 = arith.constant 0 : i32
      %dma_start3A_95 = tpu.memref_slice %arg15[%run_scoped3A_46, %dma_start3A_94, %multiple_of3A] : memref<16x2x4096xf32, #tpu.memory_space<vmem_shared>> -> memref<1x2x256xf32, #tpu.memory_space<vmem_shared>>
      %dma_start3A_96 = tpu.memref_squeeze %dma_start3A_95 : memref<1x2x256xf32, #tpu.memory_space<vmem_shared>> -> memref<2x256xf32, #tpu.memory_space<vmem_shared>>
      %dma_start3A_97 = arith.constant 0 : i32
      %dma_start3A_98 = arith.constant 0 : i32
      %dma_start3A_99 = tpu.memref_slice %arg13[%run_scoped3A_47, %dma_start3A_97, %dma_start3A_98] : memref<16x2x256xf32, #tpu.memory_space<vmem>> -> memref<1x2x256xf32, #tpu.memory_space<vmem>>
      %dma_start3A_100 = tpu.memref_squeeze %dma_start3A_99 : memref<1x2x256xf32, #tpu.memory_space<vmem>> -> memref<2x256xf32, #tpu.memory_space<vmem>>
      %dma_start3A_101 = arith.constant 0 : i32
      %dma_start3A_102 = tpu.memref_slice %arg15[%run_scoped3A_46, %dma_start3A_101, %multiple_of3A] : memref<16x2x4096xf32, #tpu.memory_space<vmem_shared>> -> memref<1x2x256xf32, #tpu.memory_space<vmem_shared>>
      %dma_start3A_103 = tpu.memref_squeeze %dma_start3A_102 : memref<1x2x256xf32, #tpu.memory_space<vmem_shared>> -> memref<2x256xf32, #tpu.memory_space<vmem_shared>>
      tpu.enqueue_dma source(%dma_start3A_103 : memref<2x256xf32, #tpu.memory_space<vmem_shared>>) target(%dma_start3A_100 : memref<2x256xf32, #tpu.memory_space<vmem>>) target_semaphore(%run_scoped3A_90 : memref<!tpu.dma_semaphore, #tpu.memory_space<semaphore_mem>>)
      %dma_wait3A = arith.constant 0 : i32
      %dma_wait3A_104 = arith.constant 0 : i32
      %dma_wait3A_105 = tpu.memref_slice %arg13[%run_scoped3A_47, %dma_wait3A, %dma_wait3A_104] : memref<16x2x256xf32, #tpu.memory_space<vmem>> -> memref<1x2x256xf32, #tpu.memory_space<vmem>>
      %dma_wait3A_106 = tpu.memref_squeeze %dma_wait3A_105 : memref<1x2x256xf32, #tpu.memory_space<vmem>> -> memref<2x256xf32, #tpu.memory_space<vmem>>
      %dma_wait3A_107 = arith.constant 0 : i32
      %dma_wait3A_108 = tpu.memref_slice %arg15[%run_scoped3A_46, %dma_wait3A_107, %multiple_of3A] : memref<16x2x4096xf32, #tpu.memory_space<vmem_shared>> -> memref<1x2x256xf32, #tpu.memory_space<vmem_shared>>
      %dma_wait3A_109 = tpu.memref_squeeze %dma_wait3A_108 : memref<1x2x256xf32, #tpu.memory_space<vmem_shared>> -> memref<2x256xf32, #tpu.memory_space<vmem_shared>>
      %dma_wait3A_110 = arith.constant 0 : i32
      %dma_wait3A_111 = arith.constant 0 : i32
      %dma_wait3A_112 = tpu.memref_slice %arg13[%run_scoped3A_47, %dma_wait3A_110, %dma_wait3A_111] : memref<16x2x256xf32, #tpu.memory_space<vmem>> -> memref<1x2x256xf32, #tpu.memory_space<vmem>>
      %dma_wait3A_113 = tpu.memref_squeeze %dma_wait3A_112 : memref<1x2x256xf32, #tpu.memory_space<vmem>> -> memref<2x256xf32, #tpu.memory_space<vmem>>
      %dma_wait3A_114 = arith.constant 0 : i32
      %dma_wait3A_115 = tpu.memref_slice %arg15[%run_scoped3A_46, %dma_wait3A_114, %multiple_of3A] : memref<16x2x4096xf32, #tpu.memory_space<vmem_shared>> -> memref<1x2x256xf32, #tpu.memory_space<vmem_shared>>
      %dma_wait3A_116 = tpu.memref_squeeze %dma_wait3A_115 : memref<1x2x256xf32, #tpu.memory_space<vmem_shared>> -> memref<2x256xf32, #tpu.memory_space<vmem_shared>>
      tpu.wait_dma2 semaphore(%run_scoped3A_90 : memref<!tpu.dma_semaphore, #tpu.memory_space<semaphore_mem>>) src(%dma_wait3A_116 : memref<2x256xf32, #tpu.memory_space<vmem_shared>>) dst(%dma_wait3A_113 : memref<2x256xf32, #tpu.memory_space<vmem>>)
      tpu.yield
    }) : () -> ()
    %run_scoped3A_48 = arith.constant 9 : i32
    %run_scoped3A_49 = arith.constant 9 : i32
    "tpu.region"() ({
      %run_scoped3A_90 = tpu.sem_alloc : memref<!tpu.dma_semaphore, #tpu.memory_space<semaphore_mem>>
      %dma_start3A = arith.constant 0 : i32
      %dma_start3A_91 = arith.constant 0 : i32
      %dma_start3A_92 = tpu.memref_slice %arg13[%run_scoped3A_49, %dma_start3A, %dma_start3A_91] : memref<16x2x256xf32, #tpu.memory_space<vmem>> -> memref<1x2x256xf32, #tpu.memory_space<vmem>>
      %dma_start3A_93 = tpu.memref_squeeze %dma_start3A_92 : memref<1x2x256xf32, #tpu.memory_space<vmem>> -> memref<2x256xf32, #tpu.memory_space<vmem>>
      %dma_start3A_94 = arith.constant 0 : i32
      %dma_start3A_95 = tpu.memref_slice %arg15[%run_scoped3A_48, %dma_start3A_94, %multiple_of3A] : memref<16x2x4096xf32, #tpu.memory_space<vmem_shared>> -> memref<1x2x256xf32, #tpu.memory_space<vmem_shared>>
      %dma_start3A_96 = tpu.memref_squeeze %dma_start3A_95 : memref<1x2x256xf32, #tpu.memory_space<vmem_shared>> -> memref<2x256xf32, #tpu.memory_space<vmem_shared>>
      %dma_start3A_97 = arith.constant 0 : i32
      %dma_start3A_98 = arith.constant 0 : i32
      %dma_start3A_99 = tpu.memref_slice %arg13[%run_scoped3A_49, %dma_start3A_97, %dma_start3A_98] : memref<16x2x256xf32, #tpu.memory_space<vmem>> -> memref<1x2x256xf32, #tpu.memory_space<vmem>>
      %dma_start3A_100 = tpu.memref_squeeze %dma_start3A_99 : memref<1x2x256xf32, #tpu.memory_space<vmem>> -> memref<2x256xf32, #tpu.memory_space<vmem>>
      %dma_start3A_101 = arith.constant 0 : i32
      %dma_start3A_102 = tpu.memref_slice %arg15[%run_scoped3A_48, %dma_start3A_101, %multiple_of3A] : memref<16x2x4096xf32, #tpu.memory_space<vmem_shared>> -> memref<1x2x256xf32, #tpu.memory_space<vmem_shared>>
      %dma_start3A_103 = tpu.memref_squeeze %dma_start3A_102 : memref<1x2x256xf32, #tpu.memory_space<vmem_shared>> -> memref<2x256xf32, #tpu.memory_space<vmem_shared>>
      tpu.enqueue_dma source(%dma_start3A_103 : memref<2x256xf32, #tpu.memory_space<vmem_shared>>) target(%dma_start3A_100 : memref<2x256xf32, #tpu.memory_space<vmem>>) target_semaphore(%run_scoped3A_90 : memref<!tpu.dma_semaphore, #tpu.memory_space<semaphore_mem>>)
      %dma_wait3A = arith.constant 0 : i32
      %dma_wait3A_104 = arith.constant 0 : i32
      %dma_wait3A_105 = tpu.memref_slice %arg13[%run_scoped3A_49, %dma_wait3A, %dma_wait3A_104] : memref<16x2x256xf32, #tpu.memory_space<vmem>> -> memref<1x2x256xf32, #tpu.memory_space<vmem>>
      %dma_wait3A_106 = tpu.memref_squeeze %dma_wait3A_105 : memref<1x2x256xf32, #tpu.memory_space<vmem>> -> memref<2x256xf32, #tpu.memory_space<vmem>>
      %dma_wait3A_107 = arith.constant 0 : i32
      %dma_wait3A_108 = tpu.memref_slice %arg15[%run_scoped3A_48, %dma_wait3A_107, %multiple_of3A] : memref<16x2x4096xf32, #tpu.memory_space<vmem_shared>> -> memref<1x2x256xf32, #tpu.memory_space<vmem_shared>>
      %dma_wait3A_109 = tpu.memref_squeeze %dma_wait3A_108 : memref<1x2x256xf32, #tpu.memory_space<vmem_shared>> -> memref<2x256xf32, #tpu.memory_space<vmem_shared>>
      %dma_wait3A_110 = arith.constant 0 : i32
      %dma_wait3A_111 = arith.constant 0 : i32
      %dma_wait3A_112 = tpu.memref_slice %arg13[%run_scoped3A_49, %dma_wait3A_110, %dma_wait3A_111] : memref<16x2x256xf32, #tpu.memory_space<vmem>> -> memref<1x2x256xf32, #tpu.memory_space<vmem>>
      %dma_wait3A_113 = tpu.memref_squeeze %dma_wait3A_112 : memref<1x2x256xf32, #tpu.memory_space<vmem>> -> memref<2x256xf32, #tpu.memory_space<vmem>>
      %dma_wait3A_114 = arith.constant 0 : i32
      %dma_wait3A_115 = tpu.memref_slice %arg15[%run_scoped3A_48, %dma_wait3A_114, %multiple_of3A] : memref<16x2x4096xf32, #tpu.memory_space<vmem_shared>> -> memref<1x2x256xf32, #tpu.memory_space<vmem_shared>>
      %dma_wait3A_116 = tpu.memref_squeeze %dma_wait3A_115 : memref<1x2x256xf32, #tpu.memory_space<vmem_shared>> -> memref<2x256xf32, #tpu.memory_space<vmem_shared>>
      tpu.wait_dma2 semaphore(%run_scoped3A_90 : memref<!tpu.dma_semaphore, #tpu.memory_space<semaphore_mem>>) src(%dma_wait3A_116 : memref<2x256xf32, #tpu.memory_space<vmem_shared>>) dst(%dma_wait3A_113 : memref<2x256xf32, #tpu.memory_space<vmem>>)
      tpu.yield
    }) : () -> ()
    %run_scoped3A_50 = arith.constant 10 : i32
    %run_scoped3A_51 = arith.constant 10 : i32
    "tpu.region"() ({
      %run_scoped3A_90 = tpu.sem_alloc : memref<!tpu.dma_semaphore, #tpu.memory_space<semaphore_mem>>
      %dma_start3A = arith.constant 0 : i32
      %dma_start3A_91 = arith.constant 0 : i32
      %dma_start3A_92 = tpu.memref_slice %arg13[%run_scoped3A_51, %dma_start3A, %dma_start3A_91] : memref<16x2x256xf32, #tpu.memory_space<vmem>> -> memref<1x2x256xf32, #tpu.memory_space<vmem>>
      %dma_start3A_93 = tpu.memref_squeeze %dma_start3A_92 : memref<1x2x256xf32, #tpu.memory_space<vmem>> -> memref<2x256xf32, #tpu.memory_space<vmem>>
      %dma_start3A_94 = arith.constant 0 : i32
      %dma_start3A_95 = tpu.memref_slice %arg15[%run_scoped3A_50, %dma_start3A_94, %multiple_of3A] : memref<16x2x4096xf32, #tpu.memory_space<vmem_shared>> -> memref<1x2x256xf32, #tpu.memory_space<vmem_shared>>
      %dma_start3A_96 = tpu.memref_squeeze %dma_start3A_95 : memref<1x2x256xf32, #tpu.memory_space<vmem_shared>> -> memref<2x256xf32, #tpu.memory_space<vmem_shared>>
      %dma_start3A_97 = arith.constant 0 : i32
      %dma_start3A_98 = arith.constant 0 : i32
      %dma_start3A_99 = tpu.memref_slice %arg13[%run_scoped3A_51, %dma_start3A_97, %dma_start3A_98] : memref<16x2x256xf32, #tpu.memory_space<vmem>> -> memref<1x2x256xf32, #tpu.memory_space<vmem>>
      %dma_start3A_100 = tpu.memref_squeeze %dma_start3A_99 : memref<1x2x256xf32, #tpu.memory_space<vmem>> -> memref<2x256xf32, #tpu.memory_space<vmem>>
      %dma_start3A_101 = arith.constant 0 : i32
      %dma_start3A_102 = tpu.memref_slice %arg15[%run_scoped3A_50, %dma_start3A_101, %multiple_of3A] : memref<16x2x4096xf32, #tpu.memory_space<vmem_shared>> -> memref<1x2x256xf32, #tpu.memory_space<vmem_shared>>
      %dma_start3A_103 = tpu.memref_squeeze %dma_start3A_102 : memref<1x2x256xf32, #tpu.memory_space<vmem_shared>> -> memref<2x256xf32, #tpu.memory_space<vmem_shared>>
      tpu.enqueue_dma source(%dma_start3A_103 : memref<2x256xf32, #tpu.memory_space<vmem_shared>>) target(%dma_start3A_100 : memref<2x256xf32, #tpu.memory_space<vmem>>) target_semaphore(%run_scoped3A_90 : memref<!tpu.dma_semaphore, #tpu.memory_space<semaphore_mem>>)
      %dma_wait3A = arith.constant 0 : i32
      %dma_wait3A_104 = arith.constant 0 : i32
      %dma_wait3A_105 = tpu.memref_slice %arg13[%run_scoped3A_51, %dma_wait3A, %dma_wait3A_104] : memref<16x2x256xf32, #tpu.memory_space<vmem>> -> memref<1x2x256xf32, #tpu.memory_space<vmem>>
      %dma_wait3A_106 = tpu.memref_squeeze %dma_wait3A_105 : memref<1x2x256xf32, #tpu.memory_space<vmem>> -> memref<2x256xf32, #tpu.memory_space<vmem>>
      %dma_wait3A_107 = arith.constant 0 : i32
      %dma_wait3A_108 = tpu.memref_slice %arg15[%run_scoped3A_50, %dma_wait3A_107, %multiple_of3A] : memref<16x2x4096xf32, #tpu.memory_space<vmem_shared>> -> memref<1x2x256xf32, #tpu.memory_space<vmem_shared>>
      %dma_wait3A_109 = tpu.memref_squeeze %dma_wait3A_108 : memref<1x2x256xf32, #tpu.memory_space<vmem_shared>> -> memref<2x256xf32, #tpu.memory_space<vmem_shared>>
      %dma_wait3A_110 = arith.constant 0 : i32
      %dma_wait3A_111 = arith.constant 0 : i32
      %dma_wait3A_112 = tpu.memref_slice %arg13[%run_scoped3A_51, %dma_wait3A_110, %dma_wait3A_111] : memref<16x2x256xf32, #tpu.memory_space<vmem>> -> memref<1x2x256xf32, #tpu.memory_space<vmem>>
      %dma_wait3A_113 = tpu.memref_squeeze %dma_wait3A_112 : memref<1x2x256xf32, #tpu.memory_space<vmem>> -> memref<2x256xf32, #tpu.memory_space<vmem>>
      %dma_wait3A_114 = arith.constant 0 : i32
      %dma_wait3A_115 = tpu.memref_slice %arg15[%run_scoped3A_50, %dma_wait3A_114, %multiple_of3A] : memref<16x2x4096xf32, #tpu.memory_space<vmem_shared>> -> memref<1x2x256xf32, #tpu.memory_space<vmem_shared>>
      %dma_wait3A_116 = tpu.memref_squeeze %dma_wait3A_115 : memref<1x2x256xf32, #tpu.memory_space<vmem_shared>> -> memref<2x256xf32, #tpu.memory_space<vmem_shared>>
      tpu.wait_dma2 semaphore(%run_scoped3A_90 : memref<!tpu.dma_semaphore, #tpu.memory_space<semaphore_mem>>) src(%dma_wait3A_116 : memref<2x256xf32, #tpu.memory_space<vmem_shared>>) dst(%dma_wait3A_113 : memref<2x256xf32, #tpu.memory_space<vmem>>)
      tpu.yield
    }) : () -> ()
    %run_scoped3A_52 = arith.constant 11 : i32
    %run_scoped3A_53 = arith.constant 11 : i32
    "tpu.region"() ({
      %run_scoped3A_90 = tpu.sem_alloc : memref<!tpu.dma_semaphore, #tpu.memory_space<semaphore_mem>>
      %dma_start3A = arith.constant 0 : i32
      %dma_start3A_91 = arith.constant 0 : i32
      %dma_start3A_92 = tpu.memref_slice %arg13[%run_scoped3A_53, %dma_start3A, %dma_start3A_91] : memref<16x2x256xf32, #tpu.memory_space<vmem>> -> memref<1x2x256xf32, #tpu.memory_space<vmem>>
      %dma_start3A_93 = tpu.memref_squeeze %dma_start3A_92 : memref<1x2x256xf32, #tpu.memory_space<vmem>> -> memref<2x256xf32, #tpu.memory_space<vmem>>
      %dma_start3A_94 = arith.constant 0 : i32
      %dma_start3A_95 = tpu.memref_slice %arg15[%run_scoped3A_52, %dma_start3A_94, %multiple_of3A] : memref<16x2x4096xf32, #tpu.memory_space<vmem_shared>> -> memref<1x2x256xf32, #tpu.memory_space<vmem_shared>>
      %dma_start3A_96 = tpu.memref_squeeze %dma_start3A_95 : memref<1x2x256xf32, #tpu.memory_space<vmem_shared>> -> memref<2x256xf32, #tpu.memory_space<vmem_shared>>
      %dma_start3A_97 = arith.constant 0 : i32
      %dma_start3A_98 = arith.constant 0 : i32
      %dma_start3A_99 = tpu.memref_slice %arg13[%run_scoped3A_53, %dma_start3A_97, %dma_start3A_98] : memref<16x2x256xf32, #tpu.memory_space<vmem>> -> memref<1x2x256xf32, #tpu.memory_space<vmem>>
      %dma_start3A_100 = tpu.memref_squeeze %dma_start3A_99 : memref<1x2x256xf32, #tpu.memory_space<vmem>> -> memref<2x256xf32, #tpu.memory_space<vmem>>
      %dma_start3A_101 = arith.constant 0 : i32
      %dma_start3A_102 = tpu.memref_slice %arg15[%run_scoped3A_52, %dma_start3A_101, %multiple_of3A] : memref<16x2x4096xf32, #tpu.memory_space<vmem_shared>> -> memref<1x2x256xf32, #tpu.memory_space<vmem_shared>>
      %dma_start3A_103 = tpu.memref_squeeze %dma_start3A_102 : memref<1x2x256xf32, #tpu.memory_space<vmem_shared>> -> memref<2x256xf32, #tpu.memory_space<vmem_shared>>
      tpu.enqueue_dma source(%dma_start3A_103 : memref<2x256xf32, #tpu.memory_space<vmem_shared>>) target(%dma_start3A_100 : memref<2x256xf32, #tpu.memory_space<vmem>>) target_semaphore(%run_scoped3A_90 : memref<!tpu.dma_semaphore, #tpu.memory_space<semaphore_mem>>)
      %dma_wait3A = arith.constant 0 : i32
      %dma_wait3A_104 = arith.constant 0 : i32
      %dma_wait3A_105 = tpu.memref_slice %arg13[%run_scoped3A_53, %dma_wait3A, %dma_wait3A_104] : memref<16x2x256xf32, #tpu.memory_space<vmem>> -> memref<1x2x256xf32, #tpu.memory_space<vmem>>
      %dma_wait3A_106 = tpu.memref_squeeze %dma_wait3A_105 : memref<1x2x256xf32, #tpu.memory_space<vmem>> -> memref<2x256xf32, #tpu.memory_space<vmem>>
      %dma_wait3A_107 = arith.constant 0 : i32
      %dma_wait3A_108 = tpu.memref_slice %arg15[%run_scoped3A_52, %dma_wait3A_107, %multiple_of3A] : memref<16x2x4096xf32, #tpu.memory_space<vmem_shared>> -> memref<1x2x256xf32, #tpu.memory_space<vmem_shared>>
      %dma_wait3A_109 = tpu.memref_squeeze %dma_wait3A_108 : memref<1x2x256xf32, #tpu.memory_space<vmem_shared>> -> memref<2x256xf32, #tpu.memory_space<vmem_shared>>
      %dma_wait3A_110 = arith.constant 0 : i32
      %dma_wait3A_111 = arith.constant 0 : i32
      %dma_wait3A_112 = tpu.memref_slice %arg13[%run_scoped3A_53, %dma_wait3A_110, %dma_wait3A_111] : memref<16x2x256xf32, #tpu.memory_space<vmem>> -> memref<1x2x256xf32, #tpu.memory_space<vmem>>
      %dma_wait3A_113 = tpu.memref_squeeze %dma_wait3A_112 : memref<1x2x256xf32, #tpu.memory_space<vmem>> -> memref<2x256xf32, #tpu.memory_space<vmem>>
      %dma_wait3A_114 = arith.constant 0 : i32
      %dma_wait3A_115 = tpu.memref_slice %arg15[%run_scoped3A_52, %dma_wait3A_114, %multiple_of3A] : memref<16x2x4096xf32, #tpu.memory_space<vmem_shared>> -> memref<1x2x256xf32, #tpu.memory_space<vmem_shared>>
      %dma_wait3A_116 = tpu.memref_squeeze %dma_wait3A_115 : memref<1x2x256xf32, #tpu.memory_space<vmem_shared>> -> memref<2x256xf32, #tpu.memory_space<vmem_shared>>
      tpu.wait_dma2 semaphore(%run_scoped3A_90 : memref<!tpu.dma_semaphore, #tpu.memory_space<semaphore_mem>>) src(%dma_wait3A_116 : memref<2x256xf32, #tpu.memory_space<vmem_shared>>) dst(%dma_wait3A_113 : memref<2x256xf32, #tpu.memory_space<vmem>>)
      tpu.yield
    }) : () -> ()
    %run_scoped3A_54 = arith.constant 12 : i32
    %run_scoped3A_55 = arith.constant 12 : i32
    "tpu.region"() ({
      %run_scoped3A_90 = tpu.sem_alloc : memref<!tpu.dma_semaphore, #tpu.memory_space<semaphore_mem>>
      %dma_start3A = arith.constant 0 : i32
      %dma_start3A_91 = arith.constant 0 : i32
      %dma_start3A_92 = tpu.memref_slice %arg13[%run_scoped3A_55, %dma_start3A, %dma_start3A_91] : memref<16x2x256xf32, #tpu.memory_space<vmem>> -> memref<1x2x256xf32, #tpu.memory_space<vmem>>
      %dma_start3A_93 = tpu.memref_squeeze %dma_start3A_92 : memref<1x2x256xf32, #tpu.memory_space<vmem>> -> memref<2x256xf32, #tpu.memory_space<vmem>>
      %dma_start3A_94 = arith.constant 0 : i32
      %dma_start3A_95 = tpu.memref_slice %arg15[%run_scoped3A_54, %dma_start3A_94, %multiple_of3A] : memref<16x2x4096xf32, #tpu.memory_space<vmem_shared>> -> memref<1x2x256xf32, #tpu.memory_space<vmem_shared>>
      %dma_start3A_96 = tpu.memref_squeeze %dma_start3A_95 : memref<1x2x256xf32, #tpu.memory_space<vmem_shared>> -> memref<2x256xf32, #tpu.memory_space<vmem_shared>>
      %dma_start3A_97 = arith.constant 0 : i32
      %dma_start3A_98 = arith.constant 0 : i32
      %dma_start3A_99 = tpu.memref_slice %arg13[%run_scoped3A_55, %dma_start3A_97, %dma_start3A_98] : memref<16x2x256xf32, #tpu.memory_space<vmem>> -> memref<1x2x256xf32, #tpu.memory_space<vmem>>
      %dma_start3A_100 = tpu.memref_squeeze %dma_start3A_99 : memref<1x2x256xf32, #tpu.memory_space<vmem>> -> memref<2x256xf32, #tpu.memory_space<vmem>>
      %dma_start3A_101 = arith.constant 0 : i32
      %dma_start3A_102 = tpu.memref_slice %arg15[%run_scoped3A_54, %dma_start3A_101, %multiple_of3A] : memref<16x2x4096xf32, #tpu.memory_space<vmem_shared>> -> memref<1x2x256xf32, #tpu.memory_space<vmem_shared>>
      %dma_start3A_103 = tpu.memref_squeeze %dma_start3A_102 : memref<1x2x256xf32, #tpu.memory_space<vmem_shared>> -> memref<2x256xf32, #tpu.memory_space<vmem_shared>>
      tpu.enqueue_dma source(%dma_start3A_103 : memref<2x256xf32, #tpu.memory_space<vmem_shared>>) target(%dma_start3A_100 : memref<2x256xf32, #tpu.memory_space<vmem>>) target_semaphore(%run_scoped3A_90 : memref<!tpu.dma_semaphore, #tpu.memory_space<semaphore_mem>>)
      %dma_wait3A = arith.constant 0 : i32
      %dma_wait3A_104 = arith.constant 0 : i32
      %dma_wait3A_105 = tpu.memref_slice %arg13[%run_scoped3A_55, %dma_wait3A, %dma_wait3A_104] : memref<16x2x256xf32, #tpu.memory_space<vmem>> -> memref<1x2x256xf32, #tpu.memory_space<vmem>>
      %dma_wait3A_106 = tpu.memref_squeeze %dma_wait3A_105 : memref<1x2x256xf32, #tpu.memory_space<vmem>> -> memref<2x256xf32, #tpu.memory_space<vmem>>
      %dma_wait3A_107 = arith.constant 0 : i32
      %dma_wait3A_108 = tpu.memref_slice %arg15[%run_scoped3A_54, %dma_wait3A_107, %multiple_of3A] : memref<16x2x4096xf32, #tpu.memory_space<vmem_shared>> -> memref<1x2x256xf32, #tpu.memory_space<vmem_shared>>
      %dma_wait3A_109 = tpu.memref_squeeze %dma_wait3A_108 : memref<1x2x256xf32, #tpu.memory_space<vmem_shared>> -> memref<2x256xf32, #tpu.memory_space<vmem_shared>>
      %dma_wait3A_110 = arith.constant 0 : i32
      %dma_wait3A_111 = arith.constant 0 : i32
      %dma_wait3A_112 = tpu.memref_slice %arg13[%run_scoped3A_55, %dma_wait3A_110, %dma_wait3A_111] : memref<16x2x256xf32, #tpu.memory_space<vmem>> -> memref<1x2x256xf32, #tpu.memory_space<vmem>>
      %dma_wait3A_113 = tpu.memref_squeeze %dma_wait3A_112 : memref<1x2x256xf32, #tpu.memory_space<vmem>> -> memref<2x256xf32, #tpu.memory_space<vmem>>
      %dma_wait3A_114 = arith.constant 0 : i32
      %dma_wait3A_115 = tpu.memref_slice %arg15[%run_scoped3A_54, %dma_wait3A_114, %multiple_of3A] : memref<16x2x4096xf32, #tpu.memory_space<vmem_shared>> -> memref<1x2x256xf32, #tpu.memory_space<vmem_shared>>
      %dma_wait3A_116 = tpu.memref_squeeze %dma_wait3A_115 : memref<1x2x256xf32, #tpu.memory_space<vmem_shared>> -> memref<2x256xf32, #tpu.memory_space<vmem_shared>>
      tpu.wait_dma2 semaphore(%run_scoped3A_90 : memref<!tpu.dma_semaphore, #tpu.memory_space<semaphore_mem>>) src(%dma_wait3A_116 : memref<2x256xf32, #tpu.memory_space<vmem_shared>>) dst(%dma_wait3A_113 : memref<2x256xf32, #tpu.memory_space<vmem>>)
      tpu.yield
    }) : () -> ()
    %run_scoped3A_56 = arith.constant 13 : i32
    %run_scoped3A_57 = arith.constant 13 : i32
    "tpu.region"() ({
      %run_scoped3A_90 = tpu.sem_alloc : memref<!tpu.dma_semaphore, #tpu.memory_space<semaphore_mem>>
      %dma_start3A = arith.constant 0 : i32
      %dma_start3A_91 = arith.constant 0 : i32
      %dma_start3A_92 = tpu.memref_slice %arg13[%run_scoped3A_57, %dma_start3A, %dma_start3A_91] : memref<16x2x256xf32, #tpu.memory_space<vmem>> -> memref<1x2x256xf32, #tpu.memory_space<vmem>>
      %dma_start3A_93 = tpu.memref_squeeze %dma_start3A_92 : memref<1x2x256xf32, #tpu.memory_space<vmem>> -> memref<2x256xf32, #tpu.memory_space<vmem>>
      %dma_start3A_94 = arith.constant 0 : i32
      %dma_start3A_95 = tpu.memref_slice %arg15[%run_scoped3A_56, %dma_start3A_94, %multiple_of3A] : memref<16x2x4096xf32, #tpu.memory_space<vmem_shared>> -> memref<1x2x256xf32, #tpu.memory_space<vmem_shared>>
      %dma_start3A_96 = tpu.memref_squeeze %dma_start3A_95 : memref<1x2x256xf32, #tpu.memory_space<vmem_shared>> -> memref<2x256xf32, #tpu.memory_space<vmem_shared>>
      %dma_start3A_97 = arith.constant 0 : i32
      %dma_start3A_98 = arith.constant 0 : i32
      %dma_start3A_99 = tpu.memref_slice %arg13[%run_scoped3A_57, %dma_start3A_97, %dma_start3A_98] : memref<16x2x256xf32, #tpu.memory_space<vmem>> -> memref<1x2x256xf32, #tpu.memory_space<vmem>>
      %dma_start3A_100 = tpu.memref_squeeze %dma_start3A_99 : memref<1x2x256xf32, #tpu.memory_space<vmem>> -> memref<2x256xf32, #tpu.memory_space<vmem>>
      %dma_start3A_101 = arith.constant 0 : i32
      %dma_start3A_102 = tpu.memref_slice %arg15[%run_scoped3A_56, %dma_start3A_101, %multiple_of3A] : memref<16x2x4096xf32, #tpu.memory_space<vmem_shared>> -> memref<1x2x256xf32, #tpu.memory_space<vmem_shared>>
      %dma_start3A_103 = tpu.memref_squeeze %dma_start3A_102 : memref<1x2x256xf32, #tpu.memory_space<vmem_shared>> -> memref<2x256xf32, #tpu.memory_space<vmem_shared>>
      tpu.enqueue_dma source(%dma_start3A_103 : memref<2x256xf32, #tpu.memory_space<vmem_shared>>) target(%dma_start3A_100 : memref<2x256xf32, #tpu.memory_space<vmem>>) target_semaphore(%run_scoped3A_90 : memref<!tpu.dma_semaphore, #tpu.memory_space<semaphore_mem>>)
      %dma_wait3A = arith.constant 0 : i32
      %dma_wait3A_104 = arith.constant 0 : i32
      %dma_wait3A_105 = tpu.memref_slice %arg13[%run_scoped3A_57, %dma_wait3A, %dma_wait3A_104] : memref<16x2x256xf32, #tpu.memory_space<vmem>> -> memref<1x2x256xf32, #tpu.memory_space<vmem>>
      %dma_wait3A_106 = tpu.memref_squeeze %dma_wait3A_105 : memref<1x2x256xf32, #tpu.memory_space<vmem>> -> memref<2x256xf32, #tpu.memory_space<vmem>>
      %dma_wait3A_107 = arith.constant 0 : i32
      %dma_wait3A_108 = tpu.memref_slice %arg15[%run_scoped3A_56, %dma_wait3A_107, %multiple_of3A] : memref<16x2x4096xf32, #tpu.memory_space<vmem_shared>> -> memref<1x2x256xf32, #tpu.memory_space<vmem_shared>>
      %dma_wait3A_109 = tpu.memref_squeeze %dma_wait3A_108 : memref<1x2x256xf32, #tpu.memory_space<vmem_shared>> -> memref<2x256xf32, #tpu.memory_space<vmem_shared>>
      %dma_wait3A_110 = arith.constant 0 : i32
      %dma_wait3A_111 = arith.constant 0 : i32
      %dma_wait3A_112 = tpu.memref_slice %arg13[%run_scoped3A_57, %dma_wait3A_110, %dma_wait3A_111] : memref<16x2x256xf32, #tpu.memory_space<vmem>> -> memref<1x2x256xf32, #tpu.memory_space<vmem>>
      %dma_wait3A_113 = tpu.memref_squeeze %dma_wait3A_112 : memref<1x2x256xf32, #tpu.memory_space<vmem>> -> memref<2x256xf32, #tpu.memory_space<vmem>>
      %dma_wait3A_114 = arith.constant 0 : i32
      %dma_wait3A_115 = tpu.memref_slice %arg15[%run_scoped3A_56, %dma_wait3A_114, %multiple_of3A] : memref<16x2x4096xf32, #tpu.memory_space<vmem_shared>> -> memref<1x2x256xf32, #tpu.memory_space<vmem_shared>>
      %dma_wait3A_116 = tpu.memref_squeeze %dma_wait3A_115 : memref<1x2x256xf32, #tpu.memory_space<vmem_shared>> -> memref<2x256xf32, #tpu.memory_space<vmem_shared>>
      tpu.wait_dma2 semaphore(%run_scoped3A_90 : memref<!tpu.dma_semaphore, #tpu.memory_space<semaphore_mem>>) src(%dma_wait3A_116 : memref<2x256xf32, #tpu.memory_space<vmem_shared>>) dst(%dma_wait3A_113 : memref<2x256xf32, #tpu.memory_space<vmem>>)
      tpu.yield
    }) : () -> ()
    %run_scoped3A_58 = arith.constant 14 : i32
    %run_scoped3A_59 = arith.constant 14 : i32
    "tpu.region"() ({
      %run_scoped3A_90 = tpu.sem_alloc : memref<!tpu.dma_semaphore, #tpu.memory_space<semaphore_mem>>
      %dma_start3A = arith.constant 0 : i32
      %dma_start3A_91 = arith.constant 0 : i32
      %dma_start3A_92 = tpu.memref_slice %arg13[%run_scoped3A_59, %dma_start3A, %dma_start3A_91] : memref<16x2x256xf32, #tpu.memory_space<vmem>> -> memref<1x2x256xf32, #tpu.memory_space<vmem>>
      %dma_start3A_93 = tpu.memref_squeeze %dma_start3A_92 : memref<1x2x256xf32, #tpu.memory_space<vmem>> -> memref<2x256xf32, #tpu.memory_space<vmem>>
      %dma_start3A_94 = arith.constant 0 : i32
      %dma_start3A_95 = tpu.memref_slice %arg15[%run_scoped3A_58, %dma_start3A_94, %multiple_of3A] : memref<16x2x4096xf32, #tpu.memory_space<vmem_shared>> -> memref<1x2x256xf32, #tpu.memory_space<vmem_shared>>
      %dma_start3A_96 = tpu.memref_squeeze %dma_start3A_95 : memref<1x2x256xf32, #tpu.memory_space<vmem_shared>> -> memref<2x256xf32, #tpu.memory_space<vmem_shared>>
      %dma_start3A_97 = arith.constant 0 : i32
      %dma_start3A_98 = arith.constant 0 : i32
      %dma_start3A_99 = tpu.memref_slice %arg13[%run_scoped3A_59, %dma_start3A_97, %dma_start3A_98] : memref<16x2x256xf32, #tpu.memory_space<vmem>> -> memref<1x2x256xf32, #tpu.memory_space<vmem>>
      %dma_start3A_100 = tpu.memref_squeeze %dma_start3A_99 : memref<1x2x256xf32, #tpu.memory_space<vmem>> -> memref<2x256xf32, #tpu.memory_space<vmem>>
      %dma_start3A_101 = arith.constant 0 : i32
      %dma_start3A_102 = tpu.memref_slice %arg15[%run_scoped3A_58, %dma_start3A_101, %multiple_of3A] : memref<16x2x4096xf32, #tpu.memory_space<vmem_shared>> -> memref<1x2x256xf32, #tpu.memory_space<vmem_shared>>
      %dma_start3A_103 = tpu.memref_squeeze %dma_start3A_102 : memref<1x2x256xf32, #tpu.memory_space<vmem_shared>> -> memref<2x256xf32, #tpu.memory_space<vmem_shared>>
      tpu.enqueue_dma source(%dma_start3A_103 : memref<2x256xf32, #tpu.memory_space<vmem_shared>>) target(%dma_start3A_100 : memref<2x256xf32, #tpu.memory_space<vmem>>) target_semaphore(%run_scoped3A_90 : memref<!tpu.dma_semaphore, #tpu.memory_space<semaphore_mem>>)
      %dma_wait3A = arith.constant 0 : i32
      %dma_wait3A_104 = arith.constant 0 : i32
      %dma_wait3A_105 = tpu.memref_slice %arg13[%run_scoped3A_59, %dma_wait3A, %dma_wait3A_104] : memref<16x2x256xf32, #tpu.memory_space<vmem>> -> memref<1x2x256xf32, #tpu.memory_space<vmem>>
      %dma_wait3A_106 = tpu.memref_squeeze %dma_wait3A_105 : memref<1x2x256xf32, #tpu.memory_space<vmem>> -> memref<2x256xf32, #tpu.memory_space<vmem>>
      %dma_wait3A_107 = arith.constant 0 : i32
      %dma_wait3A_108 = tpu.memref_slice %arg15[%run_scoped3A_58, %dma_wait3A_107, %multiple_of3A] : memref<16x2x4096xf32, #tpu.memory_space<vmem_shared>> -> memref<1x2x256xf32, #tpu.memory_space<vmem_shared>>
      %dma_wait3A_109 = tpu.memref_squeeze %dma_wait3A_108 : memref<1x2x256xf32, #tpu.memory_space<vmem_shared>> -> memref<2x256xf32, #tpu.memory_space<vmem_shared>>
      %dma_wait3A_110 = arith.constant 0 : i32
      %dma_wait3A_111 = arith.constant 0 : i32
      %dma_wait3A_112 = tpu.memref_slice %arg13[%run_scoped3A_59, %dma_wait3A_110, %dma_wait3A_111] : memref<16x2x256xf32, #tpu.memory_space<vmem>> -> memref<1x2x256xf32, #tpu.memory_space<vmem>>
      %dma_wait3A_113 = tpu.memref_squeeze %dma_wait3A_112 : memref<1x2x256xf32, #tpu.memory_space<vmem>> -> memref<2x256xf32, #tpu.memory_space<vmem>>
      %dma_wait3A_114 = arith.constant 0 : i32
      %dma_wait3A_115 = tpu.memref_slice %arg15[%run_scoped3A_58, %dma_wait3A_114, %multiple_of3A] : memref<16x2x4096xf32, #tpu.memory_space<vmem_shared>> -> memref<1x2x256xf32, #tpu.memory_space<vmem_shared>>
      %dma_wait3A_116 = tpu.memref_squeeze %dma_wait3A_115 : memref<1x2x256xf32, #tpu.memory_space<vmem_shared>> -> memref<2x256xf32, #tpu.memory_space<vmem_shared>>
      tpu.wait_dma2 semaphore(%run_scoped3A_90 : memref<!tpu.dma_semaphore, #tpu.memory_space<semaphore_mem>>) src(%dma_wait3A_116 : memref<2x256xf32, #tpu.memory_space<vmem_shared>>) dst(%dma_wait3A_113 : memref<2x256xf32, #tpu.memory_space<vmem>>)
      tpu.yield
    }) : () -> ()
    %run_scoped3A_60 = arith.constant 15 : i32
    %run_scoped3A_61 = arith.constant 15 : i32
    "tpu.region"() ({
      %run_scoped3A_90 = tpu.sem_alloc : memref<!tpu.dma_semaphore, #tpu.memory_space<semaphore_mem>>
      %dma_start3A = arith.constant 0 : i32
      %dma_start3A_91 = arith.constant 0 : i32
      %dma_start3A_92 = tpu.memref_slice %arg13[%run_scoped3A_61, %dma_start3A, %dma_start3A_91] : memref<16x2x256xf32, #tpu.memory_space<vmem>> -> memref<1x2x256xf32, #tpu.memory_space<vmem>>
      %dma_start3A_93 = tpu.memref_squeeze %dma_start3A_92 : memref<1x2x256xf32, #tpu.memory_space<vmem>> -> memref<2x256xf32, #tpu.memory_space<vmem>>
      %dma_start3A_94 = arith.constant 0 : i32
      %dma_start3A_95 = tpu.memref_slice %arg15[%run_scoped3A_60, %dma_start3A_94, %multiple_of3A] : memref<16x2x4096xf32, #tpu.memory_space<vmem_shared>> -> memref<1x2x256xf32, #tpu.memory_space<vmem_shared>>
      %dma_start3A_96 = tpu.memref_squeeze %dma_start3A_95 : memref<1x2x256xf32, #tpu.memory_space<vmem_shared>> -> memref<2x256xf32, #tpu.memory_space<vmem_shared>>
      %dma_start3A_97 = arith.constant 0 : i32
      %dma_start3A_98 = arith.constant 0 : i32
      %dma_start3A_99 = tpu.memref_slice %arg13[%run_scoped3A_61, %dma_start3A_97, %dma_start3A_98] : memref<16x2x256xf32, #tpu.memory_space<vmem>> -> memref<1x2x256xf32, #tpu.memory_space<vmem>>
      %dma_start3A_100 = tpu.memref_squeeze %dma_start3A_99 : memref<1x2x256xf32, #tpu.memory_space<vmem>> -> memref<2x256xf32, #tpu.memory_space<vmem>>
      %dma_start3A_101 = arith.constant 0 : i32
      %dma_start3A_102 = tpu.memref_slice %arg15[%run_scoped3A_60, %dma_start3A_101, %multiple_of3A] : memref<16x2x4096xf32, #tpu.memory_space<vmem_shared>> -> memref<1x2x256xf32, #tpu.memory_space<vmem_shared>>
      %dma_start3A_103 = tpu.memref_squeeze %dma_start3A_102 : memref<1x2x256xf32, #tpu.memory_space<vmem_shared>> -> memref<2x256xf32, #tpu.memory_space<vmem_shared>>
      tpu.enqueue_dma source(%dma_start3A_103 : memref<2x256xf32, #tpu.memory_space<vmem_shared>>) target(%dma_start3A_100 : memref<2x256xf32, #tpu.memory_space<vmem>>) target_semaphore(%run_scoped3A_90 : memref<!tpu.dma_semaphore, #tpu.memory_space<semaphore_mem>>)
      %dma_wait3A = arith.constant 0 : i32
      %dma_wait3A_104 = arith.constant 0 : i32
      %dma_wait3A_105 = tpu.memref_slice %arg13[%run_scoped3A_61, %dma_wait3A, %dma_wait3A_104] : memref<16x2x256xf32, #tpu.memory_space<vmem>> -> memref<1x2x256xf32, #tpu.memory_space<vmem>>
      %dma_wait3A_106 = tpu.memref_squeeze %dma_wait3A_105 : memref<1x2x256xf32, #tpu.memory_space<vmem>> -> memref<2x256xf32, #tpu.memory_space<vmem>>
      %dma_wait3A_107 = arith.constant 0 : i32
      %dma_wait3A_108 = tpu.memref_slice %arg15[%run_scoped3A_60, %dma_wait3A_107, %multiple_of3A] : memref<16x2x4096xf32, #tpu.memory_space<vmem_shared>> -> memref<1x2x256xf32, #tpu.memory_space<vmem_shared>>
      %dma_wait3A_109 = tpu.memref_squeeze %dma_wait3A_108 : memref<1x2x256xf32, #tpu.memory_space<vmem_shared>> -> memref<2x256xf32, #tpu.memory_space<vmem_shared>>
      %dma_wait3A_110 = arith.constant 0 : i32
      %dma_wait3A_111 = arith.constant 0 : i32
      %dma_wait3A_112 = tpu.memref_slice %arg13[%run_scoped3A_61, %dma_wait3A_110, %dma_wait3A_111] : memref<16x2x256xf32, #tpu.memory_space<vmem>> -> memref<1x2x256xf32, #tpu.memory_space<vmem>>
      %dma_wait3A_113 = tpu.memref_squeeze %dma_wait3A_112 : memref<1x2x256xf32, #tpu.memory_space<vmem>> -> memref<2x256xf32, #tpu.memory_space<vmem>>
      %dma_wait3A_114 = arith.constant 0 : i32
      %dma_wait3A_115 = tpu.memref_slice %arg15[%run_scoped3A_60, %dma_wait3A_114, %multiple_of3A] : memref<16x2x4096xf32, #tpu.memory_space<vmem_shared>> -> memref<1x2x256xf32, #tpu.memory_space<vmem_shared>>
      %dma_wait3A_116 = tpu.memref_squeeze %dma_wait3A_115 : memref<1x2x256xf32, #tpu.memory_space<vmem_shared>> -> memref<2x256xf32, #tpu.memory_space<vmem_shared>>
      tpu.wait_dma2 semaphore(%run_scoped3A_90 : memref<!tpu.dma_semaphore, #tpu.memory_space<semaphore_mem>>) src(%dma_wait3A_116 : memref<2x256xf32, #tpu.memory_space<vmem_shared>>) dst(%dma_wait3A_113 : memref<2x256xf32, #tpu.memory_space<vmem>>)
      tpu.yield
    }) : () -> ()
    %parallel_loop3A_62 = arith.constant 0 : i32
    %parallel_loop3A_63 = arith.constant 8 : i32
    %parallel_loop3A_64 = arith.constant 1 : i32
    scf.for %parallel_loop3A_90 = %parallel_loop3A_62 to %parallel_loop3A_63 step %parallel_loop3A_64  : i32 {
      %parallel_loop3A_91 = arith.constant 16 : i32
      %parallel_loop3A_92 = arith.muli %parallel_loop3A_90, %parallel_loop3A_91 : i32
      %parallel_loop3A_93 = arith.constant 0 : i32
      %parallel_loop3A_94 = arith.addi %parallel_loop3A_93, %parallel_loop3A_92 : i32
      %parallel_loop3A_95 = arith.constant 0 : i32
      %parallel_loop3A_96 = arith.constant 0 : i32
      %parallel_loop3A_97 = arith.index_cast %parallel_loop3A_95 : i32 to index
      %parallel_loop3A_98 = arith.index_cast %parallel_loop3A_96 : i32 to index
      %parallel_loop3A_99 = arith.index_cast %parallel_loop3A_94 : i32 to index
      %parallel_loop3A_100 = tpu.vector_load %arg13[%parallel_loop3A_97, %parallel_loop3A_98, %parallel_loop3A_99] {strides = array<i32>} : memref<16x2x256xf32, #tpu.memory_space<vmem>>, vector<16xf32>,
      %parallel_loop3A_101 = arith.constant 1 : i32
      %parallel_loop3A_102 = arith.constant 0 : i32
      %parallel_loop3A_103 = arith.index_cast %parallel_loop3A_101 : i32 to index
      %parallel_loop3A_104 = arith.index_cast %parallel_loop3A_102 : i32 to index
      %parallel_loop3A_105 = arith.index_cast %parallel_loop3A_94 : i32 to index
      %parallel_loop3A_106 = tpu.vector_load %arg13[%parallel_loop3A_103, %parallel_loop3A_104, %parallel_loop3A_105] {strides = array<i32>} : memref<16x2x256xf32, #tpu.memory_space<vmem>>, vector<16xf32>,
      %parallel_loop3A_107 = arith.addf %parallel_loop3A_100, %parallel_loop3A_106 : vector<16xf32>
      %parallel_loop3A_108 = arith.constant 2 : i32
      %parallel_loop3A_109 = arith.constant 0 : i32
      %parallel_loop3A_110 = arith.index_cast %parallel_loop3A_108 : i32 to index
      %parallel_loop3A_111 = arith.index_cast %parallel_loop3A_109 : i32 to index
      %parallel_loop3A_112 = arith.index_cast %parallel_loop3A_94 : i32 to index
      %parallel_loop3A_113 = tpu.vector_load %arg13[%parallel_loop3A_110, %parallel_loop3A_111, %parallel_loop3A_112] {strides = array<i32>} : memref<16x2x256xf32, #tpu.memory_space<vmem>>, vector<16xf32>,
      %parallel_loop3A_114 = arith.addf %parallel_loop3A_107, %parallel_loop3A_113 : vector<16xf32>
      %parallel_loop3A_115 = arith.constant 3 : i32
      %parallel_loop3A_116 = arith.constant 0 : i32
      %parallel_loop3A_117 = arith.index_cast %parallel_loop3A_115 : i32 to index
      %parallel_loop3A_118 = arith.index_cast %parallel_loop3A_116 : i32 to index
      %parallel_loop3A_119 = arith.index_cast %parallel_loop3A_94 : i32 to index
      %parallel_loop3A_120 = tpu.vector_load %arg13[%parallel_loop3A_117, %parallel_loop3A_118, %parallel_loop3A_119] {strides = array<i32>} : memref<16x2x256xf32, #tpu.memory_space<vmem>>, vector<16xf32>,
      %parallel_loop3A_121 = arith.addf %parallel_loop3A_114, %parallel_loop3A_120 : vector<16xf32>
      %parallel_loop3A_122 = arith.constant 4 : i32
      %parallel_loop3A_123 = arith.constant 0 : i32
      %parallel_loop3A_124 = arith.index_cast %parallel_loop3A_122 : i32 to index
      %parallel_loop3A_125 = arith.index_cast %parallel_loop3A_123 : i32 to index
      %parallel_loop3A_126 = arith.index_cast %parallel_loop3A_94 : i32 to index
      %parallel_loop3A_127 = tpu.vector_load %arg13[%parallel_loop3A_124, %parallel_loop3A_125, %parallel_loop3A_126] {strides = array<i32>} : memref<16x2x256xf32, #tpu.memory_space<vmem>>, vector<16xf32>,
      %parallel_loop3A_128 = arith.addf %parallel_loop3A_121, %parallel_loop3A_127 : vector<16xf32>
      %parallel_loop3A_129 = arith.constant 5 : i32
      %parallel_loop3A_130 = arith.constant 0 : i32
      %parallel_loop3A_131 = arith.index_cast %parallel_loop3A_129 : i32 to index
      %parallel_loop3A_132 = arith.index_cast %parallel_loop3A_130 : i32 to index
      %parallel_loop3A_133 = arith.index_cast %parallel_loop3A_94 : i32 to index
      %parallel_loop3A_134 = tpu.vector_load %arg13[%parallel_loop3A_131, %parallel_loop3A_132, %parallel_loop3A_133] {strides = array<i32>} : memref<16x2x256xf32, #tpu.memory_space<vmem>>, vector<16xf32>,
      %parallel_loop3A_135 = arith.addf %parallel_loop3A_128, %parallel_loop3A_134 : vector<16xf32>
      %parallel_loop3A_136 = arith.constant 6 : i32
      %parallel_loop3A_137 = arith.constant 0 : i32
      %parallel_loop3A_138 = arith.index_cast %parallel_loop3A_136 : i32 to index
      %parallel_loop3A_139 = arith.index_cast %parallel_loop3A_137 : i32 to index
      %parallel_loop3A_140 = arith.index_cast %parallel_loop3A_94 : i32 to index
      %parallel_loop3A_141 = tpu.vector_load %arg13[%parallel_loop3A_138, %parallel_loop3A_139, %parallel_loop3A_140] {strides = array<i32>} : memref<16x2x256xf32, #tpu.memory_space<vmem>>, vector<16xf32>,
      %parallel_loop3A_142 = arith.addf %parallel_loop3A_135, %parallel_loop3A_141 : vector<16xf32>
      %parallel_loop3A_143 = arith.constant 7 : i32
      %parallel_loop3A_144 = arith.constant 0 : i32
      %parallel_loop3A_145 = arith.index_cast %parallel_loop3A_143 : i32 to index
      %parallel_loop3A_146 = arith.index_cast %parallel_loop3A_144 : i32 to index
      %parallel_loop3A_147 = arith.index_cast %parallel_loop3A_94 : i32 to index
      %parallel_loop3A_148 = tpu.vector_load %arg13[%parallel_loop3A_145, %parallel_loop3A_146, %parallel_loop3A_147] {strides = array<i32>} : memref<16x2x256xf32, #tpu.memory_space<vmem>>, vector<16xf32>,
      %parallel_loop3A_149 = arith.addf %parallel_loop3A_142, %parallel_loop3A_148 : vector<16xf32>
      %parallel_loop3A_150 = arith.constant 8 : i32
      %parallel_loop3A_151 = arith.constant 0 : i32
      %parallel_loop3A_152 = arith.index_cast %parallel_loop3A_150 : i32 to index
      %parallel_loop3A_153 = arith.index_cast %parallel_loop3A_151 : i32 to index
      %parallel_loop3A_154 = arith.index_cast %parallel_loop3A_94 : i32 to index
      %parallel_loop3A_155 = tpu.vector_load %arg13[%parallel_loop3A_152, %parallel_loop3A_153, %parallel_loop3A_154] {strides = array<i32>} : memref<16x2x256xf32, #tpu.memory_space<vmem>>, vector<16xf32>,
      %parallel_loop3A_156 = arith.addf %parallel_loop3A_149, %parallel_loop3A_155 : vector<16xf32>
      %parallel_loop3A_157 = arith.constant 9 : i32
      %parallel_loop3A_158 = arith.constant 0 : i32
      %parallel_loop3A_159 = arith.index_cast %parallel_loop3A_157 : i32 to index
      %parallel_loop3A_160 = arith.index_cast %parallel_loop3A_158 : i32 to index
      %parallel_loop3A_161 = arith.index_cast %parallel_loop3A_94 : i32 to index
      %parallel_loop3A_162 = tpu.vector_load %arg13[%parallel_loop3A_159, %parallel_loop3A_160, %parallel_loop3A_161] {strides = array<i32>} : memref<16x2x256xf32, #tpu.memory_space<vmem>>, vector<16xf32>,
      %parallel_loop3A_163 = arith.addf %parallel_loop3A_156, %parallel_loop3A_162 : vector<16xf32>
      %parallel_loop3A_164 = arith.constant 10 : i32
      %parallel_loop3A_165 = arith.constant 0 : i32
      %parallel_loop3A_166 = arith.index_cast %parallel_loop3A_164 : i32 to index
      %parallel_loop3A_167 = arith.index_cast %parallel_loop3A_165 : i32 to index
      %parallel_loop3A_168 = arith.index_cast %parallel_loop3A_94 : i32 to index
      %parallel_loop3A_169 = tpu.vector_load %arg13[%parallel_loop3A_166, %parallel_loop3A_167, %parallel_loop3A_168] {strides = array<i32>} : memref<16x2x256xf32, #tpu.memory_space<vmem>>, vector<16xf32>,
      %parallel_loop3A_170 = arith.addf %parallel_loop3A_163, %parallel_loop3A_169 : vector<16xf32>
      %parallel_loop3A_171 = arith.constant 11 : i32
      %parallel_loop3A_172 = arith.constant 0 : i32
      %parallel_loop3A_173 = arith.index_cast %parallel_loop3A_171 : i32 to index
      %parallel_loop3A_174 = arith.index_cast %parallel_loop3A_172 : i32 to index
      %parallel_loop3A_175 = arith.index_cast %parallel_loop3A_94 : i32 to index
      %parallel_loop3A_176 = tpu.vector_load %arg13[%parallel_loop3A_173, %parallel_loop3A_174, %parallel_loop3A_175] {strides = array<i32>} : memref<16x2x256xf32, #tpu.memory_space<vmem>>, vector<16xf32>,
      %parallel_loop3A_177 = arith.addf %parallel_loop3A_170, %parallel_loop3A_176 : vector<16xf32>
      %parallel_loop3A_178 = arith.constant 12 : i32
      %parallel_loop3A_179 = arith.constant 0 : i32
      %parallel_loop3A_180 = arith.index_cast %parallel_loop3A_178 : i32 to index
      %parallel_loop3A_181 = arith.index_cast %parallel_loop3A_179 : i32 to index
      %parallel_loop3A_182 = arith.index_cast %parallel_loop3A_94 : i32 to index
      %parallel_loop3A_183 = tpu.vector_load %arg13[%parallel_loop3A_180, %parallel_loop3A_181, %parallel_loop3A_182] {strides = array<i32>} : memref<16x2x256xf32, #tpu.memory_space<vmem>>, vector<16xf32>,
      %parallel_loop3A_184 = arith.addf %parallel_loop3A_177, %parallel_loop3A_183 : vector<16xf32>
      %parallel_loop3A_185 = arith.constant 13 : i32
      %parallel_loop3A_186 = arith.constant 0 : i32
      %parallel_loop3A_187 = arith.index_cast %parallel_loop3A_185 : i32 to index
      %parallel_loop3A_188 = arith.index_cast %parallel_loop3A_186 : i32 to index
      %parallel_loop3A_189 = arith.index_cast %parallel_loop3A_94 : i32 to index
      %parallel_loop3A_190 = tpu.vector_load %arg13[%parallel_loop3A_187, %parallel_loop3A_188, %parallel_loop3A_189] {strides = array<i32>} : memref<16x2x256xf32, #tpu.memory_space<vmem>>, vector<16xf32>,
      %parallel_loop3A_191 = arith.addf %parallel_loop3A_184, %parallel_loop3A_190 : vector<16xf32>
      %parallel_loop3A_192 = arith.constant 14 : i32
      %parallel_loop3A_193 = arith.constant 0 : i32
      %parallel_loop3A_194 = arith.index_cast %parallel_loop3A_192 : i32 to index
      %parallel_loop3A_195 = arith.index_cast %parallel_loop3A_193 : i32 to index
      %parallel_loop3A_196 = arith.index_cast %parallel_loop3A_94 : i32 to index
      %parallel_loop3A_197 = tpu.vector_load %arg13[%parallel_loop3A_194, %parallel_loop3A_195, %parallel_loop3A_196] {strides = array<i32>} : memref<16x2x256xf32, #tpu.memory_space<vmem>>, vector<16xf32>,
      %parallel_loop3A_198 = arith.addf %parallel_loop3A_191, %parallel_loop3A_197 : vector<16xf32>
      %parallel_loop3A_199 = arith.constant 15 : i32
      %parallel_loop3A_200 = arith.constant 0 : i32
      %parallel_loop3A_201 = arith.index_cast %parallel_loop3A_199 : i32 to index
      %parallel_loop3A_202 = arith.index_cast %parallel_loop3A_200 : i32 to index
      %parallel_loop3A_203 = arith.index_cast %parallel_loop3A_94 : i32 to index
      %parallel_loop3A_204 = tpu.vector_load %arg13[%parallel_loop3A_201, %parallel_loop3A_202, %parallel_loop3A_203] {strides = array<i32>} : memref<16x2x256xf32, #tpu.memory_space<vmem>>, vector<16xf32>,
      %parallel_loop3A_205 = arith.addf %parallel_loop3A_198, %parallel_loop3A_204 : vector<16xf32>
      %parallel_loop3A_206 = arith.constant 16 : i32
      %parallel_loop3A_207 = arith.muli %parallel_loop3A_90, %parallel_loop3A_206 : i32
      %parallel_loop3A_208 = arith.constant 0 : i32
      %parallel_loop3A_209 = arith.index_cast %parallel_loop3A_208 : i32 to index
      %parallel_loop3A_210 = arith.index_cast %parallel_loop3A_207 : i32 to index
      %parallel_loop3A_211 = tpu.vector_load %arg14[%parallel_loop3A_209, %parallel_loop3A_210] {strides = array<i32>} : memref<4x128xf32, #tpu.memory_space<vmem>>, vector<16xf32>,
      tpu.vector_store %arg14[%parallel_loop3A_209, %parallel_loop3A_210], %parallel_loop3A_205 {strides = array<i32>} : memref<4x128xf32, #tpu.memory_space<vmem>>, vector<16xf32>,
    } {sc.loop_unroll_factor = 2 : i64, sc.parallel_access}
    %parallel_loop3A_65 = arith.constant 0 : i32
    %parallel_loop3A_66 = arith.constant 8 : i32
    %parallel_loop3A_67 = arith.constant 1 : i32
    scf.for %parallel_loop3A_90 = %parallel_loop3A_65 to %parallel_loop3A_66 step %parallel_loop3A_67  : i32 {
      %parallel_loop3A_91 = arith.constant 16 : i32
      %parallel_loop3A_92 = arith.muli %parallel_loop3A_90, %parallel_loop3A_91 : i32
      %parallel_loop3A_93 = arith.constant 128 : i32
      %parallel_loop3A_94 = arith.addi %parallel_loop3A_93, %parallel_loop3A_92 : i32
      %parallel_loop3A_95 = arith.constant 0 : i32
      %parallel_loop3A_96 = arith.constant 0 : i32
      %parallel_loop3A_97 = arith.index_cast %parallel_loop3A_95 : i32 to index
      %parallel_loop3A_98 = arith.index_cast %parallel_loop3A_96 : i32 to index
      %parallel_loop3A_99 = arith.index_cast %parallel_loop3A_94 : i32 to index
      %parallel_loop3A_100 = tpu.vector_load %arg13[%parallel_loop3A_97, %parallel_loop3A_98, %parallel_loop3A_99] {strides = array<i32>} : memref<16x2x256xf32, #tpu.memory_space<vmem>>, vector<16xf32>,
      %parallel_loop3A_101 = arith.constant 1 : i32
      %parallel_loop3A_102 = arith.constant 0 : i32
      %parallel_loop3A_103 = arith.index_cast %parallel_loop3A_101 : i32 to index
      %parallel_loop3A_104 = arith.index_cast %parallel_loop3A_102 : i32 to index
      %parallel_loop3A_105 = arith.index_cast %parallel_loop3A_94 : i32 to index
      %parallel_loop3A_106 = tpu.vector_load %arg13[%parallel_loop3A_103, %parallel_loop3A_104, %parallel_loop3A_105] {strides = array<i32>} : memref<16x2x256xf32, #tpu.memory_space<vmem>>, vector<16xf32>,
      %parallel_loop3A_107 = arith.addf %parallel_loop3A_100, %parallel_loop3A_106 : vector<16xf32>
      %parallel_loop3A_108 = arith.constant 2 : i32
      %parallel_loop3A_109 = arith.constant 0 : i32
      %parallel_loop3A_110 = arith.index_cast %parallel_loop3A_108 : i32 to index
      %parallel_loop3A_111 = arith.index_cast %parallel_loop3A_109 : i32 to index
      %parallel_loop3A_112 = arith.index_cast %parallel_loop3A_94 : i32 to index
      %parallel_loop3A_113 = tpu.vector_load %arg13[%parallel_loop3A_110, %parallel_loop3A_111, %parallel_loop3A_112] {strides = array<i32>} : memref<16x2x256xf32, #tpu.memory_space<vmem>>, vector<16xf32>,
      %parallel_loop3A_114 = arith.addf %parallel_loop3A_107, %parallel_loop3A_113 : vector<16xf32>
      %parallel_loop3A_115 = arith.constant 3 : i32
      %parallel_loop3A_116 = arith.constant 0 : i32
      %parallel_loop3A_117 = arith.index_cast %parallel_loop3A_115 : i32 to index
      %parallel_loop3A_118 = arith.index_cast %parallel_loop3A_116 : i32 to index
      %parallel_loop3A_119 = arith.index_cast %parallel_loop3A_94 : i32 to index
      %parallel_loop3A_120 = tpu.vector_load %arg13[%parallel_loop3A_117, %parallel_loop3A_118, %parallel_loop3A_119] {strides = array<i32>} : memref<16x2x256xf32, #tpu.memory_space<vmem>>, vector<16xf32>,
      %parallel_loop3A_121 = arith.addf %parallel_loop3A_114, %parallel_loop3A_120 : vector<16xf32>
      %parallel_loop3A_122 = arith.constant 4 : i32
      %parallel_loop3A_123 = arith.constant 0 : i32
      %parallel_loop3A_124 = arith.index_cast %parallel_loop3A_122 : i32 to index
      %parallel_loop3A_125 = arith.index_cast %parallel_loop3A_123 : i32 to index
      %parallel_loop3A_126 = arith.index_cast %parallel_loop3A_94 : i32 to index
      %parallel_loop3A_127 = tpu.vector_load %arg13[%parallel_loop3A_124, %parallel_loop3A_125, %parallel_loop3A_126] {strides = array<i32>} : memref<16x2x256xf32, #tpu.memory_space<vmem>>, vector<16xf32>,
      %parallel_loop3A_128 = arith.addf %parallel_loop3A_121, %parallel_loop3A_127 : vector<16xf32>
      %parallel_loop3A_129 = arith.constant 5 : i32
      %parallel_loop3A_130 = arith.constant 0 : i32
      %parallel_loop3A_131 = arith.index_cast %parallel_loop3A_129 : i32 to index
      %parallel_loop3A_132 = arith.index_cast %parallel_loop3A_130 : i32 to index
      %parallel_loop3A_133 = arith.index_cast %parallel_loop3A_94 : i32 to index
      %parallel_loop3A_134 = tpu.vector_load %arg13[%parallel_loop3A_131, %parallel_loop3A_132, %parallel_loop3A_133] {strides = array<i32>} : memref<16x2x256xf32, #tpu.memory_space<vmem>>, vector<16xf32>,
      %parallel_loop3A_135 = arith.addf %parallel_loop3A_128, %parallel_loop3A_134 : vector<16xf32>
      %parallel_loop3A_136 = arith.constant 6 : i32
      %parallel_loop3A_137 = arith.constant 0 : i32
      %parallel_loop3A_138 = arith.index_cast %parallel_loop3A_136 : i32 to index
      %parallel_loop3A_139 = arith.index_cast %parallel_loop3A_137 : i32 to index
      %parallel_loop3A_140 = arith.index_cast %parallel_loop3A_94 : i32 to index
      %parallel_loop3A_141 = tpu.vector_load %arg13[%parallel_loop3A_138, %parallel_loop3A_139, %parallel_loop3A_140] {strides = array<i32>} : memref<16x2x256xf32, #tpu.memory_space<vmem>>, vector<16xf32>,
      %parallel_loop3A_142 = arith.addf %parallel_loop3A_135, %parallel_loop3A_141 : vector<16xf32>
      %parallel_loop3A_143 = arith.constant 7 : i32
      %parallel_loop3A_144 = arith.constant 0 : i32
      %parallel_loop3A_145 = arith.index_cast %parallel_loop3A_143 : i32 to index
      %parallel_loop3A_146 = arith.index_cast %parallel_loop3A_144 : i32 to index
      %parallel_loop3A_147 = arith.index_cast %parallel_loop3A_94 : i32 to index
      %parallel_loop3A_148 = tpu.vector_load %arg13[%parallel_loop3A_145, %parallel_loop3A_146, %parallel_loop3A_147] {strides = array<i32>} : memref<16x2x256xf32, #tpu.memory_space<vmem>>, vector<16xf32>,
      %parallel_loop3A_149 = arith.addf %parallel_loop3A_142, %parallel_loop3A_148 : vector<16xf32>
      %parallel_loop3A_150 = arith.constant 8 : i32
      %parallel_loop3A_151 = arith.constant 0 : i32
      %parallel_loop3A_152 = arith.index_cast %parallel_loop3A_150 : i32 to index
      %parallel_loop3A_153 = arith.index_cast %parallel_loop3A_151 : i32 to index
      %parallel_loop3A_154 = arith.index_cast %parallel_loop3A_94 : i32 to index
      %parallel_loop3A_155 = tpu.vector_load %arg13[%parallel_loop3A_152, %parallel_loop3A_153, %parallel_loop3A_154] {strides = array<i32>} : memref<16x2x256xf32, #tpu.memory_space<vmem>>, vector<16xf32>,
      %parallel_loop3A_156 = arith.addf %parallel_loop3A_149, %parallel_loop3A_155 : vector<16xf32>
      %parallel_loop3A_157 = arith.constant 9 : i32
      %parallel_loop3A_158 = arith.constant 0 : i32
      %parallel_loop3A_159 = arith.index_cast %parallel_loop3A_157 : i32 to index
      %parallel_loop3A_160 = arith.index_cast %parallel_loop3A_158 : i32 to index
      %parallel_loop3A_161 = arith.index_cast %parallel_loop3A_94 : i32 to index
      %parallel_loop3A_162 = tpu.vector_load %arg13[%parallel_loop3A_159, %parallel_loop3A_160, %parallel_loop3A_161] {strides = array<i32>} : memref<16x2x256xf32, #tpu.memory_space<vmem>>, vector<16xf32>,
      %parallel_loop3A_163 = arith.addf %parallel_loop3A_156, %parallel_loop3A_162 : vector<16xf32>
      %parallel_loop3A_164 = arith.constant 10 : i32
      %parallel_loop3A_165 = arith.constant 0 : i32
      %parallel_loop3A_166 = arith.index_cast %parallel_loop3A_164 : i32 to index
      %parallel_loop3A_167 = arith.index_cast %parallel_loop3A_165 : i32 to index
      %parallel_loop3A_168 = arith.index_cast %parallel_loop3A_94 : i32 to index
      %parallel_loop3A_169 = tpu.vector_load %arg13[%parallel_loop3A_166, %parallel_loop3A_167, %parallel_loop3A_168] {strides = array<i32>} : memref<16x2x256xf32, #tpu.memory_space<vmem>>, vector<16xf32>,
      %parallel_loop3A_170 = arith.addf %parallel_loop3A_163, %parallel_loop3A_169 : vector<16xf32>
      %parallel_loop3A_171 = arith.constant 11 : i32
      %parallel_loop3A_172 = arith.constant 0 : i32
      %parallel_loop3A_173 = arith.index_cast %parallel_loop3A_171 : i32 to index
      %parallel_loop3A_174 = arith.index_cast %parallel_loop3A_172 : i32 to index
      %parallel_loop3A_175 = arith.index_cast %parallel_loop3A_94 : i32 to index
      %parallel_loop3A_176 = tpu.vector_load %arg13[%parallel_loop3A_173, %parallel_loop3A_174, %parallel_loop3A_175] {strides = array<i32>} : memref<16x2x256xf32, #tpu.memory_space<vmem>>, vector<16xf32>,
      %parallel_loop3A_177 = arith.addf %parallel_loop3A_170, %parallel_loop3A_176 : vector<16xf32>
      %parallel_loop3A_178 = arith.constant 12 : i32
      %parallel_loop3A_179 = arith.constant 0 : i32
      %parallel_loop3A_180 = arith.index_cast %parallel_loop3A_178 : i32 to index
      %parallel_loop3A_181 = arith.index_cast %parallel_loop3A_179 : i32 to index
      %parallel_loop3A_182 = arith.index_cast %parallel_loop3A_94 : i32 to index
      %parallel_loop3A_183 = tpu.vector_load %arg13[%parallel_loop3A_180, %parallel_loop3A_181, %parallel_loop3A_182] {strides = array<i32>} : memref<16x2x256xf32, #tpu.memory_space<vmem>>, vector<16xf32>,
      %parallel_loop3A_184 = arith.addf %parallel_loop3A_177, %parallel_loop3A_183 : vector<16xf32>
      %parallel_loop3A_185 = arith.constant 13 : i32
      %parallel_loop3A_186 = arith.constant 0 : i32
      %parallel_loop3A_187 = arith.index_cast %parallel_loop3A_185 : i32 to index
      %parallel_loop3A_188 = arith.index_cast %parallel_loop3A_186 : i32 to index
      %parallel_loop3A_189 = arith.index_cast %parallel_loop3A_94 : i32 to index
      %parallel_loop3A_190 = tpu.vector_load %arg13[%parallel_loop3A_187, %parallel_loop3A_188, %parallel_loop3A_189] {strides = array<i32>} : memref<16x2x256xf32, #tpu.memory_space<vmem>>, vector<16xf32>,
      %parallel_loop3A_191 = arith.addf %parallel_loop3A_184, %parallel_loop3A_190 : vector<16xf32>
      %parallel_loop3A_192 = arith.constant 14 : i32
      %parallel_loop3A_193 = arith.constant 0 : i32
      %parallel_loop3A_194 = arith.index_cast %parallel_loop3A_192 : i32 to index
      %parallel_loop3A_195 = arith.index_cast %parallel_loop3A_193 : i32 to index
      %parallel_loop3A_196 = arith.index_cast %parallel_loop3A_94 : i32 to index
      %parallel_loop3A_197 = tpu.vector_load %arg13[%parallel_loop3A_194, %parallel_loop3A_195, %parallel_loop3A_196] {strides = array<i32>} : memref<16x2x256xf32, #tpu.memory_space<vmem>>, vector<16xf32>,
      %parallel_loop3A_198 = arith.addf %parallel_loop3A_191, %parallel_loop3A_197 : vector<16xf32>
      %parallel_loop3A_199 = arith.constant 15 : i32
      %parallel_loop3A_200 = arith.constant 0 : i32
      %parallel_loop3A_201 = arith.index_cast %parallel_loop3A_199 : i32 to index
      %parallel_loop3A_202 = arith.index_cast %parallel_loop3A_200 : i32 to index
      %parallel_loop3A_203 = arith.index_cast %parallel_loop3A_94 : i32 to index
      %parallel_loop3A_204 = tpu.vector_load %arg13[%parallel_loop3A_201, %parallel_loop3A_202, %parallel_loop3A_203] {strides = array<i32>} : memref<16x2x256xf32, #tpu.memory_space<vmem>>, vector<16xf32>,
      %parallel_loop3A_205 = arith.addf %parallel_loop3A_198, %parallel_loop3A_204 : vector<16xf32>
      %parallel_loop3A_206 = arith.constant 16 : i32
      %parallel_loop3A_207 = arith.muli %parallel_loop3A_90, %parallel_loop3A_206 : i32
      %parallel_loop3A_208 = arith.constant 1 : i32
      %parallel_loop3A_209 = arith.index_cast %parallel_loop3A_208 : i32 to index
      %parallel_loop3A_210 = arith.index_cast %parallel_loop3A_207 : i32 to index
      %parallel_loop3A_211 = tpu.vector_load %arg14[%parallel_loop3A_209, %parallel_loop3A_210] {strides = array<i32>} : memref<4x128xf32, #tpu.memory_space<vmem>>, vector<16xf32>,
      tpu.vector_store %arg14[%parallel_loop3A_209, %parallel_loop3A_210], %parallel_loop3A_205 {strides = array<i32>} : memref<4x128xf32, #tpu.memory_space<vmem>>, vector<16xf32>,
    } {sc.loop_unroll_factor = 2 : i64, sc.parallel_access}
    %parallel_loop3A_68 = arith.constant 0 : i32
    %parallel_loop3A_69 = arith.constant 8 : i32
    %parallel_loop3A_70 = arith.constant 1 : i32
    scf.for %parallel_loop3A_90 = %parallel_loop3A_68 to %parallel_loop3A_69 step %parallel_loop3A_70  : i32 {
      %parallel_loop3A_91 = arith.constant 16 : i32
      %parallel_loop3A_92 = arith.muli %parallel_loop3A_90, %parallel_loop3A_91 : i32
      %parallel_loop3A_93 = arith.constant 0 : i32
      %parallel_loop3A_94 = arith.addi %parallel_loop3A_93, %parallel_loop3A_92 : i32
      %parallel_loop3A_95 = arith.constant 0 : i32
      %parallel_loop3A_96 = arith.constant 1 : i32
      %parallel_loop3A_97 = arith.index_cast %parallel_loop3A_95 : i32 to index
      %parallel_loop3A_98 = arith.index_cast %parallel_loop3A_96 : i32 to index
      %parallel_loop3A_99 = arith.index_cast %parallel_loop3A_94 : i32 to index
      %parallel_loop3A_100 = tpu.vector_load %arg13[%parallel_loop3A_97, %parallel_loop3A_98, %parallel_loop3A_99] {strides = array<i32>} : memref<16x2x256xf32, #tpu.memory_space<vmem>>, vector<16xf32>,
      %parallel_loop3A_101 = arith.constant 1 : i32
      %parallel_loop3A_102 = arith.constant 1 : i32
      %parallel_loop3A_103 = arith.index_cast %parallel_loop3A_101 : i32 to index
      %parallel_loop3A_104 = arith.index_cast %parallel_loop3A_102 : i32 to index
      %parallel_loop3A_105 = arith.index_cast %parallel_loop3A_94 : i32 to index
      %parallel_loop3A_106 = tpu.vector_load %arg13[%parallel_loop3A_103, %parallel_loop3A_104, %parallel_loop3A_105] {strides = array<i32>} : memref<16x2x256xf32, #tpu.memory_space<vmem>>, vector<16xf32>,
      %parallel_loop3A_107 = arith.addf %parallel_loop3A_100, %parallel_loop3A_106 : vector<16xf32>
      %parallel_loop3A_108 = arith.constant 2 : i32
      %parallel_loop3A_109 = arith.constant 1 : i32
      %parallel_loop3A_110 = arith.index_cast %parallel_loop3A_108 : i32 to index
      %parallel_loop3A_111 = arith.index_cast %parallel_loop3A_109 : i32 to index
      %parallel_loop3A_112 = arith.index_cast %parallel_loop3A_94 : i32 to index
      %parallel_loop3A_113 = tpu.vector_load %arg13[%parallel_loop3A_110, %parallel_loop3A_111, %parallel_loop3A_112] {strides = array<i32>} : memref<16x2x256xf32, #tpu.memory_space<vmem>>, vector<16xf32>,
      %parallel_loop3A_114 = arith.addf %parallel_loop3A_107, %parallel_loop3A_113 : vector<16xf32>
      %parallel_loop3A_115 = arith.constant 3 : i32
      %parallel_loop3A_116 = arith.constant 1 : i32
      %parallel_loop3A_117 = arith.index_cast %parallel_loop3A_115 : i32 to index
      %parallel_loop3A_118 = arith.index_cast %parallel_loop3A_116 : i32 to index
      %parallel_loop3A_119 = arith.index_cast %parallel_loop3A_94 : i32 to index
      %parallel_loop3A_120 = tpu.vector_load %arg13[%parallel_loop3A_117, %parallel_loop3A_118, %parallel_loop3A_119] {strides = array<i32>} : memref<16x2x256xf32, #tpu.memory_space<vmem>>, vector<16xf32>,
      %parallel_loop3A_121 = arith.addf %parallel_loop3A_114, %parallel_loop3A_120 : vector<16xf32>
      %parallel_loop3A_122 = arith.constant 4 : i32
      %parallel_loop3A_123 = arith.constant 1 : i32
      %parallel_loop3A_124 = arith.index_cast %parallel_loop3A_122 : i32 to index
      %parallel_loop3A_125 = arith.index_cast %parallel_loop3A_123 : i32 to index
      %parallel_loop3A_126 = arith.index_cast %parallel_loop3A_94 : i32 to index
      %parallel_loop3A_127 = tpu.vector_load %arg13[%parallel_loop3A_124, %parallel_loop3A_125, %parallel_loop3A_126] {strides = array<i32>} : memref<16x2x256xf32, #tpu.memory_space<vmem>>, vector<16xf32>,
      %parallel_loop3A_128 = arith.addf %parallel_loop3A_121, %parallel_loop3A_127 : vector<16xf32>
      %parallel_loop3A_129 = arith.constant 5 : i32
      %parallel_loop3A_130 = arith.constant 1 : i32
      %parallel_loop3A_131 = arith.index_cast %parallel_loop3A_129 : i32 to index
      %parallel_loop3A_132 = arith.index_cast %parallel_loop3A_130 : i32 to index
      %parallel_loop3A_133 = arith.index_cast %parallel_loop3A_94 : i32 to index
      %parallel_loop3A_134 = tpu.vector_load %arg13[%parallel_loop3A_131, %parallel_loop3A_132, %parallel_loop3A_133] {strides = array<i32>} : memref<16x2x256xf32, #tpu.memory_space<vmem>>, vector<16xf32>,
      %parallel_loop3A_135 = arith.addf %parallel_loop3A_128, %parallel_loop3A_134 : vector<16xf32>
      %parallel_loop3A_136 = arith.constant 6 : i32
      %parallel_loop3A_137 = arith.constant 1 : i32
      %parallel_loop3A_138 = arith.index_cast %parallel_loop3A_136 : i32 to index
      %parallel_loop3A_139 = arith.index_cast %parallel_loop3A_137 : i32 to index
      %parallel_loop3A_140 = arith.index_cast %parallel_loop3A_94 : i32 to index
      %parallel_loop3A_141 = tpu.vector_load %arg13[%parallel_loop3A_138, %parallel_loop3A_139, %parallel_loop3A_140] {strides = array<i32>} : memref<16x2x256xf32, #tpu.memory_space<vmem>>, vector<16xf32>,
      %parallel_loop3A_142 = arith.addf %parallel_loop3A_135, %parallel_loop3A_141 : vector<16xf32>
      %parallel_loop3A_143 = arith.constant 7 : i32
      %parallel_loop3A_144 = arith.constant 1 : i32
      %parallel_loop3A_145 = arith.index_cast %parallel_loop3A_143 : i32 to index
      %parallel_loop3A_146 = arith.index_cast %parallel_loop3A_144 : i32 to index
      %parallel_loop3A_147 = arith.index_cast %parallel_loop3A_94 : i32 to index
      %parallel_loop3A_148 = tpu.vector_load %arg13[%parallel_loop3A_145, %parallel_loop3A_146, %parallel_loop3A_147] {strides = array<i32>} : memref<16x2x256xf32, #tpu.memory_space<vmem>>, vector<16xf32>,
      %parallel_loop3A_149 = arith.addf %parallel_loop3A_142, %parallel_loop3A_148 : vector<16xf32>
      %parallel_loop3A_150 = arith.constant 8 : i32
      %parallel_loop3A_151 = arith.constant 1 : i32
      %parallel_loop3A_152 = arith.index_cast %parallel_loop3A_150 : i32 to index
      %parallel_loop3A_153 = arith.index_cast %parallel_loop3A_151 : i32 to index
      %parallel_loop3A_154 = arith.index_cast %parallel_loop3A_94 : i32 to index
      %parallel_loop3A_155 = tpu.vector_load %arg13[%parallel_loop3A_152, %parallel_loop3A_153, %parallel_loop3A_154] {strides = array<i32>} : memref<16x2x256xf32, #tpu.memory_space<vmem>>, vector<16xf32>,
      %parallel_loop3A_156 = arith.addf %parallel_loop3A_149, %parallel_loop3A_155 : vector<16xf32>
      %parallel_loop3A_157 = arith.constant 9 : i32
      %parallel_loop3A_158 = arith.constant 1 : i32
      %parallel_loop3A_159 = arith.index_cast %parallel_loop3A_157 : i32 to index
      %parallel_loop3A_160 = arith.index_cast %parallel_loop3A_158 : i32 to index
      %parallel_loop3A_161 = arith.index_cast %parallel_loop3A_94 : i32 to index
      %parallel_loop3A_162 = tpu.vector_load %arg13[%parallel_loop3A_159, %parallel_loop3A_160, %parallel_loop3A_161] {strides = array<i32>} : memref<16x2x256xf32, #tpu.memory_space<vmem>>, vector<16xf32>,
      %parallel_loop3A_163 = arith.addf %parallel_loop3A_156, %parallel_loop3A_162 : vector<16xf32>
      %parallel_loop3A_164 = arith.constant 10 : i32
      %parallel_loop3A_165 = arith.constant 1 : i32
      %parallel_loop3A_166 = arith.index_cast %parallel_loop3A_164 : i32 to index
      %parallel_loop3A_167 = arith.index_cast %parallel_loop3A_165 : i32 to index
      %parallel_loop3A_168 = arith.index_cast %parallel_loop3A_94 : i32 to index
      %parallel_loop3A_169 = tpu.vector_load %arg13[%parallel_loop3A_166, %parallel_loop3A_167, %parallel_loop3A_168] {strides = array<i32>} : memref<16x2x256xf32, #tpu.memory_space<vmem>>, vector<16xf32>,
      %parallel_loop3A_170 = arith.addf %parallel_loop3A_163, %parallel_loop3A_169 : vector<16xf32>
      %parallel_loop3A_171 = arith.constant 11 : i32
      %parallel_loop3A_172 = arith.constant 1 : i32
      %parallel_loop3A_173 = arith.index_cast %parallel_loop3A_171 : i32 to index
      %parallel_loop3A_174 = arith.index_cast %parallel_loop3A_172 : i32 to index
      %parallel_loop3A_175 = arith.index_cast %parallel_loop3A_94 : i32 to index
      %parallel_loop3A_176 = tpu.vector_load %arg13[%parallel_loop3A_173, %parallel_loop3A_174, %parallel_loop3A_175] {strides = array<i32>} : memref<16x2x256xf32, #tpu.memory_space<vmem>>, vector<16xf32>,
      %parallel_loop3A_177 = arith.addf %parallel_loop3A_170, %parallel_loop3A_176 : vector<16xf32>
      %parallel_loop3A_178 = arith.constant 12 : i32
      %parallel_loop3A_179 = arith.constant 1 : i32
      %parallel_loop3A_180 = arith.index_cast %parallel_loop3A_178 : i32 to index
      %parallel_loop3A_181 = arith.index_cast %parallel_loop3A_179 : i32 to index
      %parallel_loop3A_182 = arith.index_cast %parallel_loop3A_94 : i32 to index
      %parallel_loop3A_183 = tpu.vector_load %arg13[%parallel_loop3A_180, %parallel_loop3A_181, %parallel_loop3A_182] {strides = array<i32>} : memref<16x2x256xf32, #tpu.memory_space<vmem>>, vector<16xf32>,
      %parallel_loop3A_184 = arith.addf %parallel_loop3A_177, %parallel_loop3A_183 : vector<16xf32>
      %parallel_loop3A_185 = arith.constant 13 : i32
      %parallel_loop3A_186 = arith.constant 1 : i32
      %parallel_loop3A_187 = arith.index_cast %parallel_loop3A_185 : i32 to index
      %parallel_loop3A_188 = arith.index_cast %parallel_loop3A_186 : i32 to index
      %parallel_loop3A_189 = arith.index_cast %parallel_loop3A_94 : i32 to index
      %parallel_loop3A_190 = tpu.vector_load %arg13[%parallel_loop3A_187, %parallel_loop3A_188, %parallel_loop3A_189] {strides = array<i32>} : memref<16x2x256xf32, #tpu.memory_space<vmem>>, vector<16xf32>,
      %parallel_loop3A_191 = arith.addf %parallel_loop3A_184, %parallel_loop3A_190 : vector<16xf32>
      %parallel_loop3A_192 = arith.constant 14 : i32
      %parallel_loop3A_193 = arith.constant 1 : i32
      %parallel_loop3A_194 = arith.index_cast %parallel_loop3A_192 : i32 to index
      %parallel_loop3A_195 = arith.index_cast %parallel_loop3A_193 : i32 to index
      %parallel_loop3A_196 = arith.index_cast %parallel_loop3A_94 : i32 to index
      %parallel_loop3A_197 = tpu.vector_load %arg13[%parallel_loop3A_194, %parallel_loop3A_195, %parallel_loop3A_196] {strides = array<i32>} : memref<16x2x256xf32, #tpu.memory_space<vmem>>, vector<16xf32>,
      %parallel_loop3A_198 = arith.addf %parallel_loop3A_191, %parallel_loop3A_197 : vector<16xf32>
      %parallel_loop3A_199 = arith.constant 15 : i32
      %parallel_loop3A_200 = arith.constant 1 : i32
      %parallel_loop3A_201 = arith.index_cast %parallel_loop3A_199 : i32 to index
      %parallel_loop3A_202 = arith.index_cast %parallel_loop3A_200 : i32 to index
      %parallel_loop3A_203 = arith.index_cast %parallel_loop3A_94 : i32 to index
      %parallel_loop3A_204 = tpu.vector_load %arg13[%parallel_loop3A_201, %parallel_loop3A_202, %parallel_loop3A_203] {strides = array<i32>} : memref<16x2x256xf32, #tpu.memory_space<vmem>>, vector<16xf32>,
      %parallel_loop3A_205 = arith.addf %parallel_loop3A_198, %parallel_loop3A_204 : vector<16xf32>
      %parallel_loop3A_206 = arith.constant 16 : i32
      %parallel_loop3A_207 = arith.muli %parallel_loop3A_90, %parallel_loop3A_206 : i32
      %parallel_loop3A_208 = arith.constant 2 : i32
      %parallel_loop3A_209 = arith.index_cast %parallel_loop3A_208 : i32 to index
      %parallel_loop3A_210 = arith.index_cast %parallel_loop3A_207 : i32 to index
      %parallel_loop3A_211 = tpu.vector_load %arg14[%parallel_loop3A_209, %parallel_loop3A_210] {strides = array<i32>} : memref<4x128xf32, #tpu.memory_space<vmem>>, vector<16xf32>,
      tpu.vector_store %arg14[%parallel_loop3A_209, %parallel_loop3A_210], %parallel_loop3A_205 {strides = array<i32>} : memref<4x128xf32, #tpu.memory_space<vmem>>, vector<16xf32>,
    } {sc.loop_unroll_factor = 2 : i64, sc.parallel_access}
    %parallel_loop3A_71 = arith.constant 0 : i32
    %parallel_loop3A_72 = arith.constant 8 : i32
    %parallel_loop3A_73 = arith.constant 1 : i32
    scf.for %parallel_loop3A_90 = %parallel_loop3A_71 to %parallel_loop3A_72 step %parallel_loop3A_73  : i32 {
      %parallel_loop3A_91 = arith.constant 16 : i32
      %parallel_loop3A_92 = arith.muli %parallel_loop3A_90, %parallel_loop3A_91 : i32
      %parallel_loop3A_93 = arith.constant 128 : i32
      %parallel_loop3A_94 = arith.addi %parallel_loop3A_93, %parallel_loop3A_92 : i32
      %parallel_loop3A_95 = arith.constant 0 : i32
      %parallel_loop3A_96 = arith.constant 1 : i32
      %parallel_loop3A_97 = arith.index_cast %parallel_loop3A_95 : i32 to index
      %parallel_loop3A_98 = arith.index_cast %parallel_loop3A_96 : i32 to index
      %parallel_loop3A_99 = arith.index_cast %parallel_loop3A_94 : i32 to index
      %parallel_loop3A_100 = tpu.vector_load %arg13[%parallel_loop3A_97, %parallel_loop3A_98, %parallel_loop3A_99] {strides = array<i32>} : memref<16x2x256xf32, #tpu.memory_space<vmem>>, vector<16xf32>,
      %parallel_loop3A_101 = arith.constant 1 : i32
      %parallel_loop3A_102 = arith.constant 1 : i32
      %parallel_loop3A_103 = arith.index_cast %parallel_loop3A_101 : i32 to index
      %parallel_loop3A_104 = arith.index_cast %parallel_loop3A_102 : i32 to index
      %parallel_loop3A_105 = arith.index_cast %parallel_loop3A_94 : i32 to index
      %parallel_loop3A_106 = tpu.vector_load %arg13[%parallel_loop3A_103, %parallel_loop3A_104, %parallel_loop3A_105] {strides = array<i32>} : memref<16x2x256xf32, #tpu.memory_space<vmem>>, vector<16xf32>,
      %parallel_loop3A_107 = arith.addf %parallel_loop3A_100, %parallel_loop3A_106 : vector<16xf32>
      %parallel_loop3A_108 = arith.constant 2 : i32
      %parallel_loop3A_109 = arith.constant 1 : i32
      %parallel_loop3A_110 = arith.index_cast %parallel_loop3A_108 : i32 to index
      %parallel_loop3A_111 = arith.index_cast %parallel_loop3A_109 : i32 to index
      %parallel_loop3A_112 = arith.index_cast %parallel_loop3A_94 : i32 to index
      %parallel_loop3A_113 = tpu.vector_load %arg13[%parallel_loop3A_110, %parallel_loop3A_111, %parallel_loop3A_112] {strides = array<i32>} : memref<16x2x256xf32, #tpu.memory_space<vmem>>, vector<16xf32>,
      %parallel_loop3A_114 = arith.addf %parallel_loop3A_107, %parallel_loop3A_113 : vector<16xf32>
      %parallel_loop3A_115 = arith.constant 3 : i32
      %parallel_loop3A_116 = arith.constant 1 : i32
      %parallel_loop3A_117 = arith.index_cast %parallel_loop3A_115 : i32 to index
      %parallel_loop3A_118 = arith.index_cast %parallel_loop3A_116 : i32 to index
      %parallel_loop3A_119 = arith.index_cast %parallel_loop3A_94 : i32 to index
      %parallel_loop3A_120 = tpu.vector_load %arg13[%parallel_loop3A_117, %parallel_loop3A_118, %parallel_loop3A_119] {strides = array<i32>} : memref<16x2x256xf32, #tpu.memory_space<vmem>>, vector<16xf32>,
      %parallel_loop3A_121 = arith.addf %parallel_loop3A_114, %parallel_loop3A_120 : vector<16xf32>
      %parallel_loop3A_122 = arith.constant 4 : i32
      %parallel_loop3A_123 = arith.constant 1 : i32
      %parallel_loop3A_124 = arith.index_cast %parallel_loop3A_122 : i32 to index
      %parallel_loop3A_125 = arith.index_cast %parallel_loop3A_123 : i32 to index
      %parallel_loop3A_126 = arith.index_cast %parallel_loop3A_94 : i32 to index
      %parallel_loop3A_127 = tpu.vector_load %arg13[%parallel_loop3A_124, %parallel_loop3A_125, %parallel_loop3A_126] {strides = array<i32>} : memref<16x2x256xf32, #tpu.memory_space<vmem>>, vector<16xf32>,
      %parallel_loop3A_128 = arith.addf %parallel_loop3A_121, %parallel_loop3A_127 : vector<16xf32>
      %parallel_loop3A_129 = arith.constant 5 : i32
      %parallel_loop3A_130 = arith.constant 1 : i32
      %parallel_loop3A_131 = arith.index_cast %parallel_loop3A_129 : i32 to index
      %parallel_loop3A_132 = arith.index_cast %parallel_loop3A_130 : i32 to index
      %parallel_loop3A_133 = arith.index_cast %parallel_loop3A_94 : i32 to index
      %parallel_loop3A_134 = tpu.vector_load %arg13[%parallel_loop3A_131, %parallel_loop3A_132, %parallel_loop3A_133] {strides = array<i32>} : memref<16x2x256xf32, #tpu.memory_space<vmem>>, vector<16xf32>,
      %parallel_loop3A_135 = arith.addf %parallel_loop3A_128, %parallel_loop3A_134 : vector<16xf32>
      %parallel_loop3A_136 = arith.constant 6 : i32
      %parallel_loop3A_137 = arith.constant 1 : i32
      %parallel_loop3A_138 = arith.index_cast %parallel_loop3A_136 : i32 to index
      %parallel_loop3A_139 = arith.index_cast %parallel_loop3A_137 : i32 to index
      %parallel_loop3A_140 = arith.index_cast %parallel_loop3A_94 : i32 to index
      %parallel_loop3A_141 = tpu.vector_load %arg13[%parallel_loop3A_138, %parallel_loop3A_139, %parallel_loop3A_140] {strides = array<i32>} : memref<16x2x256xf32, #tpu.memory_space<vmem>>, vector<16xf32>,
      %parallel_loop3A_142 = arith.addf %parallel_loop3A_135, %parallel_loop3A_141 : vector<16xf32>
      %parallel_loop3A_143 = arith.constant 7 : i32
      %parallel_loop3A_144 = arith.constant 1 : i32
      %parallel_loop3A_145 = arith.index_cast %parallel_loop3A_143 : i32 to index
      %parallel_loop3A_146 = arith.index_cast %parallel_loop3A_144 : i32 to index
      %parallel_loop3A_147 = arith.index_cast %parallel_loop3A_94 : i32 to index
      %parallel_loop3A_148 = tpu.vector_load %arg13[%parallel_loop3A_145, %parallel_loop3A_146, %parallel_loop3A_147] {strides = array<i32>} : memref<16x2x256xf32, #tpu.memory_space<vmem>>, vector<16xf32>,
      %parallel_loop3A_149 = arith.addf %parallel_loop3A_142, %parallel_loop3A_148 : vector<16xf32>
      %parallel_loop3A_150 = arith.constant 8 : i32
      %parallel_loop3A_151 = arith.constant 1 : i32
      %parallel_loop3A_152 = arith.index_cast %parallel_loop3A_150 : i32 to index
      %parallel_loop3A_153 = arith.index_cast %parallel_loop3A_151 : i32 to index
      %parallel_loop3A_154 = arith.index_cast %parallel_loop3A_94 : i32 to index
      %parallel_loop3A_155 = tpu.vector_load %arg13[%parallel_loop3A_152, %parallel_loop3A_153, %parallel_loop3A_154] {strides = array<i32>} : memref<16x2x256xf32, #tpu.memory_space<vmem>>, vector<16xf32>,
      %parallel_loop3A_156 = arith.addf %parallel_loop3A_149, %parallel_loop3A_155 : vector<16xf32>
      %parallel_loop3A_157 = arith.constant 9 : i32
      %parallel_loop3A_158 = arith.constant 1 : i32
      %parallel_loop3A_159 = arith.index_cast %parallel_loop3A_157 : i32 to index
      %parallel_loop3A_160 = arith.index_cast %parallel_loop3A_158 : i32 to index
      %parallel_loop3A_161 = arith.index_cast %parallel_loop3A_94 : i32 to index
      %parallel_loop3A_162 = tpu.vector_load %arg13[%parallel_loop3A_159, %parallel_loop3A_160, %parallel_loop3A_161] {strides = array<i32>} : memref<16x2x256xf32, #tpu.memory_space<vmem>>, vector<16xf32>,
      %parallel_loop3A_163 = arith.addf %parallel_loop3A_156, %parallel_loop3A_162 : vector<16xf32>
      %parallel_loop3A_164 = arith.constant 10 : i32
      %parallel_loop3A_165 = arith.constant 1 : i32
      %parallel_loop3A_166 = arith.index_cast %parallel_loop3A_164 : i32 to index
      %parallel_loop3A_167 = arith.index_cast %parallel_loop3A_165 : i32 to index
      %parallel_loop3A_168 = arith.index_cast %parallel_loop3A_94 : i32 to index
      %parallel_loop3A_169 = tpu.vector_load %arg13[%parallel_loop3A_166, %parallel_loop3A_167, %parallel_loop3A_168] {strides = array<i32>} : memref<16x2x256xf32, #tpu.memory_space<vmem>>, vector<16xf32>,
      %parallel_loop3A_170 = arith.addf %parallel_loop3A_163, %parallel_loop3A_169 : vector<16xf32>
      %parallel_loop3A_171 = arith.constant 11 : i32
      %parallel_loop3A_172 = arith.constant 1 : i32
      %parallel_loop3A_173 = arith.index_cast %parallel_loop3A_171 : i32 to index
      %parallel_loop3A_174 = arith.index_cast %parallel_loop3A_172 : i32 to index
      %parallel_loop3A_175 = arith.index_cast %parallel_loop3A_94 : i32 to index
      %parallel_loop3A_176 = tpu.vector_load %arg13[%parallel_loop3A_173, %parallel_loop3A_174, %parallel_loop3A_175] {strides = array<i32>} : memref<16x2x256xf32, #tpu.memory_space<vmem>>, vector<16xf32>,
      %parallel_loop3A_177 = arith.addf %parallel_loop3A_170, %parallel_loop3A_176 : vector<16xf32>
      %parallel_loop3A_178 = arith.constant 12 : i32
      %parallel_loop3A_179 = arith.constant 1 : i32
      %parallel_loop3A_180 = arith.index_cast %parallel_loop3A_178 : i32 to index
      %parallel_loop3A_181 = arith.index_cast %parallel_loop3A_179 : i32 to index
      %parallel_loop3A_182 = arith.index_cast %parallel_loop3A_94 : i32 to index
      %parallel_loop3A_183 = tpu.vector_load %arg13[%parallel_loop3A_180, %parallel_loop3A_181, %parallel_loop3A_182] {strides = array<i32>} : memref<16x2x256xf32, #tpu.memory_space<vmem>>, vector<16xf32>,
      %parallel_loop3A_184 = arith.addf %parallel_loop3A_177, %parallel_loop3A_183 : vector<16xf32>
      %parallel_loop3A_185 = arith.constant 13 : i32
      %parallel_loop3A_186 = arith.constant 1 : i32
      %parallel_loop3A_187 = arith.index_cast %parallel_loop3A_185 : i32 to index
      %parallel_loop3A_188 = arith.index_cast %parallel_loop3A_186 : i32 to index
      %parallel_loop3A_189 = arith.index_cast %parallel_loop3A_94 : i32 to index
      %parallel_loop3A_190 = tpu.vector_load %arg13[%parallel_loop3A_187, %parallel_loop3A_188, %parallel_loop3A_189] {strides = array<i32>} : memref<16x2x256xf32, #tpu.memory_space<vmem>>, vector<16xf32>,
      %parallel_loop3A_191 = arith.addf %parallel_loop3A_184, %parallel_loop3A_190 : vector<16xf32>
      %parallel_loop3A_192 = arith.constant 14 : i32
      %parallel_loop3A_193 = arith.constant 1 : i32
      %parallel_loop3A_194 = arith.index_cast %parallel_loop3A_192 : i32 to index
      %parallel_loop3A_195 = arith.index_cast %parallel_loop3A_193 : i32 to index
      %parallel_loop3A_196 = arith.index_cast %parallel_loop3A_94 : i32 to index
      %parallel_loop3A_197 = tpu.vector_load %arg13[%parallel_loop3A_194, %parallel_loop3A_195, %parallel_loop3A_196] {strides = array<i32>} : memref<16x2x256xf32, #tpu.memory_space<vmem>>, vector<16xf32>,
      %parallel_loop3A_198 = arith.addf %parallel_loop3A_191, %parallel_loop3A_197 : vector<16xf32>
      %parallel_loop3A_199 = arith.constant 15 : i32
      %parallel_loop3A_200 = arith.constant 1 : i32
      %parallel_loop3A_201 = arith.index_cast %parallel_loop3A_199 : i32 to index
      %parallel_loop3A_202 = arith.index_cast %parallel_loop3A_200 : i32 to index
      %parallel_loop3A_203 = arith.index_cast %parallel_loop3A_94 : i32 to index
      %parallel_loop3A_204 = tpu.vector_load %arg13[%parallel_loop3A_201, %parallel_loop3A_202, %parallel_loop3A_203] {strides = array<i32>} : memref<16x2x256xf32, #tpu.memory_space<vmem>>, vector<16xf32>,
      %parallel_loop3A_205 = arith.addf %parallel_loop3A_198, %parallel_loop3A_204 : vector<16xf32>
      %parallel_loop3A_206 = arith.constant 16 : i32
      %parallel_loop3A_207 = arith.muli %parallel_loop3A_90, %parallel_loop3A_206 : i32
      %parallel_loop3A_208 = arith.constant 3 : i32
      %parallel_loop3A_209 = arith.index_cast %parallel_loop3A_208 : i32 to index
      %parallel_loop3A_210 = arith.index_cast %parallel_loop3A_207 : i32 to index
      %parallel_loop3A_211 = tpu.vector_load %arg14[%parallel_loop3A_209, %parallel_loop3A_210] {strides = array<i32>} : memref<4x128xf32, #tpu.memory_space<vmem>>, vector<16xf32>,
      tpu.vector_store %arg14[%parallel_loop3A_209, %parallel_loop3A_210], %parallel_loop3A_205 {strides = array<i32>} : memref<4x128xf32, #tpu.memory_space<vmem>>, vector<16xf32>,
    } {sc.loop_unroll_factor = 2 : i64, sc.parallel_access}
    %mul3A_74 = arith.constant 64 : i32
    %mul3A_75 = arith.muli %arg0, %mul3A_74 : i32
    %add3A_76 = arith.constant 0 : i32
    %add3A_77 = arith.addi %mul3A_75, %add3A_76 : i32
    %mul3A_78 = arith.constant 2 : i32
    %mul3A_79 = arith.muli %arg1, %mul3A_78 : i32
    %add3A_80 = arith.addi %add3A_77, %mul3A_79 : i32
    %multiple_of3A_81 = tpu.assume_multiple %add3A_80, 2 : i32
    "tpu.region"() ({
      %run_scoped3A_90 = tpu.sem_alloc : memref<!tpu.dma_semaphore, #tpu.memory_space<semaphore_mem>>
      %dma_start3A = arith.constant 0 : i32
      %dma_start3A_91 = arith.constant 0 : i32
      %dma_start3A_92 = tpu.memref_slice %arg14[%dma_start3A, %dma_start3A_91] : memref<4x128xf32, #tpu.memory_space<vmem>> -> memref<2x128xf32, #tpu.memory_space<vmem>>
      %dma_start3A_93 = arith.constant 0 : i32
      %dma_start3A_94 = tpu.memref_slice %arg4[%multiple_of3A_81, %dma_start3A_93] : memref<128x128xf32, #tpu.memory_space<hbm>> -> memref<2x128xf32, #tpu.memory_space<hbm>>
      %dma_start3A_95 = arith.constant 0 : i32
      %dma_start3A_96 = tpu.memref_slice %arg4[%multiple_of3A_81, %dma_start3A_95] : memref<128x128xf32, #tpu.memory_space<hbm>> -> memref<2x128xf32, #tpu.memory_space<hbm>>
      %dma_start3A_97 = arith.constant 0 : i32
      %dma_start3A_98 = arith.constant 0 : i32
      %dma_start3A_99 = tpu.memref_slice %arg14[%dma_start3A_97, %dma_start3A_98] : memref<4x128xf32, #tpu.memory_space<vmem>> -> memref<2x128xf32, #tpu.memory_space<vmem>>
      tpu.enqueue_dma source(%dma_start3A_99 : memref<2x128xf32, #tpu.memory_space<vmem>>) target(%dma_start3A_96 : memref<2x128xf32, #tpu.memory_space<hbm>>) target_semaphore(%run_scoped3A_90 : memref<!tpu.dma_semaphore, #tpu.memory_space<semaphore_mem>>)
      %dma_wait3A = arith.constant 0 : i32
      %dma_wait3A_100 = arith.constant 0 : i32
      %dma_wait3A_101 = tpu.memref_slice %arg14[%dma_wait3A, %dma_wait3A_100] : memref<4x128xf32, #tpu.memory_space<vmem>> -> memref<2x128xf32, #tpu.memory_space<vmem>>
      %dma_wait3A_102 = arith.constant 0 : i32
      %dma_wait3A_103 = tpu.memref_slice %arg4[%multiple_of3A_81, %dma_wait3A_102] : memref<128x128xf32, #tpu.memory_space<hbm>> -> memref<2x128xf32, #tpu.memory_space<hbm>>
      %dma_wait3A_104 = arith.constant 0 : i32
      %dma_wait3A_105 = tpu.memref_slice %arg4[%multiple_of3A_81, %dma_wait3A_104] : memref<128x128xf32, #tpu.memory_space<hbm>> -> memref<2x128xf32, #tpu.memory_space<hbm>>
      %dma_wait3A_106 = arith.constant 0 : i32
      %dma_wait3A_107 = arith.constant 0 : i32
      %dma_wait3A_108 = tpu.memref_slice %arg14[%dma_wait3A_106, %dma_wait3A_107] : memref<4x128xf32, #tpu.memory_space<vmem>> -> memref<2x128xf32, #tpu.memory_space<vmem>>
      tpu.wait_dma2 semaphore(%run_scoped3A_90 : memref<!tpu.dma_semaphore, #tpu.memory_space<semaphore_mem>>) src(%dma_wait3A_108 : memref<2x128xf32, #tpu.memory_space<vmem>>) dst(%dma_wait3A_105 : memref<2x128xf32, #tpu.memory_space<hbm>>)
      tpu.yield
    }) : () -> ()
    %mul3A_82 = arith.constant 64 : i32
    %mul3A_83 = arith.muli %arg0, %mul3A_82 : i32
    %add3A_84 = arith.constant 32 : i32
    %add3A_85 = arith.addi %mul3A_83, %add3A_84 : i32
    %mul3A_86 = arith.constant 2 : i32
    %mul3A_87 = arith.muli %arg1, %mul3A_86 : i32
    %add3A_88 = arith.addi %add3A_85, %mul3A_87 : i32
    %multiple_of3A_89 = tpu.assume_multiple %add3A_88, 2 : i32
    "tpu.region"() ({
      %run_scoped3A_90 = tpu.sem_alloc : memref<!tpu.dma_semaphore, #tpu.memory_space<semaphore_mem>>
      %dma_start3A = arith.constant 2 : i32
      %dma_start3A_91 = arith.constant 0 : i32
      %dma_start3A_92 = tpu.memref_slice %arg14[%dma_start3A, %dma_start3A_91] : memref<4x128xf32, #tpu.memory_space<vmem>> -> memref<2x128xf32, #tpu.memory_space<vmem>>
      %dma_start3A_93 = arith.constant 0 : i32
      %dma_start3A_94 = tpu.memref_slice %arg4[%multiple_of3A_89, %dma_start3A_93] : memref<128x128xf32, #tpu.memory_space<hbm>> -> memref<2x128xf32, #tpu.memory_space<hbm>>
      %dma_start3A_95 = arith.constant 0 : i32
      %dma_start3A_96 = tpu.memref_slice %arg4[%multiple_of3A_89, %dma_start3A_95] : memref<128x128xf32, #tpu.memory_space<hbm>> -> memref<2x128xf32, #tpu.memory_space<hbm>>
      %dma_start3A_97 = arith.constant 2 : i32
      %dma_start3A_98 = arith.constant 0 : i32
      %dma_start3A_99 = tpu.memref_slice %arg14[%dma_start3A_97, %dma_start3A_98] : memref<4x128xf32, #tpu.memory_space<vmem>> -> memref<2x128xf32, #tpu.memory_space<vmem>>
      tpu.enqueue_dma source(%dma_start3A_99 : memref<2x128xf32, #tpu.memory_space<vmem>>) target(%dma_start3A_96 : memref<2x128xf32, #tpu.memory_space<hbm>>) target_semaphore(%run_scoped3A_90 : memref<!tpu.dma_semaphore, #tpu.memory_space<semaphore_mem>>)
      %dma_wait3A = arith.constant 2 : i32
      %dma_wait3A_100 = arith.constant 0 : i32
      %dma_wait3A_101 = tpu.memref_slice %arg14[%dma_wait3A, %dma_wait3A_100] : memref<4x128xf32, #tpu.memory_space<vmem>> -> memref<2x128xf32, #tpu.memory_space<vmem>>
      %dma_wait3A_102 = arith.constant 0 : i32
      %dma_wait3A_103 = tpu.memref_slice %arg4[%multiple_of3A_89, %dma_wait3A_102] : memref<128x128xf32, #tpu.memory_space<hbm>> -> memref<2x128xf32, #tpu.memory_space<hbm>>
      %dma_wait3A_104 = arith.constant 0 : i32
      %dma_wait3A_105 = tpu.memref_slice %arg4[%multiple_of3A_89, %dma_wait3A_104] : memref<128x128xf32, #tpu.memory_space<hbm>> -> memref<2x128xf32, #tpu.memory_space<hbm>>
      %dma_wait3A_106 = arith.constant 2 : i32
      %dma_wait3A_107 = arith.constant 0 : i32
      %dma_wait3A_108 = tpu.memref_slice %arg14[%dma_wait3A_106, %dma_wait3A_107] : memref<4x128xf32, #tpu.memory_space<vmem>> -> memref<2x128xf32, #tpu.memory_space<vmem>>
      tpu.wait_dma2 semaphore(%run_scoped3A_90 : memref<!tpu.dma_semaphore, #tpu.memory_space<semaphore_mem>>) src(%dma_wait3A_108 : memref<2x128xf32, #tpu.memory_space<vmem>>) dst(%dma_wait3A_105 : memref<2x128xf32, #tpu.memory_space<hbm>>)
      tpu.yield
    }) : () -> ()
    return
  }
}

module attributes {stable_mosaic.version = 14 : i64} {
  func.func @body(%arg0: i32, %arg1: memref<3x131072xf32, #tpu.memory_space<vmem>>, %arg2: memref<3x131072xf32, #tpu.memory_space<vmem>>, %arg3: memref<131072xi8, #tpu.memory_space<vmem>>, %arg4: memref<131072xf32, #tpu.memory_space<vmem>>) attributes {dimension_semantics = [#tpu.dimension_semantics<arbitrary>], iteration_bounds = array<i64: 8>, scalar_prefetch = 0 : i64, scratch_operands = 0 : i64, tpu.core_type = #tpu.core_type<tc>, window_params = [{transform_indices = @transform_0, window_bounds = array<i64: 3, 131072>}, {transform_indices = @transform_1, window_bounds = array<i64: 3, 131072>}, {transform_indices = @transform_2, window_bounds = array<i64: 131072>}, {transform_indices = @transform_3, window_bounds = array<i64: 131072>}]} {
    %get3A = arith.constant 0 : index
    %get3A_0 = arith.constant 0 : index
    %get3A_1 = vector.load %arg1[%get3A, %get3A_0] : memref<3x131072xf32, #tpu.memory_space<vmem>>, vector<3x131072xf32>
    %get3A_2 = arith.constant 0 : index
    %get3A_3 = arith.constant 0 : index
    %get3A_4 = vector.load %arg2[%get3A_2, %get3A_3] : memref<3x131072xf32, #tpu.memory_space<vmem>>, vector<3x131072xf32>
    %sub3A = arith.subf %get3A_1, %get3A_4 : vector<3x131072xf32>
    %mul3A = arith.mulf %sub3A, %sub3A : vector<3x131072xf32>
    %slice3A = vector.extract_strided_slice %mul3A {offsets = [0, 0], sizes = [1, 131072], strides = [1, 1]} : vector<3x131072xf32> to vector<1x131072xf32>
    %squeeze3A = vector.shape_cast %slice3A : vector<1x131072xf32> to vector<131072xf32>
    %slice3A_5 = vector.extract_strided_slice %mul3A {offsets = [1, 0], sizes = [1, 131072], strides = [1, 1]} : vector<3x131072xf32> to vector<1x131072xf32>
    %squeeze3A_6 = vector.shape_cast %slice3A_5 : vector<1x131072xf32> to vector<131072xf32>
    %add3A = arith.addf %squeeze3A, %squeeze3A_6 : vector<131072xf32>
    %slice3A_7 = vector.extract_strided_slice %mul3A {offsets = [2, 0], sizes = [1, 131072], strides = [1, 1]} : vector<3x131072xf32> to vector<1x131072xf32>
    %squeeze3A_8 = vector.shape_cast %slice3A_7 : vector<1x131072xf32> to vector<131072xf32>
    %add3A_9 = arith.addf %add3A, %squeeze3A_8 : vector<131072xf32>
    %get3A_10 = arith.constant 0 : index
    %get3A_11 = vector.load %arg3[%get3A_10] : memref<131072xi8, #tpu.memory_space<vmem>>, vector<131072xi8>
    %ne3A = arith.constant 0 : i8
    %ne3A_12 = vector.broadcast %ne3A : i8 to vector<131072xi8>
    %ne3A_13 = arith.cmpi ne, %get3A_11, %ne3A_12 : vector<131072xi8>
    %jit3A = arith.constant -1.000000e+00 : f32
    %broadcast_in_dim3A = vector.broadcast %jit3A : f32 to vector<131072xf32>
    %select_n3A = arith.select %ne3A_13, %add3A_9, %broadcast_in_dim3A : vector<131072xi1>, vector<131072xf32>
    %swap3A = arith.constant 0 : index
    %swap3A_14 = vector.load %arg4[%swap3A] : memref<131072xf32, #tpu.memory_space<vmem>>, vector<131072xf32>
    tpu.vector_store %arg4[%swap3A], %select_n3A {strides = array<i32>} : memref<131072xf32, #tpu.memory_space<vmem>>, vector<131072xf32>,
    return
  }
  func.func @transform_0(%arg0: i32) -> (i32, i32) {
    %c0_i32 = arith.constant 0 : i32
    %c0_i32_0 = arith.constant 0 : i32
    return %c0_i32, %arg0 : i32, i32
  }
  func.func @transform_1(%arg0: i32) -> (i32, i32) {
    %c0_i32 = arith.constant 0 : i32
    %c0_i32_0 = arith.constant 0 : i32
    return %c0_i32, %arg0 : i32, i32
  }
  func.func @transform_2(%arg0: i32) -> i32 {
    %c0_i32 = arith.constant 0 : i32
    return %arg0 : i32
  }
  func.func @transform_3(%arg0: i32) -> i32 {
    %c0_i32 = arith.constant 0 : i32
    return %arg0 : i32
  }
}

module attributes {stable_mosaic.version = 14 : i64} {
  func.func @fin(%arg0: memref<128x128xf32, #tpu.memory_space<vmem>>, %arg1: memref<1x1xf32, #tpu.memory_space<vmem>>) attributes {dimension_semantics = [], scalar_prefetch = 0 : i64, scratch_operands = 0 : i64, tpu.core_type = #tpu.core_type<tc>} {
    %get3A = arith.constant 0 : index
    %get3A_0 = arith.constant 0 : index
    %get3A_1 = vector.load %arg0[%get3A, %get3A_0] : memref<128x128xf32, #tpu.memory_space<vmem>>, vector<128x128xf32>
    %slice3A = vector.extract_strided_slice %get3A_1 {offsets = [0, 0], sizes = [32, 128], strides = [1, 1]} : vector<128x128xf32> to vector<32x128xf32>
    %slice3A_2 = vector.extract_strided_slice %get3A_1 {offsets = [64, 0], sizes = [32, 128], strides = [1, 1]} : vector<128x128xf32> to vector<32x128xf32>
    %add3A = arith.addf %slice3A, %slice3A_2 : vector<32x128xf32>
    %slice3A_3 = vector.extract_strided_slice %get3A_1 {offsets = [32, 0], sizes = [32, 128], strides = [1, 1]} : vector<128x128xf32> to vector<32x128xf32>
    %slice3A_4 = vector.extract_strided_slice %get3A_1 {offsets = [96, 0], sizes = [32, 128], strides = [1, 1]} : vector<128x128xf32> to vector<32x128xf32>
    %add3A_5 = arith.addf %slice3A_3, %slice3A_4 : vector<32x128xf32>
    %max3A = arith.constant 1.000000e+00 : f32
    %max3A_6 = vector.broadcast %max3A : f32 to vector<32x128xf32>
    %max3A_7 = arith.maximumf %add3A_5, %max3A_6 : vector<32x128xf32>
    %div3A = arith.divf %add3A, %max3A_7 : vector<32x128xf32>
    %reduce_sum3A = vector.shape_cast %div3A : vector<32x128xf32> to vector<1x32x128xf32>
    %reduce_sum3A_8 = arith.constant dense<0.000000e+00> : vector<1xf32>
    %reduce_sum3A_9 = vector.multi_reduction <add>, %reduce_sum3A, %reduce_sum3A_8 [1, 2] : vector<1x32x128xf32> to vector<1xf32>
    %reduce_sum3A_10 = vector.shape_cast %reduce_sum3A_9 : vector<1xf32> to vector<1x1x1xf32>
    %reduce_sum3A_11 = vector.extract %reduce_sum3A_10[0, 0, 0] : f32 from vector<1x1x1xf32>
    %mul3A = arith.constant 2.44140625E-4 : f32
    %mul3A_12 = arith.mulf %reduce_sum3A_11, %mul3A : f32
    %reshape3A = vector.broadcast %mul3A_12 : f32 to vector<1x1xf32>
    %swap3A = arith.constant 0 : index
    %swap3A_13 = arith.constant 0 : index
    %swap3A_14 = vector.load %arg1[%swap3A, %swap3A_13] : memref<1x1xf32, #tpu.memory_space<vmem>>, vector<1x1xf32>
    tpu.vector_store %arg1[%swap3A, %swap3A_13], %reshape3A {strides = array<i32>} : memref<1x1xf32, #tpu.memory_space<vmem>>, vector<1x1xf32>,
    return
  }
}

</mosaic_0001>

<sc_bundles>
// kernel: kernel.5.cloned.1.call-start
scs
__scs_entry_jumppad:
0x0: {  	(pc) =	sbr.rel $0x88, $3  }
0x1: {  	(tag) =	ssettag $0x0;
	lr =	simm.s32 $0x1  }
0x2: {  	[smem:$0x3F9D] =	sst lr;
	_ =	strace $0xD0000000  }
0x3: {  	_ = 	snop  }
0x4: {  	_ = 	snop  }
0x5: {  	_ = 	snop  }
0x6: {  	_ = 	snop  }
0x7: {  	_ = 	snop  }
__scs_overlays_trampoline_lowered:
0x8: {  	[smem:$0x3FAC] =	sst s0  }
0x9: {  	[smem:$0x3FAD] =	sst s1  }
0xa: {  	[smem:$0x3FAE] =	sst s2  }
0xb: {  	[smem:$0x3FAF] =	sst s3  }
0xc: {  	[smem:$0x3FB0] =	sst s4  }
0xd: {  	[smem:$0x3FB1] =	sst s5  }
0xe: {  	[smem:$0x3FB2] =	sst s6  }
0xf: {  	[smem:$0x3FB3] =	sst s7  }
0x10: {  	[smem:$0x3FB4] =	sst s8  }
0x11: {  	[smem:$0x3FB5] =	sst s9;
	s0 =	simm.s32 @!p0 $0x0  }
0x12: {  	s1 =	sld [smem:$0x3F9B];
	s0 =	simm.s32 @p0 $0x1  }
0x13: {  	[smem:$0x3FB6] =	sst s0;
	s0 =	simm.s32 @!p1 $0x0  }
0x14: {  	s2 =	sld [smem:$0x3F9A];
	s0 =	simm.s32 @p1 $0x1  }
0x15: {  	[smem:$0x3FB7] =	sst s0;
	s0 =	simm.s32 @!p2 $0x0  }
0x16: {  	s3 =	sld [smem:$0x3FDB];
	s0 =	simm.s32 @p2 $0x1  }
0x17: {  	s4 =	simm.s32 $0x1BF5;
	[smem:$0x3FB9] =	sst s0  }
0x18: {  	s0 =	sld [smem:$0x3F9C];
	_ =	swait.ge [sflag:s4], $0x0  }
0x19: {  	s7 =	sld [smem:$0x3F9D]  }
0x1a: {  	s8 =	sadd.s32 $0xFFFFE003, lr  }
0x1b: {  	s9 =	sadd.s32 $0xFFFFFEF7, lr;
	s5 =	simm.s32 $0xFFFFFFFF;
	p2 =	slt.u32 s8, $0xFFFFF086  }
0x1c: {  	p1 =	slt.u32 s9, $0xF7A;
	s5 =	simm.s32 @!p2 $0x0  }
0x1d: {  	s5 =	simm.s32 @p1 $0x1;
	p0 =	seq.s32 s7, s2  }
0x1e: {  	s7 =	smul.u32 @!p0 $0xF7A, s2;
	p2 =	seq.s32 @!p0 s5, $0x0  }
0x1f: {  	s9 =	smul.u32 $0xF7A, s1;
	s8 =	simm.s32 @!p0 $0x1BF5;
	p2 =	por !p2, p0  }
0x20: {  	[sflag:s8] =	ssyncset.s32 @!p0 $0xFFFFF086;
	s6 =	sadd.s32 @!p0 s3, s7;
	s7 =	simm.s32 @!p0 $0x108  }
0x21: {  	s3 =	sadd.s32 s3, s9;
	s6 =	sadd.s32 @!p0 $0x88, s6;
	s7 =	simm.s32 @p2 $0x1082  }
0x22: {  	[simem:s7], [sflag:s8] =	dma.local @!p0 [hbm:s6], $0xF7A  }
0x23: {  	s9 =	sor.u32 $0xD0000000, s2;
	s6 =	simm.s32 $0x108;
	_ =	swait.ge @!p0 [sflag:s8], $0x0  }
0x24: {  	s3 =	sadd.s32 $0x88, s3;
	s6 =	simm.s32 @!p1 $0x1082;
	[sflag:s4] =	ssyncset.s32 $0xFFFFF086  }
0x25: {  	[simem:s6], [sflag:s4] =	dma.local [hbm:s3], $0xF7A  }
0x26: {  	[smem:$0x3F9D] =	sst s1;
	(tag) =	ssettag s2;
	_ =	strace s9  }
0x27: {  	s1 =	sld [smem:$0x3FAD]  }
0x28: {  	s2 =	sld [smem:$0x3FAE]  }
0x29: {  	s4 =	sld [smem:$0x3FB0]  }
0x2a: {  	p0 =	seq.s32 s5, $0x0;
	s5 =	sld [smem:$0x3FB1]  }
0x2b: {  	s6 =	sld [smem:$0x3FB2]  }
0x2c: {  	s7 =	sld [smem:$0x3FB3]  }
0x2d: {  	s3 =	simm.s32 $0x108;
	s8 =	sld [smem:$0x3FB4]  }
0x2e: {  	s3 =	simm.s32 @!p0 $0x1082;
	s9 =	sld [smem:$0x3FB5]  }
0x2f: {  	lr =	sadd.s32 s0, s3;
	s0 =	sld [smem:$0x3FAC]  }
0x30: {  	s3 =	sld [smem:$0x3FAF]  }
0x31: {  	[smem:$0x3FB8] =	sst s10  }
0x32: {  	s10 =	sld [smem:$0x3FB6];
	_ =	sdelay $0x3  }
0x33: {  	p0 =	seq.s32 s10, $0x1;
	s10 =	sld [smem:$0x3FB8];
	_ =	sdelay $0x3  }
0x34: {  	[smem:$0x3FB8] =	sst s10  }
0x35: {  	s10 =	sld [smem:$0x3FB7];
	_ =	sdelay $0x3  }
0x36: {  	p1 =	seq.s32 s10, $0x1;
	s10 =	sld [smem:$0x3FB8];
	_ =	sdelay $0x3  }
0x37: {  	[smem:$0x3FB8] =	sst s10  }
0x38: {  	s10 =	sld [smem:$0x3FB9]  }
0x39: {  	_ = 	snop;
	(pc) =	sbr.ind lr, $3  }
0x3a: {  	_ = 	snop  }
0x3b: {  	_ = 	snop  }
0x3c: {  	p2 =	seq.s32 s10, $0x1;
	s10 =	sld [smem:$0x3FB8]  }
0x3d: {  	_ =	shalt  }
0x3e: {  	_ =	shalt  }
0x3f: {  	_ =	shalt  }
0x40: {  	_ =	shalt  }
0x41: {  	_ =	shalt  }
0x42: {  	_ =	shalt  }
0x43: {  	_ =	shalt  }
0x44: {  	_ =	shalt  }
0x45: {  	_ =	shalt  }
0x46: {  	_ =	shalt  }
0x47: {  	_ =	shalt  }
0x48: {  	_ =	shalt  }
0x49: {  	_ =	shalt  }
0x4a: {  	_ =	shalt  }
0x4b: {  	_ =	shalt  }
0x4c: {  	_ =	shalt  }
0x4d: {  	_ =	shalt  }
0x4e: {  	_ =	shalt  }
0x4f: {  	_ =	shalt  }
0x50: {  	_ =	shalt  }
0x51: {  	_ =	shalt  }
0x52: {  	_ =	shalt  }
0x53: {  	_ =	shalt  }
0x54: {  	_ =	shalt  }
0x55: {  	_ =	shalt  }
0x56: {  	_ =	shalt  }
0x57: {  	_ =	shalt  }
0x58: {  	_ =	shalt  }
0x59: {  	_ =	shalt  }
0x5a: {  	_ =	shalt  }
0x5b: {  	_ =	shalt  }
0x5c: {  	_ =	shalt  }
0x5d: {  	_ =	shalt  }
0x5e: {  	_ =	shalt  }
0x5f: {  	_ =	shalt  }
0x60: {  	_ =	shalt  }
0x61: {  	_ =	shalt  }
0x62: {  	_ =	shalt  }
0x63: {  	_ =	shalt  }
0x64: {  	_ =	shalt  }
0x65: {  	_ =	shalt  }
0x66: {  	_ =	shalt  }
0x67: {  	_ =	shalt  }
0x68: {  	_ =	shalt  }
0x69: {  	_ =	shalt  }
0x6a: {  	_ =	shalt  }
0x6b: {  	_ =	shalt  }
0x6c: {  	_ =	shalt  }
0x6d: {  	_ =	shalt  }
0x6e: {  	_ =	shalt  }
0x6f: {  	_ =	shalt  }
0x70: {  	_ =	shalt  }
0x71: {  	_ =	shalt  }
0x72: {  	_ =	shalt  }
0x73: {  	_ =	shalt  }
0x74: {  	_ =	shalt  }
0x75: {  	_ =	shalt  }
0x76: {  	_ =	shalt  }
0x77: {  	_ =	shalt  }
0x78: {  	_ =	shalt  }
0x79: {  	_ =	shalt  }
0x7a: {  	_ =	shalt  }
0x7b: {  	_ =	shalt  }
0x7c: {  	_ =	shalt  }
0x7d: {  	_ =	shalt  }
0x7e: {  	_ =	shalt  }
0x7f: {  	_ =	shalt  }
0x80: {  	_ =	shalt  }
0x81: {  	_ =	shalt  }
0x82: {  	_ =	shalt  }
0x83: {  	_ =	shalt  }
0x84: {  	_ =	shalt  }
0x85: {  	_ =	shalt  }
0x86: {  	_ =	shalt  }
0x87: {  	_ =	shalt  }
.Lfunc_end0:
.L_simem_size_0:
called_computation_lowered:
.L_overlay_start_0:
0x88: {  	s2 =	sld [smem:$0x3FD9]  }
0x89: {  	s3 =	sld [smem:$0x3FFE];
	_ =	sdelay $0x1  }
0x8a: {  	s1 =	srdreg.scid  }
0x8b: {  	s0 =	sand.u32 $0x1, s1  }
0x8c: {  	s17 =	sshll.u32 s0, $0xA;
	s2 =	sadd.s32 s3, s2  }
0x8d: {  	s2 =	sadd.s32 s2, s17  }
0x8e: {  	[smem:$0x3FC4] =	sst s2  }
0x8f: {  	_ = 	snop  }
0x90: {  	s2 =	sld [smem:$0x3FC6];
	(tm) =	ssettm $0x1  }
0x91: {  	s18 =	sld [smem:$0x3FFB];
	_ =	sdelay $0x3  }
0x92: {  	_ =	strace s18  }
0x93: {  	s3 =	sld [smem:$0x3FFC];
	_ =	sdelay $0x3  }
0x94: {  	_ =	strace s3  }
0x95: {  	s3 =	sld [smem:$0x3FFD];
	_ =	sdelay $0x3  }
0x96: {  	_ =	strace s3  }
0x97: {  	_ =	strace $0x8FFFFFFF  }
0x98: {  	s19 =	sld [smem:$0x3FDB];
	_ =	sdelay $0x1  }
0x99: {  	s4 =	simm.s32 $_scs_section_size  }
0x9a: {  	s5 =	simm.s32 $_size__tile_overlayer_lowered;
	s6 =	simm.s32 $_tile_overlayer_lowered  }
0x9b: {  	s22 =	simm.s32 $0x1BFF;
	s21 =	sshll.u32 s6, $0x1;
	s3 =	sadd.s32 s4, s19  }
0x9c: {  	s7 =	simm.s32 $0x0;
	s20 =	sshll.u32 s5, $0x1;
	s5 =	sadd.s32 s21, s3  }
0x9d: {  	[timem:s7], [sflag:s22] =	dma.local [hbm:s5], s20  }
0x9e: {  	_ =	swait.ge [sflag:s22], s20  }
0x9f: {  	s4 =	ssub.s32 $0x0, s20;
	[sflag:s22] =	ssyncset.done $0x0  }
0xa0: {  	[sflag:s22] =	ssyncadd.s32 s4;
	_ =	sdelay $0x1  }
0xa1: {  	s23 =	simm.s32 $0x1B8B  }
0xa2: {  	_ =	swait.ge [sflag:s23], $0x1  }
0xa3: {  	[sflag:s23] =	ssyncset.done $0x0  }
0xa4: {  	s25 =	simm.s32 $0x1B8E;
	s24 =	sld [smem:$0x3FFE];
	[sflag:s23] =	ssyncadd.s32 $0xFFFFFFFF  }
0xa5: {  	s26 =	simm.s32 $execute0_lowered;
	[smem:$0x3FD2] =	sst s25  }
0xa6: {  	s5 =	sshll.u32 s26, $0x1;
	_ =	strace $0x80000046;
	[dreg:$0x1] =	wrdreg $0xFFFFFFFF  }
0xa7: {  	s28 =	simm.s32 $_size_execute0_lowered;
	s3 =	sadd.s32 s3, s5;
	[dreg:$0x0] =	wrdreg $0x0  }
0xa8: {  	s5 =	sshll.u32 s28, $0x1;
	[dreg:$0x2] =	wrdreg s3  }
0xa9: {  	[dreg:$0x3] =	wrdreg s5  }
0xaa: {  	[dreg:$0x4] =	wrdreg $0xC0  }
0xab: {  	_ =	task [dreg:s7], $0x5FFFF  }
0xac: {  	[dreg:$0x1] =	wrdreg $0xFFFFFFFF  }
0xad: {  	[dreg:$0x0] =	wrdreg $0x60  }
0xae: {  	[dreg:$0x2] =	wrdreg s24  }
0xaf: {  	[dreg:$0x3] =	wrdreg s2  }
0xb0: {  	[dreg:$0x4] =	wrdreg $0x1B2000  }
0xb1: {  	[dreg:$0x5] =	wrdreg $0x9  }
0xb2: {  	_ =	task.clear_ibuf [dreg:s7], $0x6FFFF;
	_ =	strace $0x90000046  }
0xb3: {  	s29 =	simm.s32 $0x9;
	_ =	strace $0x80000048  }
0xb4: {  	_ =	swait.ge [sflag:s29], $0x1  }
0xb5: {  	[sflag:s29] =	ssyncadd.s32 $0xFFFFFFFF  }
0xb6: {  	_ =	strace $0x90000048  }
0xb7: {  	_ =	sfence  }
0xb8: {  	s30 =	sld [smem:$0x0];
	_ =	sdelay $0x2  }
0xb9: {  	s31 =	sshll.u32 s1, $0xD;
	s1 =	sshrl.u32 s1, $0x2  }
0xba: {  	s3 =	sand.u32 $0x4000, s31;
	s1 =	sadd.s32 s1, s30  }
0xbb: {  	s0 =	sor.u32 s3, s0;
	s1 =	sshll.u32 s1, $0x11  }
0xbc: {  	s0 =	sor.u32 s1, s0  }
0xbd: {  	s0 =	sadd.s32 $0x8F2B, s0  }
0xbe: {  	[sflag:s0] =	ssyncadd.remote.s32 $0x1  }
0xbf: {  	_ =	sfence.sel $0xFFFF  }
0xc0: {  	[dreg:$0x0] =	wrdreg $0xFFFFFFFF;
	(pc) =	sbr.abs _section_cstart, $3  }
0xc1: {  	[dreg:$0x1] =	wrdreg $0xFFFFFFFF  }
0xc2: {  	_ =	task.clear_ibuf [dreg:s7], $0x2FFFF;
	_ =	strace $0x9FFFFFFF  }
0xc3: {  	(tm) =	ssettm $0x7FFFFFFF  }
tec
execute0_lowered:
.L_overlay_start_1:
0x0: {  	(tag) =	ssettag $0x1  }
0x1: {  	s0 =	rddreg [dreg:$0x0]  }
0x2: {  	s1 =	rddreg [dreg:$0x1]  }
0x3: {  	s2 =	rddreg [dreg:$0x2];
	s3 =	simm.s32 $0x0;
	s11 =	srdreg.scid  }
0x4: {  	s9 =	stileid.u32;
	[smem:$0x7FF] =	sst s3  }
0x5: {  	s3 =	sand.u32 $0x1, s11;
	s4 =	sadd.s32 $0xA00, s0;
	s5 =	sshll.u32 s9, $0x1  }
0x6: {  	s7 =	sshll.u32 s9, $0x5;
	p0 =	slt.u32 s9, $0xD;
	s18 =	sshll.u32 s9, $0xD  }
0x7: {  	s19 =	sshll.u32 s9, $0x9;
	s9 =	simm.s32 $0x3;
	_ =	strace $0x80000047  }
0x8: {  	s6 =	sshll.u32 s3, $0xA;
	s8 =	ssub.s32 $0x2, s3;
	s5 =	sor.u32 s3, s5  }
0x9: {  	s3 =	simm.s32 $0x1;
	s12 =	sor.u32 s7, s6;
	s14 =	smul.u32 $0xFA0, s5  }
0xa: {  	s13 =	sshrl.u32 s8, $0x1;
	s16 =	smul.u32 $0x1F4, s5;
	s6 =	simm.s32 $0x8  }
0xb: {  	s0 =	sadd.s32 s12, s0;
	s15 =	ssub.s32 s8, s13;
	s6 =	simm.s32 @!p0 $0x7  }
0xc: {  	s13 =	simm.s32 $0x0;
	s7 =	sshrl.u32 s14, $0x3;
	s10 =	sadd.s32 s4, s16  }
0xd: {  	s8 =	sadd.s32 s1, s16;
	s11 =	sadd.s32 $0xFFFFFFFF, s6;
	s12 =	sadd.s32 $0xFFFFFFFE, s6  }
0xe: {  	s14 =	sadd.s32 s19, s2;
	[dreg:$0x4] =	wrdreg s10;
	s7 =	sadd.s32 $0x3E80, s7  }
0xf: {  	[dreg:$0x5] =	wrdreg s8;
	s20 =	sadd.s32 $0x4000, s14;
	s21 =	sadd.s32 $0x6000, s14  }
0x10: {  	s22 =	sadd.s32 $0x8000, s14;
	s23 =	sadd.s32 $0xA000, s14;
	[dreg:$0xa] =	wrdreg s20  }
0x11: {  	s24 =	sadd.s32 $0xC000, s14;
	s25 =	sadd.s32 $0xE000, s14;
	[dreg:$0xb] =	wrdreg s21  }
0x12: {  	s26 =	sadd.s32 $0x10000, s14;
	s28 =	sadd.s32 $0x14000, s14;
	[dreg:$0xc] =	wrdreg s22  }
0x13: {  	s29 =	sadd.s32 $0x16000, s14;
	s30 =	sadd.s32 $0x18000, s14;
	[dreg:$0xd] =	wrdreg s23  }
0x14: {  	s31 =	sadd.s32 $0x1A000, s14;
	s8 =	simm.s32 $0x2;
	[dreg:$0xe] =	wrdreg s24  }
0x15: {  	s10 =	simm.s32 $0x4;
	s17 =	sadd.s32 s4, s7;
	[dreg:$0xf] =	wrdreg s25  }
0x16: {  	s7 =	sadd.s32 s1, s7;
	[dreg:$0x10] =	wrdreg s26;
	s23 =	sadd.s32 $0x1F400, s0  }
0x17: {  	v0 =	vlaneseq.u32;
	s24 =	sadd.s32 $0x1F600, s0;
	s25 =	smax.u32 s15, $0x1;
	[dreg:$0x6] =	wrdreg s17  }
0x18: {  	v2 =	vmul.u32 $0xFFFFFFFF, v0;
	s26 =	sadd.s32 $0x12000, s14;
	[dreg:$0x7] =	wrdreg s7;
	s7 =	sadd.s32 s18, s2  }
0x19: {  	s0 =	sadd.s32 $0x1C000, s14;
	s2 =	sadd.s32 $0x2000, s14;
	[dreg:$0x8] =	wrdreg s7  }
0x1a: {  	v1 =	vimm.f32 $0.0e+00;
	vm0 =	vmmov $0xff;
	v2 =	vadd.s32 $0xF, v2;
	[dreg:$0x9] =	wrdreg s2;
	s2 =	sadd.s32 $0x1E000, s14;
	s7 =	simm.s32 $0x6000  }
.LBB2_1:
0x1b: {  	s15 =	simm.s32 $0x6100  }
0x1c: {  	[tilespmem:s15+$0xFFFFFF00] =	vst v1  }
0x1d: {  	[tilespmem:s15+$0xF0] =	vst v1  }
0x1e: {  	[tilespmem:s15+$0xE0] =	vst v1  }
0x1f: {  	[tilespmem:s15+$0xD0] =	vst v1  }
0x20: {  	[tilespmem:s15+$0xC0] =	vst v1  }
0x21: {  	[tilespmem:s15+$0xB0] =	vst v1  }
0x22: {  	[tilespmem:s15+$0xA0] =	vst v1  }
0x23: {  	[tilespmem:s15+$0x90] =	vst v1  }
0x24: {  	[tilespmem:s15+$0x80] =	vst v1  }
0x25: {  	[tilespmem:s15+$0x70] =	vst v1  }
0x26: {  	[tilespmem:s15+$0x60] =	vst v1  }
0x27: {  	[tilespmem:s15+$0x50] =	vst v1  }
0x28: {  	[tilespmem:s15+$0x40] =	vst v1  }
0x29: {  	[tilespmem:s15+$0x30] =	vst v1  }
0x2a: {  	[tilespmem:s15+$0x20] =	vst v1  }
0x2b: {  	[tilespmem:s15+$0x10] =	vst v1  }
0x2c: {  	[tilespmem:s15+$0x0] =	vst v1  }
0x2d: {  	[tilespmem:s15+$0xFFFFFFF0] =	vst v1  }
0x2e: {  	[tilespmem:s15+$0xFFFFFFE0] =	vst v1  }
0x2f: {  	[tilespmem:s15+$0xFFFFFFD0] =	vst v1  }
0x30: {  	[tilespmem:s15+$0xFFFFFFC0] =	vst v1  }
0x31: {  	[tilespmem:s15+$0xFFFFFFB0] =	vst v1  }
0x32: {  	[tilespmem:s15+$0xFFFFFFA0] =	vst v1  }
0x33: {  	[tilespmem:s15+$0xFFFFFF90] =	vst v1  }
0x34: {  	[tilespmem:s15+$0xFFFFFF80] =	vst v1  }
0x35: {  	[tilespmem:s15+$0xFFFFFF70] =	vst v1  }
0x36: {  	[tilespmem:s15+$0xFFFFFF60] =	vst v1  }
0x37: {  	[tilespmem:s15+$0xFFFFFF50] =	vst v1  }
0x38: {  	[tilespmem:s15+$0xFFFFFF40] =	vst v1  }
0x39: {  	[tilespmem:s15+$0xFFFFFF30] =	vst v1  }
0x3a: {  	s16 =	simm.s32 $0x0;
	[tilespmem:s15+$0xFFFFFF20] =	vst v1  }
.LBB2_2:
0x3b: {  	s16 =	sadd.s32 $0x2, s16;
	[tilespmem:s15+$0xFFFFFF10] =	vst v1;
	s15 =	sadd.s32 $0x200, s15  }
0x3c: {  	[tilespmem:s15+$0xFFFFFF00] =	vst v1;
	p0 =	slt.u32 s16, $0x10E  }
0x3d: {  	[tilespmem:s15+$0xF0] =	vst v1  }
0x3e: {  	[tilespmem:s15+$0xE0] =	vst v1  }
0x3f: {  	[tilespmem:s15+$0xD0] =	vst v1  }
0x40: {  	[tilespmem:s15+$0xC0] =	vst v1  }
0x41: {  	[tilespmem:s15+$0xB0] =	vst v1  }
0x42: {  	[tilespmem:s15+$0xA0] =	vst v1  }
0x43: {  	[tilespmem:s15+$0x90] =	vst v1  }
0x44: {  	[tilespmem:s15+$0x80] =	vst v1  }
0x45: {  	[tilespmem:s15+$0x70] =	vst v1  }
0x46: {  	[tilespmem:s15+$0x60] =	vst v1  }
0x47: {  	[tilespmem:s15+$0x50] =	vst v1  }
0x48: {  	[tilespmem:s15+$0x40] =	vst v1  }
0x49: {  	[tilespmem:s15+$0x30] =	vst v1  }
0x4a: {  	[tilespmem:s15+$0x20] =	vst v1  }
0x4b: {  	[tilespmem:s15+$0x10] =	vst v1  }
0x4c: {  	[tilespmem:s15+$0x0] =	vst v1  }
0x4d: {  	[tilespmem:s15+$0xFFFFFFF0] =	vst v1  }
0x4e: {  	[tilespmem:s15+$0xFFFFFFE0] =	vst v1  }
0x4f: {  	[tilespmem:s15+$0xFFFFFFD0] =	vst v1  }
0x50: {  	[tilespmem:s15+$0xFFFFFFC0] =	vst v1  }
0x51: {  	[tilespmem:s15+$0xFFFFFFB0] =	vst v1  }
0x52: {  	[tilespmem:s15+$0xFFFFFFA0] =	vst v1  }
0x53: {  	[tilespmem:s15+$0xFFFFFF90] =	vst v1  }
0x54: {  	[tilespmem:s15+$0xFFFFFF80] =	vst v1  }
0x55: {  	[tilespmem:s15+$0xFFFFFF70] =	vst v1  }
.Ltmp0:
0x56: {  	[tilespmem:s15+$0xFFFFFF60] =	vst v1;
	(pc) =	sbr.rel @p0 .LBB2_2-.Ltmp0, $4  }
0x57: {  	[tilespmem:s15+$0xFFFFFF50] =	vst v1  }
0x58: {  	[tilespmem:s15+$0xFFFFFF40] =	vst v1  }
0x59: {  	[tilespmem:s15+$0xFFFFFF30] =	vst v1  }
0x5a: {  	[tilespmem:s15+$0xFFFFFF20] =	vst v1  }
0x5b: {  	[tilespmem:s15+$0xFFFFFF10] =	vst v1  }
0x5c: {  	s15 =	simm.s32 $0x0;
	s16 =	rddreg [dreg:$0x4]  }
0x5d: {  	[tilespmem:s15], [sflag:$0x1] =	stream.linear.gather [hbm4b:s16+s15], $0xFA0, $0x38;
	[tilespmem:$0x1D200] =	vst v63  }
0x5e: {  	s17 =	simm.s32 $0x3000;
	s18 =	rddreg [dreg:$0x5]  }
0x5f: {  	[tilespmem:s17], [sflag:$0x1] =	stream.linear.gather [hbm4b:s18+s15], $0xFA0, $0x38;
	[tilespmem:$0x1D200] =	vst v63  }
.Ltmp1:
0x60: {  	_ = 	snop;
	(pc) =	sbr.rel .LBB2_4-.Ltmp1, $4  }
0x61: {  	s20 =	simm.s32 $0x1000;
	s19 =	rddreg [dreg:$0x6]  }
0x62: {  	[tilespmem:s20], [sflag:$0x2] =	stream.linear.gather [hbm4b:s19+s15], $0xFA0, $0x38;
	[tilespmem:$0x1D200] =	vst v63  }
0x63: {  	s22 =	simm.s32 $0x4000;
	s21 =	rddreg [dreg:$0x7]  }
0x64: {  	[tilespmem:s22], [sflag:$0x2] =	stream.linear.gather [hbm4b:s21+s15], $0xFA0, $0x38;
	[tilespmem:$0x1D200] =	vst v63  }
.LBB2_18:
0x65: {  	s15 =	sadd.s32 $0x1, s15  }
0x66: {  	p0 =	sne.s32 s15, $0x3  }
.Ltmp2:
0x67: {  	_ = 	snop;
	(pc) =	sbr.rel @!p0 .LBB2_19-.Ltmp2, $1  }
0x68: {  	_ =	sdelay $0x3  }
.LBB2_4:
0x69: {  	s16 =	smul.u32 $0x3, s15;
	_ =	sdelay $0x1  }
0x6a: {  	s17 =	sadd.s32 $0x2, s16  }
0x6b: {  	p0 =	sge.u32 s17, s6  }
0x6c: {  	s17 =	sshll.u32 @!p0 s17, $0x5  }
0x6d: {  	s17 =	sor.u32 @!p0 s5, s17  }
0x6e: {  	s17 =	smul.u32 @!p0 $0x1F4, s17;
	_ =	sdelay $0x1  }
0x6f: {  	s19 =	simm.s32 @!p0 $0x0;
	s20 =	simm.s32 @!p0 $0x2000;
	s18 =	sadd.s32 @!p0 s4, s17  }
0x70: {  	[tilespmem:s20], [sflag:$0x3] =	stream.linear.gather @!p0 [hbm4b:s18+s19], $0xFA0, $0x38;
	[tilespmem:$0x1D200] =	vst v63  }
0x71: {  	s17 =	sadd.s32 @!p0 s1, s17;
	s18 =	simm.s32 @!p0 $0x5000  }
0x72: {  	[tilespmem:s18], [sflag:$0x3] =	stream.linear.gather @!p0 [hbm4b:s17+s19], $0xFA0, $0x38;
	[tilespmem:$0x1D200] =	vst v63  }
0x73: {  	_ =	swait.ge [sflag:s3], $0xFA0  }
0x74: {  	[sflag:s3] =	ssyncset.done $0x0  }
0x75: {  	[sflag:s3] =	ssyncadd.s32 $0xFFFFF060  }
0x76: {  	_ =	swait.ge [sflag:s3], $0xFA0  }
0x77: {  	[sflag:s3] =	ssyncset.done $0x0  }
0x78: {  	s22 =	simm.s32 $0x3020;
	[sflag:s3] =	ssyncadd.s32 $0xFFFFF060  }
0x79: {  	v3 =	vld [tilespmem:s22+$0x10]  }
0x7a: {  	v4 =	vld [tilespmem:s22+$0xFFFFFFF0]  }
0x7b: {  	v5 =	vld [tilespmem:s22+$0x0]  }
0x7c: {  	s17 =	simm.s32 $0x20;
	v6 =	vld [tilespmem:s22+$0xFFFFFFE0]  }
0x7d: {  	v7 =	vld [tilespmem:s17+$0x10]  }
0x7e: {  	v10 =	vld [tilespmem:s17+$0xFFFFFFE0]  }
0x7f: {  	v15 =	vld [tilespmem:s17+$0x0];
	_ =	sdelay $0x2  }
0x80: {  	v8 =	vperm.xlane v3, v2;
	v9 =	vperm.xlane v4, v2  }
0x81: {  	v11 =	vld [tilespmem:s17+$0xFFFFFFF0];
	v12 =	vperm.xlane v5, v2;
	v14 =	vperm.xlane v6, v2  }
0x82: {  	vm1 =	vge.f32 v7, $0.0e+00;
	vm2 =	vge.f32 v10, $0.0e+00;
	vm3 =	vge.f32 v15, $0.0e+00  }
0x83: {  	v13 =	vsel vm0, v3, v8;
	v3 =	vsel vm0, v8, v3;
	v16 =	vsel vm0, v9, v4  }
0x84: {  	v17 =	vsel vm0, v6, v14;
	v20 =	vsel vm0, v14, v6;
	v8 =	vmul.u32 $0x11, v13  }
0x85: {  	v21 =	vsel vm0, v5, v12;
	v13 =	vsel vm0, v4, v9;
	v3 =	vmul.u32 $0x11, v3  }
0x86: {  	v4 =	vsel vm1, $0x3F800000, v1;
	vm1 =	vge.f32 v11, $0.0e+00;
	v18 =	vadd.s32 v0, v8  }
0x87: {  	v9 =	vsel vm0, v12, v5;
	v5 =	vsel vm2, $0x3F800000, v1;
	v19 =	vadd.s32 v0, v3  }
0x88: {  	v14 =	vmul.u32 $0x11, v17;
	v3 =	vmax.f32 v7, $0.0e+00;
	v7 =	vperm.xlane v4, v2  }
0x89: {  	v12 =	vmul.u32 $0x11, v20;
	v13 =	vmul.u32 $0x11, v13;
	v6 =	vperm.xlane v3, v2  }
0x8a: {  	v8 =	vmax.f32 v10, $0.0e+00;
	v10 =	vmul.u32 $0x11, v21;
	v7 =	vsel vm0, v3, v7  }
0x8b: {  	v3 =	vsel vm1, $0x3F800000, v1;
	v22 =	vsel vm0, v6, v4;
	v6 =	vmax.f32 v11, $0.0e+00;
	[tilespmem:v18+s7+$0x0] =	vst.idx.add.f32.msk $0xffff, v7  }
0x8c: {  	s18 =	simm.s32 $0x0;
	s19 =	simm.s32 $0x3060;
	v4 =	vsel vm3, $0x3F800000, v1;
	v11 =	vmul.u32 $0x11, v16;
	v7 =	vmax.f32 v15, $0.0e+00;
	[tilespmem:v19+s7+$0x0] =	vst.idx.add.f32.msk $0xffff, v22  }
.LBB2_5:
0x8d: {  	v15 =	vld [tilespmem:s19+$0x10];
	v16 =	vperm.xlane v5, v2;
	v17 =	vperm.xlane v3, v2;
	v9 =	vmul.u32 $0x11, v9  }
0x8e: {  	s18 =	sadd.s32 $0x4, s18;
	v19 =	vperm.xlane v8, v2;
	v14 =	vadd.s32 v0, v14;
	v20 =	vperm.xlane v4, v2;
	v18 =	vld [tilespmem:s19+$0xFFFFFFF0]  }
0x8f: {  	v12 =	vadd.s32 v0, v12;
	v22 =	vperm.xlane v6, v2;
	v23 =	vperm.xlane v7, v2;
	p0 =	slt.u32 s18, $0xF4;
	v21 =	vld [tilespmem:s19+$0x0]  }
0x90: {  	v13 =	vadd.s32 v0, v13;
	v11 =	vadd.s32 v0, v11;
	v10 =	vadd.s32 v0, v10;
	v24 =	vld [tilespmem:s19+$0xFFFFFFE0]  }
0x91: {  	s17 =	sadd.s32 $0x40, s17;
	v8 =	vsel vm0, v8, v16;
	v6 =	vsel vm0, v6, v17;
	v16 =	vadd.s32 v0, v9  }
0x92: {  	v5 =	vsel vm0, v19, v5;
	v7 =	vsel vm0, v7, v20;
	v9 =	vld [tilespmem:s17+$0x10];
	v17 =	vperm.xlane v15, v2  }
0x93: {  	v3 =	vsel vm0, v22, v3;
	v22 =	vsel vm0, v23, v4;
	v19 =	vld [tilespmem:s17+$0xFFFFFFE0];
	v20 =	vperm.xlane v18, v2  }
0x94: {  	v4 =	vld [tilespmem:s17+$0xFFFFFFF0];
	v23 =	vperm.xlane v21, v2;
	v25 =	vsel vm0, v15, v17  }
0x95: {  	v15 =	vsel vm0, v17, v15;
	v26 =	vperm.xlane v24, v2;
	v27 =	vld [tilespmem:s17+$0x0];
	v17 =	vmul.u32 $0x11, v25  }
0x96: {  	v25 =	vsel vm0, v18, v20;
	v18 =	vsel vm0, v20, v18;
	v15 =	vmul.u32 $0x11, v15;
	[tilespmem:v14+s7+$0x0] =	vst.idx.add.f32.msk $0xffff, v8  }
0x97: {  	v14 =	vsel vm0, v24, v26;
	vm1 =	vge.f32 v9, $0.0e+00;
	v8 =	vadd.s32 v0, v17;
	[tilespmem:v12+s7+$0x0] =	vst.idx.add.f32.msk $0xffff, v5  }
0x98: {  	v15 =	vadd.s32 v0, v15;
	vm2 =	vge.f32 v19, $0.0e+00;
	v12 =	vsel vm1, $0x3F800000, v1;
	[tilespmem:v13+s7+$0x0] =	vst.idx.add.f32.msk $0xffff, v6  }
0x99: {  	v5 =	vmax.f32 v9, $0.0e+00;
	vm1 =	vge.f32 v4, $0.0e+00;
	v6 =	vperm.xlane v12, v2;
	[tilespmem:v11+s7+$0x0] =	vst.idx.add.f32.msk $0xffff, v3  }
0x9a: {  	v13 =	vperm.xlane v5, v2;
	v11 =	vsel vm0, v26, v24;
	vm3 =	vge.f32 v27, $0.0e+00;
	[tilespmem:v10+s7+$0x0] =	vst.idx.add.f32.msk $0xffff, v7  }
.Ltmp3:
0x9b: {  	v9 =	vsel vm0, v23, v21;
	v10 =	vsel vm0, v21, v23;
	v6 =	vsel vm0, v5, v6;
	(pc) =	sbr.rel @p0 .LBB2_5-.Ltmp3, $4  }
0x9c: {  	v3 =	vsel vm1, $0x3F800000, v1;
	v7 =	vsel vm0, v13, v12;
	v5 =	vsel vm2, $0x3F800000, v1;
	[tilespmem:v8+s7+$0x0] =	vst.idx.add.f32.msk $0xffff, v6  }
0x9d: {  	s20 =	simm.s32 $0x0;
	v8 =	vmax.f32 v19, $0.0e+00;
	v6 =	vmax.f32 v4, $0.0e+00;
	v4 =	vsel vm3, $0x3F800000, v1;
	[tilespmem:v15+s7+$0x0] =	vst.idx.add.f32.msk $0xffff, v7  }
0x9e: {  	v14 =	vmul.u32 $0x11, v14;
	v12 =	vmul.u32 $0x11, v11;
	v7 =	vmax.f32 v27, $0.0e+00;
	[tilespmem:v16+s7+$0x0] =	vst.idx.add.f32.msk $0xffff, v22  }
0x9f: {  	s19 =	sadd.s32 $0x40, s19;
	v13 =	vmul.u32 $0x11, v25;
	v11 =	vmul.u32 $0x11, v18;
	v10 =	vmul.u32 $0x11, v10  }
0xa0: {  	v14 =	vadd.s32 v0, v14  }
0xa1: {  	v12 =	vadd.s32 v0, v12  }
0xa2: {  	v15 =	vperm.xlane v5, v2;
	v16 =	vperm.xlane v3, v2;
	v13 =	vadd.s32 v0, v13  }
0xa3: {  	v9 =	vmul.u32 $0x11, v9;
	v17 =	vperm.xlane v8, v2;
	v10 =	vadd.s32 v0, v10  }
0xa4: {  	v60 =	vperm.xlane v4, v2;
	v11 =	vadd.s32 v0, v11;
	v58 =	vsel vm0, v8, v15  }
0xa5: {  	v9 =	vadd.s32 v0, v9;
	v59 =	vsel vm0, v17, v5;
	[tilespmem:v14+s7+$0x0] =	vst.idx.add.f32.msk $0xffff, v58  }
0xa6: {  	v18 =	vperm.xlane v6, v2;
	v61 =	vsel vm0, v6, v16;
	[tilespmem:v12+s7+$0x0] =	vst.idx.add.f32.msk $0xffff, v59  }
0xa7: {  	v62 =	vperm.xlane v7, v2;
	v63 =	vsel vm0, v7, v60;
	[tilespmem:v13+s7+$0x0] =	vst.idx.add.f32.msk $0xffff, v61  }
0xa8: {  	v3 =	vsel vm0, v18, v3;
	[tilespmem:v10+s7+$0x0] =	vst.idx.add.f32.msk $0xffff, v63  }
0xa9: {  	[tilespmem:v11+s7+$0x0] =	vst.idx.add.f32.msk $0xffff, v3;
	v3 =	vsel vm0, v62, v4  }
0xaa: {  	[tilespmem:v9+s7+$0x0] =	vst.idx.add.f32.msk $0xffff, v3  }
.LBB2_7:
0xab: {  	s17 =	sshra.s32 s20, $0x2  }
0xac: {  	v3 =	vld [tilespmem:s17+$0x3F80];
	_ =	sdelay $0x4  }
0xad: {  	v4 =	vld [tilespmem:s17+$0xF80];
	v5 =	vperm.xlane v3, v2;
	_ =	sdelay $0x1  }
0xae: {  	v6 =	vsel vm0, v3, v5  }
0xaf: {  	v3 =	vsel vm0, v5, v3;
	v62 =	vmul.u32 $0x11, v6  }
0xb0: {  	v3 =	vmul.u32 $0x11, v3  }
0xb1: {  	vm1 =	vge.f32 v4, $0.0e+00;
	v5 =	vadd.s32 v0, v62  }
0xb2: {  	p0 =	sne.s32 s20, $0x40;
	v63 =	vsel vm1, $0x3F800000, v1;
	v3 =	vadd.s32 v0, v3  }
.Ltmp4:
0xb3: {  	v4 =	vmax.f32 v4, $0.0e+00;
	v7 =	vperm.xlane v63, v2;
	(pc) =	sbr.rel @p0 .LBB2_7-.Ltmp4, $4  }
0xb4: {  	v8 =	vperm.xlane v4, v2  }
0xb5: {  	v4 =	vsel vm0, v4, v7  }
0xb6: {  	v6 =	vsel vm0, v8, v63;
	[tilespmem:v5+s7+$0x0] =	vst.idx.add.f32.msk $0xffff, v4  }
0xb7: {  	s20 =	sadd.s32 $0x40, s20;
	[tilespmem:v3+s7+$0x0] =	vst.idx.add.f32.msk $0xffff, v6  }
0xb8: {  	p0 =	sge.u32 s16, s11  }
.Ltmp5:
0xb9: {  	_ = 	snop;
	(pc) =	sbr.rel @p0 .LBB2_13-.Ltmp5, $1  }
0xba: {  	_ =	sdelay $0x3  }
0xbb: {  	s17 =	sadd.s32 $0x3, s16  }
0xbc: {  	p0 =	sge.u32 s17, s6  }
0xbd: {  	s17 =	sshll.u32 @!p0 s17, $0x5  }
0xbe: {  	s17 =	sor.u32 @!p0 s5, s17  }
0xbf: {  	s17 =	smul.u32 @!p0 $0x1F4, s17;
	_ =	sdelay $0x1  }
0xc0: {  	s19 =	simm.s32 @!p0 $0x0;
	s18 =	sadd.s32 @!p0 s4, s17  }
0xc1: {  	[tilespmem:s19], [sflag:$0x1] =	stream.linear.gather @!p0 [hbm4b:s18+s19], $0xFA0, $0x38;
	[tilespmem:$0x1D200] =	vst v63  }
0xc2: {  	s17 =	sadd.s32 @!p0 s1, s17;
	s18 =	simm.s32 @!p0 $0x3000  }
0xc3: {  	[tilespmem:s18], [sflag:$0x1] =	stream.linear.gather @!p0 [hbm4b:s17+s19], $0xFA0, $0x38;
	[tilespmem:$0x1D200] =	vst v63  }
0xc4: {  	_ =	swait.ge [sflag:s8], $0xFA0  }
0xc5: {  	[sflag:s8] =	ssyncset.done $0x0  }
0xc6: {  	[sflag:s8] =	ssyncadd.s32 $0xFFFFF060  }
0xc7: {  	_ =	swait.ge [sflag:s8], $0xFA0  }
0xc8: {  	[sflag:s8] =	ssyncset.done $0x0  }
0xc9: {  	s22 =	simm.s32 $0x4020;
	[sflag:s8] =	ssyncadd.s32 $0xFFFFF060  }
0xca: {  	v3 =	vld [tilespmem:s22+$0x10]  }
0xcb: {  	v4 =	vld [tilespmem:s22+$0xFFFFFFF0]  }
0xcc: {  	v5 =	vld [tilespmem:s22+$0x0]  }
0xcd: {  	s17 =	simm.s32 $0x1020;
	v6 =	vld [tilespmem:s22+$0xFFFFFFE0]  }
0xce: {  	v7 =	vld [tilespmem:s17+$0x10]  }
0xcf: {  	v10 =	vld [tilespmem:s17+$0xFFFFFFE0]  }
0xd0: {  	v15 =	vld [tilespmem:s17+$0x0];
	_ =	sdelay $0x2  }
0xd1: {  	v8 =	vperm.xlane v3, v2;
	v9 =	vperm.xlane v4, v2  }
0xd2: {  	v11 =	vld [tilespmem:s17+$0xFFFFFFF0];
	v12 =	vperm.xlane v5, v2;
	v14 =	vperm.xlane v6, v2  }
0xd3: {  	vm1 =	vge.f32 v7, $0.0e+00;
	vm2 =	vge.f32 v10, $0.0e+00;
	vm3 =	vge.f32 v15, $0.0e+00  }
0xd4: {  	v13 =	vsel vm0, v3, v8;
	v3 =	vsel vm0, v8, v3;
	v16 =	vsel vm0, v9, v4  }
0xd5: {  	v17 =	vsel vm0, v6, v14;
	v20 =	vsel vm0, v14, v6;
	v8 =	vmul.u32 $0x11, v13  }
0xd6: {  	v21 =	vsel vm0, v5, v12;
	v13 =	vsel vm0, v4, v9;
	v3 =	vmul.u32 $0x11, v3  }
0xd7: {  	v4 =	vsel vm1, $0x3F800000, v1;
	vm1 =	vge.f32 v11, $0.0e+00;
	v18 =	vadd.s32 v0, v8  }
0xd8: {  	v9 =	vsel vm0, v12, v5;
	v5 =	vsel vm2, $0x3F800000, v1;
	v19 =	vadd.s32 v0, v3  }
0xd9: {  	v14 =	vmul.u32 $0x11, v17;
	v3 =	vmax.f32 v7, $0.0e+00;
	v7 =	vperm.xlane v4, v2  }
0xda: {  	v12 =	vmul.u32 $0x11, v20;
	v13 =	vmul.u32 $0x11, v13;
	v6 =	vperm.xlane v3, v2  }
0xdb: {  	v8 =	vmax.f32 v10, $0.0e+00;
	v10 =	vmul.u32 $0x11, v21;
	v7 =	vsel vm0, v3, v7  }
0xdc: {  	v3 =	vsel vm1, $0x3F800000, v1;
	v22 =	vsel vm0, v6, v4;
	v6 =	vmax.f32 v11, $0.0e+00;
	[tilespmem:v18+s7+$0x0] =	vst.idx.add.f32.msk $0xffff, v7  }
0xdd: {  	s18 =	simm.s32 $0x0;
	s19 =	simm.s32 $0x4060;
	v4 =	vsel vm3, $0x3F800000, v1;
	v11 =	vmul.u32 $0x11, v16;
	v7 =	vmax.f32 v15, $0.0e+00;
	[tilespmem:v19+s7+$0x0] =	vst.idx.add.f32.msk $0xffff, v22  }
.LBB2_10:
0xde: {  	v15 =	vld [tilespmem:s19+$0x10];
	v16 =	vperm.xlane v5, v2;
	v17 =	vperm.xlane v3, v2;
	v9 =	vmul.u32 $0x11, v9  }
0xdf: {  	s18 =	sadd.s32 $0x4, s18;
	v19 =	vperm.xlane v8, v2;
	v14 =	vadd.s32 v0, v14;
	v20 =	vperm.xlane v4, v2;
	v18 =	vld [tilespmem:s19+$0xFFFFFFF0]  }
0xe0: {  	v12 =	vadd.s32 v0, v12;
	v22 =	vperm.xlane v6, v2;
	v23 =	vperm.xlane v7, v2;
	p0 =	slt.u32 s18, $0xF4;
	v21 =	vld [tilespmem:s19+$0x0]  }
0xe1: {  	v13 =	vadd.s32 v0, v13;
	v11 =	vadd.s32 v0, v11;
	v10 =	vadd.s32 v0, v10;
	v24 =	vld [tilespmem:s19+$0xFFFFFFE0]  }
0xe2: {  	s17 =	sadd.s32 $0x40, s17;
	v8 =	vsel vm0, v8, v16;
	v6 =	vsel vm0, v6, v17;
	v16 =	vadd.s32 v0, v9  }
0xe3: {  	v5 =	vsel vm0, v19, v5;
	v7 =	vsel vm0, v7, v20;
	v9 =	vld [tilespmem:s17+$0x10];
	v17 =	vperm.xlane v15, v2  }
0xe4: {  	v3 =	vsel vm0, v22, v3;
	v22 =	vsel vm0, v23, v4;
	v19 =	vld [tilespmem:s17+$0xFFFFFFE0];
	v20 =	vperm.xlane v18, v2  }
0xe5: {  	v4 =	vld [tilespmem:s17+$0xFFFFFFF0];
	v23 =	vperm.xlane v21, v2;
	v25 =	vsel vm0, v15, v17  }
0xe6: {  	v15 =	vsel vm0, v17, v15;
	v26 =	vperm.xlane v24, v2;
	v27 =	vld [tilespmem:s17+$0x0];
	v17 =	vmul.u32 $0x11, v25  }
0xe7: {  	v25 =	vsel vm0, v18, v20;
	v18 =	vsel vm0, v20, v18;
	v15 =	vmul.u32 $0x11, v15;
	[tilespmem:v14+s7+$0x0] =	vst.idx.add.f32.msk $0xffff, v8  }
0xe8: {  	v14 =	vsel vm0, v24, v26;
	vm1 =	vge.f32 v9, $0.0e+00;
	v8 =	vadd.s32 v0, v17;
	[tilespmem:v12+s7+$0x0] =	vst.idx.add.f32.msk $0xffff, v5  }
0xe9: {  	v15 =	vadd.s32 v0, v15;
	vm2 =	vge.f32 v19, $0.0e+00;
	v12 =	vsel vm1, $0x3F800000, v1;
	[tilespmem:v13+s7+$0x0] =	vst.idx.add.f32.msk $0xffff, v6  }
0xea: {  	v5 =	vmax.f32 v9, $0.0e+00;
	vm1 =	vge.f32 v4, $0.0e+00;
	v6 =	vperm.xlane v12, v2;
	[tilespmem:v11+s7+$0x0] =	vst.idx.add.f32.msk $0xffff, v3  }
0xeb: {  	v13 =	vperm.xlane v5, v2;
	v11 =	vsel vm0, v26, v24;
	vm3 =	vge.f32 v27, $0.0e+00;
	[tilespmem:v10+s7+$0x0] =	vst.idx.add.f32.msk $0xffff, v7  }
.Ltmp6:
0xec: {  	v9 =	vsel vm0, v23, v21;
	v10 =	vsel vm0, v21, v23;
	v6 =	vsel vm0, v5, v6;
	(pc) =	sbr.rel @p0 .LBB2_10-.Ltmp6, $4  }
0xed: {  	v3 =	vsel vm1, $0x3F800000, v1;
	v7 =	vsel vm0, v13, v12;
	v5 =	vsel vm2, $0x3F800000, v1;
	[tilespmem:v8+s7+$0x0] =	vst.idx.add.f32.msk $0xffff, v6  }
0xee: {  	s20 =	simm.s32 $0x0;
	v8 =	vmax.f32 v19, $0.0e+00;
	v6 =	vmax.f32 v4, $0.0e+00;
	v4 =	vsel vm3, $0x3F800000, v1;
	[tilespmem:v15+s7+$0x0] =	vst.idx.add.f32.msk $0xffff, v7  }
0xef: {  	v14 =	vmul.u32 $0x11, v14;
	v12 =	vmul.u32 $0x11, v11;
	v7 =	vmax.f32 v27, $0.0e+00;
	[tilespmem:v16+s7+$0x0] =	vst.idx.add.f32.msk $0xffff, v22  }
0xf0: {  	s19 =	sadd.s32 $0x40, s19;
	v13 =	vmul.u32 $0x11, v25;
	v11 =	vmul.u32 $0x11, v18;
	v10 =	vmul.u32 $0x11, v10  }
0xf1: {  	v14 =	vadd.s32 v0, v14  }
0xf2: {  	v12 =	vadd.s32 v0, v12  }
0xf3: {  	v15 =	vperm.xlane v5, v2;
	v16 =	vperm.xlane v3, v2;
	v13 =	vadd.s32 v0, v13  }
0xf4: {  	v9 =	vmul.u32 $0x11, v9;
	v17 =	vperm.xlane v8, v2;
	v10 =	vadd.s32 v0, v10  }
0xf5: {  	v60 =	vperm.xlane v4, v2;
	v11 =	vadd.s32 v0, v11;
	v58 =	vsel vm0, v8, v15  }
0xf6: {  	v9 =	vadd.s32 v0, v9;
	v59 =	vsel vm0, v17, v5;
	[tilespmem:v14+s7+$0x0] =	vst.idx.add.f32.msk $0xffff, v58  }
0xf7: {  	v18 =	vperm.xlane v6, v2;
	v61 =	vsel vm0, v6, v16;
	[tilespmem:v12+s7+$0x0] =	vst.idx.add.f32.msk $0xffff, v59  }
0xf8: {  	v62 =	vperm.xlane v7, v2;
	v63 =	vsel vm0, v7, v60;
	[tilespmem:v13+s7+$0x0] =	vst.idx.add.f32.msk $0xffff, v61  }
0xf9: {  	v3 =	vsel vm0, v18, v3;
	[tilespmem:v10+s7+$0x0] =	vst.idx.add.f32.msk $0xffff, v63  }
0xfa: {  	[tilespmem:v11+s7+$0x0] =	vst.idx.add.f32.msk $0xffff, v3;
	v3 =	vsel vm0, v62, v4  }
0xfb: {  	[tilespmem:v9+s7+$0x0] =	vst.idx.add.f32.msk $0xffff, v3  }
.LBB2_12:
0xfc: {  	s17 =	sshra.s32 s20, $0x2  }
0xfd: {  	v3 =	vld [tilespmem:s17+$0x4F80];
	_ =	sdelay $0x4  }
0xfe: {  	v4 =	vld [tilespmem:s17+$0x1F80];
	v5 =	vperm.xlane v3, v2;
	_ =	sdelay $0x1  }
0xff: {  	v6 =	vsel vm0, v3, v5  }
0x100: {  	v3 =	vsel vm0, v5, v3;
	v62 =	vmul.u32 $0x11, v6  }
0x101: {  	v3 =	vmul.u32 $0x11, v3  }
0x102: {  	vm1 =	vge.f32 v4, $0.0e+00;
	v5 =	vadd.s32 v0, v62  }
0x103: {  	p0 =	sne.s32 s20, $0x40;
	v63 =	vsel vm1, $0x3F800000, v1;
	v3 =	vadd.s32 v0, v3  }
.Ltmp7:
0x104: {  	v4 =	vmax.f32 v4, $0.0e+00;
	v7 =	vperm.xlane v63, v2;
	(pc) =	sbr.rel @p0 .LBB2_12-.Ltmp7, $4  }
0x105: {  	v8 =	vperm.xlane v4, v2  }
0x106: {  	v4 =	vsel vm0, v4, v7  }
0x107: {  	v6 =	vsel vm0, v8, v63;
	[tilespmem:v5+s7+$0x0] =	vst.idx.add.f32.msk $0xffff, v4  }
0x108: {  	s20 =	sadd.s32 $0x40, s20;
	[tilespmem:v3+s7+$0x0] =	vst.idx.add.f32.msk $0xffff, v6  }
.LBB2_13:
0x109: {  	p0 =	sge.u32 s16, s12  }
.Ltmp8:
0x10a: {  	_ = 	snop;
	(pc) =	sbr.rel @p0 .LBB2_18-.Ltmp8, $1  }
0x10b: {  	_ =	sdelay $0x3  }
0x10c: {  	s16 =	sadd.s32 $0x4, s16  }
0x10d: {  	p0 =	sge.u32 s16, s6  }
0x10e: {  	s16 =	sshll.u32 @!p0 s16, $0x5  }
0x10f: {  	s16 =	sor.u32 @!p0 s5, s16  }
0x110: {  	s16 =	smul.u32 @!p0 $0x1F4, s16;
	_ =	sdelay $0x1  }
0x111: {  	s18 =	simm.s32 @!p0 $0x0;
	s19 =	simm.s32 @!p0 $0x1000;
	s17 =	sadd.s32 @!p0 s4, s16  }
0x112: {  	[tilespmem:s19], [sflag:$0x2] =	stream.linear.gather @!p0 [hbm4b:s17+s18], $0xFA0, $0x38;
	[tilespmem:$0x1D200] =	vst v63  }
0x113: {  	s16 =	sadd.s32 @!p0 s1, s16;
	s17 =	simm.s32 @!p0 $0x4000  }
0x114: {  	[tilespmem:s17], [sflag:$0x2] =	stream.linear.gather @!p0 [hbm4b:s16+s18], $0xFA0, $0x38;
	[tilespmem:$0x1D200] =	vst v63  }
0x115: {  	_ =	swait.ge [sflag:s9], $0xFA0  }
0x116: {  	[sflag:s9] =	ssyncset.done $0x0  }
0x117: {  	[sflag:s9] =	ssyncadd.s32 $0xFFFFF060  }
0x118: {  	_ =	swait.ge [sflag:s9], $0xFA0  }
0x119: {  	[sflag:s9] =	ssyncset.done $0x0  }
0x11a: {  	s22 =	simm.s32 $0x5020;
	[sflag:s9] =	ssyncadd.s32 $0xFFFFF060  }
0x11b: {  	v3 =	vld [tilespmem:s22+$0x10]  }
0x11c: {  	v4 =	vld [tilespmem:s22+$0xFFFFFFF0]  }
0x11d: {  	v5 =	vld [tilespmem:s22+$0x0]  }
0x11e: {  	s16 =	simm.s32 $0x2020;
	v6 =	vld [tilespmem:s22+$0xFFFFFFE0]  }
0x11f: {  	v7 =	vld [tilespmem:s16+$0x10]  }
0x120: {  	v10 =	vld [tilespmem:s16+$0xFFFFFFE0]  }
0x121: {  	v15 =	vld [tilespmem:s16+$0x0];
	_ =	sdelay $0x2  }
0x122: {  	v8 =	vperm.xlane v3, v2;
	v9 =	vperm.xlane v4, v2  }
0x123: {  	v11 =	vld [tilespmem:s16+$0xFFFFFFF0];
	v12 =	vperm.xlane v5, v2;
	v14 =	vperm.xlane v6, v2  }
0x124: {  	vm1 =	vge.f32 v7, $0.0e+00;
	vm2 =	vge.f32 v10, $0.0e+00;
	vm3 =	vge.f32 v15, $0.0e+00  }
0x125: {  	v13 =	vsel vm0, v3, v8;
	v3 =	vsel vm0, v8, v3;
	v16 =	vsel vm0, v9, v4  }
0x126: {  	v17 =	vsel vm0, v6, v14;
	v20 =	vsel vm0, v14, v6;
	v8 =	vmul.u32 $0x11, v13  }
0x127: {  	v21 =	vsel vm0, v5, v12;
	v13 =	vsel vm0, v4, v9;
	v3 =	vmul.u32 $0x11, v3  }
0x128: {  	v4 =	vsel vm1, $0x3F800000, v1;
	vm1 =	vge.f32 v11, $0.0e+00;
	v18 =	vadd.s32 v0, v8  }
0x129: {  	v9 =	vsel vm0, v12, v5;
	v5 =	vsel vm2, $0x3F800000, v1;
	v19 =	vadd.s32 v0, v3  }
0x12a: {  	v14 =	vmul.u32 $0x11, v17;
	v3 =	vmax.f32 v7, $0.0e+00;
	v7 =	vperm.xlane v4, v2  }
0x12b: {  	v12 =	vmul.u32 $0x11, v20;
	v13 =	vmul.u32 $0x11, v13;
	v6 =	vperm.xlane v3, v2  }
0x12c: {  	v8 =	vmax.f32 v10, $0.0e+00;
	v10 =	vmul.u32 $0x11, v21;
	v7 =	vsel vm0, v3, v7  }
0x12d: {  	v3 =	vsel vm1, $0x3F800000, v1;
	v22 =	vsel vm0, v6, v4;
	v6 =	vmax.f32 v11, $0.0e+00;
	[tilespmem:v18+s7+$0x0] =	vst.idx.add.f32.msk $0xffff, v7  }
0x12e: {  	s17 =	simm.s32 $0x0;
	s18 =	simm.s32 $0x5060;
	v4 =	vsel vm3, $0x3F800000, v1;
	v11 =	vmul.u32 $0x11, v16;
	v7 =	vmax.f32 v15, $0.0e+00;
	[tilespmem:v19+s7+$0x0] =	vst.idx.add.f32.msk $0xffff, v22  }
.LBB2_15:
0x12f: {  	v15 =	vld [tilespmem:s18+$0x10];
	v16 =	vperm.xlane v5, v2;
	v17 =	vperm.xlane v3, v2;
	v9 =	vmul.u32 $0x11, v9  }
0x130: {  	s17 =	sadd.s32 $0x4, s17;
	v19 =	vperm.xlane v8, v2;
	v14 =	vadd.s32 v0, v14;
	v20 =	vperm.xlane v4, v2;
	v18 =	vld [tilespmem:s18+$0xFFFFFFF0]  }
0x131: {  	v12 =	vadd.s32 v0, v12;
	v22 =	vperm.xlane v6, v2;
	v23 =	vperm.xlane v7, v2;
	p0 =	slt.u32 s17, $0xF4;
	v21 =	vld [tilespmem:s18+$0x0]  }
0x132: {  	v13 =	vadd.s32 v0, v13;
	v11 =	vadd.s32 v0, v11;
	v10 =	vadd.s32 v0, v10;
	v24 =	vld [tilespmem:s18+$0xFFFFFFE0]  }
0x133: {  	s16 =	sadd.s32 $0x40, s16;
	v8 =	vsel vm0, v8, v16;
	v6 =	vsel vm0, v6, v17;
	v16 =	vadd.s32 v0, v9  }
0x134: {  	v5 =	vsel vm0, v19, v5;
	v7 =	vsel vm0, v7, v20;
	v9 =	vld [tilespmem:s16+$0x10];
	v17 =	vperm.xlane v15, v2  }
0x135: {  	v3 =	vsel vm0, v22, v3;
	v22 =	vsel vm0, v23, v4;
	v19 =	vld [tilespmem:s16+$0xFFFFFFE0];
	v20 =	vperm.xlane v18, v2  }
0x136: {  	v4 =	vld [tilespmem:s16+$0xFFFFFFF0];
	v23 =	vperm.xlane v21, v2;
	v25 =	vsel vm0, v15, v17  }
0x137: {  	v15 =	vsel vm0, v17, v15;
	v26 =	vperm.xlane v24, v2;
	v27 =	vld [tilespmem:s16+$0x0];
	v17 =	vmul.u32 $0x11, v25  }
0x138: {  	v25 =	vsel vm0, v18, v20;
	v18 =	vsel vm0, v20, v18;
	v15 =	vmul.u32 $0x11, v15;
	[tilespmem:v14+s7+$0x0] =	vst.idx.add.f32.msk $0xffff, v8  }
0x139: {  	v14 =	vsel vm0, v24, v26;
	vm1 =	vge.f32 v9, $0.0e+00;
	v8 =	vadd.s32 v0, v17;
	[tilespmem:v12+s7+$0x0] =	vst.idx.add.f32.msk $0xffff, v5  }
0x13a: {  	v15 =	vadd.s32 v0, v15;
	vm2 =	vge.f32 v19, $0.0e+00;
	v12 =	vsel vm1, $0x3F800000, v1;
	[tilespmem:v13+s7+$0x0] =	vst.idx.add.f32.msk $0xffff, v6  }
0x13b: {  	v5 =	vmax.f32 v9, $0.0e+00;
	vm1 =	vge.f32 v4, $0.0e+00;
	v6 =	vperm.xlane v12, v2;
	[tilespmem:v11+s7+$0x0] =	vst.idx.add.f32.msk $0xffff, v3  }
0x13c: {  	v13 =	vperm.xlane v5, v2;
	v11 =	vsel vm0, v26, v24;
	vm3 =	vge.f32 v27, $0.0e+00;
	[tilespmem:v10+s7+$0x0] =	vst.idx.add.f32.msk $0xffff, v7  }
.Ltmp9:
0x13d: {  	v9 =	vsel vm0, v23, v21;
	v10 =	vsel vm0, v21, v23;
	v6 =	vsel vm0, v5, v6;
	(pc) =	sbr.rel @p0 .LBB2_15-.Ltmp9, $4  }
0x13e: {  	v3 =	vsel vm1, $0x3F800000, v1;
	v7 =	vsel vm0, v13, v12;
	v5 =	vsel vm2, $0x3F800000, v1;
	[tilespmem:v8+s7+$0x0] =	vst.idx.add.f32.msk $0xffff, v6  }
0x13f: {  	s19 =	simm.s32 $0x0;
	v8 =	vmax.f32 v19, $0.0e+00;
	v6 =	vmax.f32 v4, $0.0e+00;
	v4 =	vsel vm3, $0x3F800000, v1;
	[tilespmem:v15+s7+$0x0] =	vst.idx.add.f32.msk $0xffff, v7  }
0x140: {  	v14 =	vmul.u32 $0x11, v14;
	v12 =	vmul.u32 $0x11, v11;
	v7 =	vmax.f32 v27, $0.0e+00;
	[tilespmem:v16+s7+$0x0] =	vst.idx.add.f32.msk $0xffff, v22  }
0x141: {  	s18 =	sadd.s32 $0x40, s18;
	v13 =	vmul.u32 $0x11, v25;
	v11 =	vmul.u32 $0x11, v18;
	v10 =	vmul.u32 $0x11, v10  }
0x142: {  	v14 =	vadd.s32 v0, v14  }
0x143: {  	v12 =	vadd.s32 v0, v12  }
0x144: {  	v15 =	vperm.xlane v5, v2;
	v16 =	vperm.xlane v3, v2;
	v13 =	vadd.s32 v0, v13  }
0x145: {  	v9 =	vmul.u32 $0x11, v9;
	v17 =	vperm.xlane v8, v2;
	v10 =	vadd.s32 v0, v10  }
0x146: {  	v60 =	vperm.xlane v4, v2;
	v11 =	vadd.s32 v0, v11;
	v58 =	vsel vm0, v8, v15  }
0x147: {  	v9 =	vadd.s32 v0, v9;
	v59 =	vsel vm0, v17, v5;
	[tilespmem:v14+s7+$0x0] =	vst.idx.add.f32.msk $0xffff, v58  }
0x148: {  	v18 =	vperm.xlane v6, v2;
	v61 =	vsel vm0, v6, v16;
	[tilespmem:v12+s7+$0x0] =	vst.idx.add.f32.msk $0xffff, v59  }
0x149: {  	v62 =	vperm.xlane v7, v2;
	v63 =	vsel vm0, v7, v60;
	[tilespmem:v13+s7+$0x0] =	vst.idx.add.f32.msk $0xffff, v61  }
0x14a: {  	v3 =	vsel vm0, v18, v3;
	[tilespmem:v10+s7+$0x0] =	vst.idx.add.f32.msk $0xffff, v63  }
0x14b: {  	[tilespmem:v11+s7+$0x0] =	vst.idx.add.f32.msk $0xffff, v3;
	v3 =	vsel vm0, v62, v4  }
0x14c: {  	[tilespmem:v9+s7+$0x0] =	vst.idx.add.f32.msk $0xffff, v3  }
.LBB2_17:
0x14d: {  	s16 =	sshra.s32 s19, $0x2  }
0x14e: {  	v3 =	vld [tilespmem:s16+$0x5F80];
	_ =	sdelay $0x4  }
0x14f: {  	v4 =	vld [tilespmem:s16+$0x2F80];
	v5 =	vperm.xlane v3, v2;
	_ =	sdelay $0x1  }
0x150: {  	v6 =	vsel vm0, v3, v5  }
0x151: {  	v3 =	vsel vm0, v5, v3;
	v62 =	vmul.u32 $0x11, v6  }
0x152: {  	v3 =	vmul.u32 $0x11, v3  }
0x153: {  	vm1 =	vge.f32 v4, $0.0e+00;
	v5 =	vadd.s32 v0, v62  }
0x154: {  	p0 =	sne.s32 s19, $0x40;
	v63 =	vsel vm1, $0x3F800000, v1;
	v3 =	vadd.s32 v0, v3  }
.Ltmp10:
0x155: {  	v4 =	vmax.f32 v4, $0.0e+00;
	v7 =	vperm.xlane v63, v2;
	(pc) =	sbr.rel @p0 .LBB2_17-.Ltmp10, $4  }
0x156: {  	v8 =	vperm.xlane v4, v2  }
0x157: {  	v4 =	vsel vm0, v4, v7  }
0x158: {  	v6 =	vsel vm0, v8, v63;
	[tilespmem:v5+s7+$0x0] =	vst.idx.add.f32.msk $0xffff, v4  }
0x159: {  	s19 =	sadd.s32 $0x40, s19;
	[tilespmem:v3+s7+$0x0] =	vst.idx.add.f32.msk $0xffff, v6  }
.Ltmp11:
0x15a: {  	_ = 	snop;
	(pc) =	sbr.rel .LBB2_18-.Ltmp11, $1  }
0x15b: {  	_ =	sdelay $0x3  }
.LBB2_19:
0x15c: {  	v3 =	vmul.u32 $0x11, v0  }
0x15d: {  	s17 =	simm.s32 $0x0  }
0x15e: {  	s15 =	simm.s32 $0x110;
	v4 =	vadd.s32 $0x8, v3;
	v15 =	vadd.s32 s17, v3  }
0x15f: {  	v5 =	vadd.s32 $0x9, v3;
	v8 =	vadd.s32 s15, v4  }
0x160: {  	v9 =	vadd.s32 s15, v5  }
0x161: {  	v6 =	vadd.s32 $0xA, v3;
	v10 =	vadd.s32 s17, v4  }
0x162: {  	v11 =	vadd.s32 s15, v6  }
0x163: {  	v7 =	vadd.s32 $0xB, v3;
	v12 =	vadd.s32 s17, v5;
	v19 =	vld.idx.msk [tilespmem:v15+s7+$0x0], $0xffff  }
0x164: {  	v14 =	vadd.s32 s15, v7;
	v13 =	vld.idx.msk [tilespmem:v8+s7+$0x0], $0xffff  }
0x165: {  	v18 =	vadd.s32 s17, v6;
	v16 =	vld.idx.msk [tilespmem:v9+s7+$0x0], $0xffff  }
0x166: {  	v24 =	vadd.s32 s17, v7;
	v8 =	vadd.s32 $0xC, v3;
	v22 =	vld.idx.msk [tilespmem:v10+s7+$0x0], $0xffff  }
0x167: {  	v9 =	vadd.s32 $0xD, v3;
	v20 =	vld.idx.msk [tilespmem:v11+s7+$0x0], $0xffff;
	v17 =	vadd.s32 s15, v8  }
0x168: {  	v23 =	vld.idx.msk [tilespmem:v12+s7+$0x0], $0xffff;
	v10 =	vadd.s32 $0xE, v3;
	v21 =	vadd.s32 s15, v9  }
0x169: {  	v25 =	vld.idx.msk [tilespmem:v14+s7+$0x0], $0xffff;
	v15 =	vadd.s32 s15, v10  }
0x16a: {  	v29 =	vld.idx.msk [tilespmem:v18+s7+$0x0], $0xffff;
	v26 =	vadd.s32 s17, v8  }
0x16b: {  	v11 =	vadd.s32 $0xF, v3;
	v18 =	vadd.s32 s15, v3;
	v32 =	vld.idx.msk [tilespmem:v24+s7+$0x0], $0xffff  }
0x16c: {  	v12 =	vadd.s32 $0x7, v3;
	v14 =	vadd.f32 v16, v13;
	v28 =	vld.idx.msk [tilespmem:v17+s7+$0x0], $0xffff;
	v17 =	vadd.s32 s15, v11  }
0x16d: {  	v13 =	vadd.s32 $0x6, v3;
	v30 =	vld.idx.msk [tilespmem:v21+s7+$0x0], $0xffff;
	v21 =	vadd.s32 s15, v12  }
0x16e: {  	v24 =	vadd.s32 s15, v13;
	v31 =	vld.idx.msk [tilespmem:v15+s7+$0x0], $0xffff;
	v16 =	vadd.f32 v20, v14;
	v14 =	vadd.s32 $0x5, v3  }
0x16f: {  	v15 =	vadd.s32 $0x4, v3;
	v36 =	vld.idx.msk [tilespmem:v26+s7+$0x0], $0xffff;
	v26 =	vadd.s32 s15, v14  }
0x170: {  	v27 =	vld.idx.msk [tilespmem:v18+s7+$0x0], $0xffff;
	v20 =	vadd.f32 v25, v16;
	v16 =	vadd.s32 $0x3, v3;
	v25 =	vadd.s32 s15, v15  }
0x171: {  	v34 =	vadd.s32 s15, v16;
	v33 =	vld.idx.msk [tilespmem:v17+s7+$0x0], $0xffff;
	v17 =	vadd.s32 $0x2, v3  }
0x172: {  	v18 =	vadd.s32 $0x1, v3;
	v28 =	vadd.f32 v28, v20;
	v20 =	vld.idx.msk [tilespmem:v21+s7+$0x0], $0xffff;
	v35 =	vadd.s32 s15, v17  }
0x173: {  	v22 =	vadd.f32 v23, v22;
	v37 =	vadd.s32 s15, v18;
	v21 =	vld.idx.msk [tilespmem:v24+s7+$0x0], $0xffff  }
0x174: {  	v39 =	vadd.s32 s17, v17;
	v23 =	vadd.f32 v30, v28;
	v24 =	vld.idx.msk [tilespmem:v26+s7+$0x0], $0xffff  }
0x175: {  	v29 =	vadd.f32 v29, v22;
	v30 =	vadd.s32 s17, v18;
	v26 =	vld.idx.msk [tilespmem:v25+s7+$0x0], $0xffff  }
0x176: {  	s16 =	simm.s32 $0x0;
	v38 =	vadd.f32 v31, v23;
	v28 =	vld.idx.msk [tilespmem:v34+s7+$0x0], $0xffff;
	v34 =	vadd.s32 s17, v16  }
0x177: {  	s18 =	simm.s32 $0x10;
	s19 =	sand.u32 $0x1F00, s16;
	v32 =	vadd.f32 v32, v29;
	v31 =	vld.idx.msk [tilespmem:v35+s7+$0x0], $0xffff;
	v35 =	vadd.s32 s17, v15  }
0x178: {  	s20 =	simm.s32 $0x0;
	s21 =	sadd.s32 $0x17000, s19;
	s19 =	sand.u32 $0x70, s18;
	v29 =	vadd.s32 s17, v14;
	v40 =	vadd.f32 v33, v38;
	v38 =	vld.idx.msk [tilespmem:v37+s7+$0x0], $0xffff  }
0x179: {  	s22 =	sand.u32 $0x60, s20;
	s20 =	sor.u32 s19, s21;
	v22 =	vadd.s32 s17, v10;
	v32 =	vadd.f32 v36, v32;
	v25 =	vadd.s32 s17, v9;
	v36 =	vld.idx.msk [tilespmem:v39+s7+$0x0], $0xffff  }
0x17a: {  	s19 =	simm.s32 $0x0;
	v23 =	vadd.s32 s17, v11;
	v33 =	vadd.s32 s17, v13;
	v37 =	vld.idx.msk [tilespmem:v30+s7+$0x0], $0xffff;
	v30 =	vadd.s32 s17, v12;
	s17 =	sor.u32 s22, s21;
	[tilespmem:s20+$0x80] =	vst v40  }
.LBB2_20:
0x17b: {  	v34 =	vld.idx.msk [tilespmem:v34+s7+$0x0], $0xffff  }
0x17c: {  	s19 =	sadd.s32 $0x2, s19;
	v35 =	vld.idx.msk [tilespmem:v35+s7+$0x0], $0xffff  }
0x17d: {  	s15 =	sadd.s32 $0x220, s15;
	p0 =	slt.u32 s19, $0xFE;
	v29 =	vld.idx.msk [tilespmem:v29+s7+$0x0], $0xffff  }
0x17e: {  	s21 =	sadd.s32 $0xFFFFFEF0, s15;
	v39 =	vadd.s32 s15, v4;
	v27 =	vadd.f32 v38, v27;
	v25 =	vld.idx.msk [tilespmem:v25+s7+$0x0], $0xffff  }
0x17f: {  	v41 =	vadd.s32 s15, v5;
	v38 =	vadd.s32 s21, v4;
	v40 =	vadd.s32 s21, v5;
	v33 =	vld.idx.msk [tilespmem:v33+s7+$0x0], $0xffff  }
0x180: {  	v42 =	vadd.s32 s21, v3;
	v19 =	vadd.f32 v37, v19;
	v22 =	vld.idx.msk [tilespmem:v22+s7+$0x0], $0xffff  }
0x181: {  	v43 =	vadd.s32 s15, v6;
	v37 =	vadd.s32 s21, v6;
	v27 =	vadd.f32 v31, v27;
	v44 =	vld.idx.msk [tilespmem:v30+s7+$0x0], $0xffff  }
0x182: {  	v19 =	vadd.f32 v36, v19;
	v23 =	vld.idx.msk [tilespmem:v23+s7+$0x0], $0xffff  }
0x183: {  	v36 =	vadd.s32 s15, v7;
	v30 =	vadd.s32 s21, v7;
	v27 =	vadd.f32 v28, v27;
	v31 =	vld.idx.msk [tilespmem:v39+s7+$0x0], $0xffff  }
0x184: {  	v19 =	vadd.f32 v34, v19;
	v25 =	vadd.f32 v25, v32;
	v28 =	vld.idx.msk [tilespmem:v41+s7+$0x0], $0xffff  }
0x185: {  	v34 =	vadd.s32 s21, v8;
	v26 =	vadd.f32 v26, v27;
	v32 =	vld.idx.msk [tilespmem:v38+s7+$0x0], $0xffff;
	v38 =	vadd.s32 s15, v8  }
0x186: {  	v19 =	vadd.f32 v35, v19;
	v22 =	vadd.f32 v22, v25;
	v27 =	vld.idx.msk [tilespmem:v43+s7+$0x0], $0xffff  }
0x187: {  	v39 =	vadd.s32 s15, v9;
	v25 =	vadd.s32 s21, v9;
	v24 =	vadd.f32 v24, v26;
	v35 =	vld.idx.msk [tilespmem:v40+s7+$0x0], $0xffff  }
0x188: {  	v29 =	vadd.f32 v29, v19;
	v23 =	vadd.f32 v23, v22;
	v26 =	vld.idx.msk [tilespmem:v36+s7+$0x0], $0xffff  }
0x189: {  	v22 =	vadd.s32 s21, v10;
	v21 =	vadd.f32 v21, v24;
	v36 =	vadd.s32 s15, v10;
	v19 =	vld.idx.msk [tilespmem:v42+s7+$0x0], $0xffff  }
0x18a: {  	v24 =	vadd.f32 v28, v31;
	v31 =	vadd.f32 v33, v29;
	v28 =	vld.idx.msk [tilespmem:v38+s7+$0x0], $0xffff;
	[tilespmem:s17+$0x80] =	vst v23  }
0x18b: {  	v20 =	vadd.f32 v20, v21;
	v23 =	vadd.s32 s21, v11;
	v33 =	vld.idx.msk [tilespmem:v37+s7+$0x0], $0xffff;
	v37 =	vadd.s32 s15, v11  }
0x18c: {  	v21 =	vadd.s32 s15, v3;
	v24 =	vadd.f32 v27, v24;
	v38 =	vld.idx.msk [tilespmem:v39+s7+$0x0], $0xffff  }
0x18d: {  	v32 =	vadd.f32 v35, v32;
	v39 =	vld.idx.msk [tilespmem:v30+s7+$0x0], $0xffff;
	v30 =	vadd.s32 s15, v12;
	[tilespmem:s20+$0x0] =	vst v20  }
0x18e: {  	v35 =	vadd.s32 s15, v13;
	v20 =	vadd.f32 v26, v24;
	v26 =	vld.idx.msk [tilespmem:v36+s7+$0x0], $0xffff  }
0x18f: {  	v29 =	vadd.s32 s21, v14;
	v24 =	vadd.s32 s15, v14;
	v36 =	vld.idx.msk [tilespmem:v34+s7+$0x0], $0xffff  }
0x190: {  	v40 =	vadd.s32 s15, v15;
	v28 =	vadd.f32 v28, v20;
	v37 =	vld.idx.msk [tilespmem:v37+s7+$0x0], $0xffff  }
0x191: {  	v41 =	vadd.s32 s15, v16;
	v34 =	vadd.s32 s21, v16;
	v27 =	vld.idx.msk [tilespmem:v21+s7+$0x0], $0xffff  }
0x192: {  	v42 =	vadd.s32 s15, v17;
	v28 =	vadd.f32 v38, v28;
	v20 =	vld.idx.msk [tilespmem:v30+s7+$0x0], $0xffff  }
0x193: {  	s16 =	sadd.s32 $0x40, s16;
	v45 =	vadd.s32 s21, v17;
	v43 =	vadd.s32 s21, v18;
	v38 =	vadd.s32 s15, v18;
	v21 =	vld.idx.msk [tilespmem:v35+s7+$0x0], $0xffff  }
0x194: {  	s20 =	sand.u32 $0x1F00, s16;
	v32 =	vadd.f32 v33, v32;
	v35 =	vadd.s32 s21, v15;
	v46 =	vadd.f32 v26, v28;
	v24 =	vld.idx.msk [tilespmem:v24+s7+$0x0], $0xffff  }
0x195: {  	s18 =	sadd.s32 $0x20, s18;
	s22 =	sadd.s32 $0x17000, s20;
	v33 =	vadd.s32 s21, v13;
	v30 =	vadd.s32 s21, v12;
	v26 =	vld.idx.msk [tilespmem:v40+s7+$0x0], $0xffff;
	v40 =	vadd.f32 v44, v31  }
.Ltmp12:
0x196: {  	s20 =	sand.u32 $0x70, s18;
	v32 =	vadd.f32 v39, v32;
	s21 =	sadd.s32 $0xFFFFFFF0, s18;
	v37 =	vadd.f32 v37, v46;
	v28 =	vld.idx.msk [tilespmem:v41+s7+$0x0], $0xffff;
	(pc) =	sbr.rel @p0 .LBB2_20-.Ltmp12, $4  }
0x197: {  	s20 =	sor.u32 s20, s22;
	s21 =	sand.u32 $0x60, s21;
	v31 =	vld.idx.msk [tilespmem:v42+s7+$0x0], $0xffff;
	[tilespmem:s17+$0x0] =	vst v40  }
0x198: {  	v32 =	vadd.f32 v36, v32;
	s17 =	sor.u32 s21, s22;
	v38 =	vld.idx.msk [tilespmem:v38+s7+$0x0], $0xffff;
	[tilespmem:s20+$0x80] =	vst v37  }
0x199: {  	v37 =	vld.idx.msk [tilespmem:v43+s7+$0x0], $0xffff  }
0x19a: {  	v36 =	vld.idx.msk [tilespmem:v45+s7+$0x0], $0xffff  }
0x19b: {  	_ =	sdelay $0x3  }
0x19c: {  	v3 =	vld.idx.msk [tilespmem:v34+s7+$0x0], $0xffff;
	v4 =	vadd.f32 v38, v27  }
0x19d: {  	v5 =	vld.idx.msk [tilespmem:v35+s7+$0x0], $0xffff;
	v6 =	vadd.f32 v37, v19  }
0x19e: {  	v7 =	vld.idx.msk [tilespmem:v25+s7+$0x0], $0xffff;
	v4 =	vadd.f32 v31, v4  }
0x19f: {  	v8 =	vld.idx.msk [tilespmem:v29+s7+$0x0], $0xffff;
	v6 =	vadd.f32 v36, v6  }
0x1a0: {  	v9 =	vld.idx.msk [tilespmem:v22+s7+$0x0], $0xffff;
	v4 =	vadd.f32 v28, v4  }
0x1a1: {  	v10 =	vld.idx.msk [tilespmem:v33+s7+$0x0], $0xffff;
	v3 =	vadd.f32 v3, v6  }
0x1a2: {  	v6 =	vld.idx.msk [tilespmem:v23+s7+$0x0], $0xffff;
	v4 =	vadd.f32 v26, v4  }
0x1a3: {  	v7 =	vadd.f32 v7, v32;
	v3 =	vadd.f32 v5, v3  }
0x1a4: {  	v5 =	vld.idx.msk [tilespmem:v30+s7+$0x0], $0xffff;
	v4 =	vadd.f32 v24, v4  }
0x1a5: {  	v7 =	vadd.f32 v9, v7;
	v3 =	vadd.f32 v8, v3  }
0x1a6: {  	v4 =	vadd.f32 v21, v4  }
0x1a7: {  	v6 =	vadd.f32 v6, v7;
	v3 =	vadd.f32 v10, v3  }
0x1a8: {  	v4 =	vadd.f32 v20, v4  }
0x1a9: {  	[tilespmem:s17+$0x80] =	vst v6;
	v3 =	vadd.f32 v5, v3  }
0x1aa: {  	[tilespmem:s20+$0x0] =	vst v4  }
0x1ab: {  	[tilespmem:s17+$0x0] =	vst v3  }
0x1ac: {  	s16 =	simm.s32 $0x17000;
	s15 =	rddreg [dreg:$0x8]  }
0x1ad: {  	[spmem:s15] =	stream.linear.scatter [tilespmem:s16], [sflag:$0x4], $0x2000, $0x38;
	[tilespmem:$0x1D200] =	vst v63  }
0x1ae: {  	_ =	swait.ge [sflag:s10], $0x2000  }
0x1af: {  	[sflag:s10] =	ssyncset.done $0x0  }
0x1b0: {  	[sflag:s10] =	ssyncadd.s32 $0xFFFFE000  }
0x1b1: {  	s18 =	simm.s32 $0x19000;
	[bflag:$0x0] =	sbarrier.arrive $0xFFFF  }
0x1b2: {  	[tilespmem:s18], [sflag:$0x4] =	stream.linear.gather [spmem:s14], $0x200, $0x38;
	[tilespmem:$0x1D200] =	vst v63  }
0x1b3: {  	_ =	swait.ge [sflag:s10], $0x200  }
0x1b4: {  	[sflag:s10] =	ssyncset.done $0x0  }
0x1b5: {  	s20 =	simm.s32 $0x19200;
	s19 =	rddreg [dreg:$0x9];
	[sflag:s10] =	ssyncadd.s32 $0xFFFFFE00  }
0x1b6: {  	[tilespmem:s20], [sflag:$0x4] =	stream.linear.gather [spmem:s19], $0x200, $0x38;
	[tilespmem:$0x1D200] =	vst v63  }
0x1b7: {  	_ =	swait.ge [sflag:s10], $0x200  }
0x1b8: {  	[sflag:s10] =	ssyncset.done $0x0  }
0x1b9: {  	s22 =	simm.s32 $0x19400;
	s21 =	rddreg [dreg:$0xa];
	[sflag:s10] =	ssyncadd.s32 $0xFFFFFE00  }
0x1ba: {  	[tilespmem:s22], [sflag:$0x4] =	stream.linear.gather [spmem:s21], $0x200, $0x38;
	[tilespmem:$0x1D200] =	vst v63  }
0x1bb: {  	_ =	swait.ge [sflag:s10], $0x200  }
0x1bc: {  	[sflag:s10] =	ssyncset.done $0x0  }
0x1bd: {  	s18 =	simm.s32 $0x19600;
	s17 =	rddreg [dreg:$0xb];
	[sflag:s10] =	ssyncadd.s32 $0xFFFFFE00  }
0x1be: {  	[tilespmem:s18], [sflag:$0x4] =	stream.linear.gather [spmem:s17], $0x200, $0x38;
	[tilespmem:$0x1D200] =	vst v63  }
0x1bf: {  	_ =	swait.ge [sflag:s10], $0x200  }
0x1c0: {  	[sflag:s10] =	ssyncset.done $0x0  }
0x1c1: {  	s20 =	simm.s32 $0x19800;
	s19 =	rddreg [dreg:$0xc];
	[sflag:s10] =	ssyncadd.s32 $0xFFFFFE00  }
0x1c2: {  	[tilespmem:s20], [sflag:$0x4] =	stream.linear.gather [spmem:s19], $0x200, $0x38;
	[tilespmem:$0x1D200] =	vst v63  }
0x1c3: {  	_ =	swait.ge [sflag:s10], $0x200  }
0x1c4: {  	[sflag:s10] =	ssyncset.done $0x0  }
0x1c5: {  	s22 =	simm.s32 $0x19A00;
	s21 =	rddreg [dreg:$0xd];
	[sflag:s10] =	ssyncadd.s32 $0xFFFFFE00  }
0x1c6: {  	[tilespmem:s22], [sflag:$0x4] =	stream.linear.gather [spmem:s21], $0x200, $0x38;
	[tilespmem:$0x1D200] =	vst v63  }
0x1c7: {  	_ =	swait.ge [sflag:s10], $0x200  }
0x1c8: {  	[sflag:s10] =	ssyncset.done $0x0  }
0x1c9: {  	s17 =	simm.s32 $0x19C00;
	s16 =	rddreg [dreg:$0xe];
	[sflag:s10] =	ssyncadd.s32 $0xFFFFFE00  }
0x1ca: {  	[tilespmem:s17], [sflag:$0x4] =	stream.linear.gather [spmem:s16], $0x200, $0x38;
	[tilespmem:$0x1D200] =	vst v63  }
0x1cb: {  	_ =	swait.ge [sflag:s10], $0x200  }
0x1cc: {  	[sflag:s10] =	ssyncset.done $0x0  }
0x1cd: {  	s19 =	simm.s32 $0x19E00;
	s18 =	rddreg [dreg:$0xf];
	[sflag:s10] =	ssyncadd.s32 $0xFFFFFE00  }
0x1ce: {  	[tilespmem:s19], [sflag:$0x4] =	stream.linear.gather [spmem:s18], $0x200, $0x38;
	[tilespmem:$0x1D200] =	vst v63  }
0x1cf: {  	_ =	swait.ge [sflag:s10], $0x200  }
0x1d0: {  	[sflag:s10] =	ssyncset.done $0x0  }
0x1d1: {  	s15 =	simm.s32 $0x1A000;
	s20 =	rddreg [dreg:$0x10];
	[sflag:s10] =	ssyncadd.s32 $0xFFFFFE00  }
0x1d2: {  	[tilespmem:s15], [sflag:$0x4] =	stream.linear.gather [spmem:s20], $0x200, $0x38;
	[tilespmem:$0x1D200] =	vst v63  }
0x1d3: {  	_ =	swait.ge [sflag:s10], $0x200  }
0x1d4: {  	[sflag:s10] =	ssyncset.done $0x0  }
0x1d5: {  	s21 =	simm.s32 $0x1A200;
	[sflag:s10] =	ssyncadd.s32 $0xFFFFFE00  }
0x1d6: {  	[tilespmem:s21], [sflag:$0x4] =	stream.linear.gather [spmem:s26], $0x200, $0x38;
	[tilespmem:$0x1D200] =	vst v63  }
0x1d7: {  	_ =	swait.ge [sflag:s10], $0x200  }
0x1d8: {  	[sflag:s10] =	ssyncset.done $0x0  }
0x1d9: {  	s22 =	simm.s32 $0x1A400;
	[sflag:s10] =	ssyncadd.s32 $0xFFFFFE00  }
0x1da: {  	[tilespmem:s22], [sflag:$0x4] =	stream.linear.gather [spmem:s28], $0x200, $0x38;
	[tilespmem:$0x1D200] =	vst v63  }
0x1db: {  	_ =	swait.ge [sflag:s10], $0x200  }
0x1dc: {  	[sflag:s10] =	ssyncset.done $0x0  }
0x1dd: {  	s17 =	simm.s32 $0x1A600;
	[sflag:s10] =	ssyncadd.s32 $0xFFFFFE00  }
0x1de: {  	[tilespmem:s17], [sflag:$0x4] =	stream.linear.gather [spmem:s29], $0x200, $0x38;
	[tilespmem:$0x1D200] =	vst v63  }
0x1df: {  	_ =	swait.ge [sflag:s10], $0x200  }
0x1e0: {  	[sflag:s10] =	ssyncset.done $0x0  }
0x1e1: {  	s18 =	simm.s32 $0x1A800;
	[sflag:s10] =	ssyncadd.s32 $0xFFFFFE00  }
0x1e2: {  	[tilespmem:s18], [sflag:$0x4] =	stream.linear.gather [spmem:s30], $0x200, $0x38;
	[tilespmem:$0x1D200] =	vst v63  }
0x1e3: {  	_ =	swait.ge [sflag:s10], $0x200  }
0x1e4: {  	[sflag:s10] =	ssyncset.done $0x0  }
0x1e5: {  	s19 =	simm.s32 $0x1AA00;
	[sflag:s10] =	ssyncadd.s32 $0xFFFFFE00  }
0x1e6: {  	[tilespmem:s19], [sflag:$0x4] =	stream.linear.gather [spmem:s31], $0x200, $0x38;
	[tilespmem:$0x1D200] =	vst v63  }
0x1e7: {  	_ =	swait.ge [sflag:s10], $0x200  }
0x1e8: {  	[sflag:s10] =	ssyncset.done $0x0  }
0x1e9: {  	s20 =	simm.s32 $0x1AC00;
	[sflag:s10] =	ssyncadd.s32 $0xFFFFFE00  }
0x1ea: {  	[tilespmem:s20], [sflag:$0x4] =	stream.linear.gather [spmem:s0], $0x200, $0x38;
	[tilespmem:$0x1D200] =	vst v63  }
0x1eb: {  	_ =	swait.ge [sflag:s10], $0x200  }
0x1ec: {  	[sflag:s10] =	ssyncset.done $0x0  }
0x1ed: {  	s21 =	simm.s32 $0x1AE00;
	[sflag:s10] =	ssyncadd.s32 $0xFFFFFE00  }
0x1ee: {  	[tilespmem:s21], [sflag:$0x4] =	stream.linear.gather [spmem:s2], $0x200, $0x38;
	[tilespmem:$0x1D200] =	vst v63  }
0x1ef: {  	_ =	swait.ge [sflag:s10], $0x200  }
0x1f0: {  	[sflag:s10] =	ssyncset.done $0x0  }
0x1f1: {  	[sflag:s10] =	ssyncadd.s32 $0xFFFFFE00  }
0x1f2: {  	v3 =	vld [tilespmem:s15+$0xFFFFF010]  }
0x1f3: {  	v4 =	vld [tilespmem:s15+$0xFFFFF210]  }
0x1f4: {  	v5 =	vld [tilespmem:s15+$0xFFFFF200]  }
0x1f5: {  	v6 =	vld [tilespmem:s15+$0xFFFFF410]  }
0x1f6: {  	v7 =	vld [tilespmem:s15+$0xFFFFF000]  }
0x1f7: {  	v8 =	vld [tilespmem:s15+$0xFFFFF610]  }
0x1f8: {  	v9 =	vld [tilespmem:s15+$0xFFFFF400]  }
0x1f9: {  	v10 =	vld [tilespmem:s15+$0xFFFFF810]  }
0x1fa: {  	v11 =	vld [tilespmem:s15+$0xFFFFF600]  }
0x1fb: {  	v12 =	vld [tilespmem:s15+$0xFFFFFA10]  }
0x1fc: {  	v13 =	vld [tilespmem:s15+$0xFFFFF800]  }
0x1fd: {  	v14 =	vld [tilespmem:s15+$0xFFFFFC10]  }
0x1fe: {  	v15 =	vld [tilespmem:s15+$0xFFFFFA00]  }
0x1ff: {  	v16 =	vld [tilespmem:s15+$0xFFFFFE10]  }
0x200: {  	v17 =	vld [tilespmem:s15+$0xFFFFFC00]  }
0x201: {  	v18 =	vld [tilespmem:s15+$0x10]  }
0x202: {  	v43 =	vld [tilespmem:s15+$0xFFFFFE00]  }
0x203: {  	v44 =	vld [tilespmem:s15+$0x210]  }
0x204: {  	v45 =	vld [tilespmem:s15+$0x0]  }
0x205: {  	v46 =	vld [tilespmem:s15+$0x410]  }
0x206: {  	v47 =	vld [tilespmem:s15+$0x200]  }
0x207: {  	v48 =	vld [tilespmem:s15+$0x610]  }
0x208: {  	v49 =	vld [tilespmem:s15+$0x400]  }
0x209: {  	v50 =	vld [tilespmem:s15+$0x810]  }
0x20a: {  	v51 =	vld [tilespmem:s15+$0x600]  }
0x20b: {  	v52 =	vld [tilespmem:s15+$0xA10]  }
0x20c: {  	v53 =	vld [tilespmem:s15+$0x800]  }
0x20d: {  	v54 =	vld [tilespmem:s15+$0xC10]  }
0x20e: {  	v55 =	vld [tilespmem:s15+$0xA00]  }
0x20f: {  	v56 =	vld [tilespmem:s15+$0xE10]  }
0x210: {  	v57 =	vld [tilespmem:s15+$0xC00]  }
0x211: {  	s22 =	simm.s32 $0x1A020;
	v58 =	vld [tilespmem:s15+$0xE00];
	v3 =	vadd.f32 v4, v3  }
0x212: {  	v4 =	vadd.f32 v5, v7;
	v5 =	vld [tilespmem:s22+$0xFFFFF010]  }
0x213: {  	v7 =	vld [tilespmem:s22+$0xFFFFF210];
	v3 =	vadd.f32 v6, v3  }
0x214: {  	v4 =	vadd.f32 v9, v4;
	v6 =	vld [tilespmem:s22+$0xFFFFF200]  }
0x215: {  	v9 =	vld [tilespmem:s22+$0xFFFFF410];
	v3 =	vadd.f32 v8, v3  }
0x216: {  	v4 =	vadd.f32 v11, v4;
	v8 =	vld [tilespmem:s22+$0xFFFFF000]  }
0x217: {  	v11 =	vld [tilespmem:s22+$0xFFFFF610];
	v3 =	vadd.f32 v10, v3  }
0x218: {  	v5 =	vadd.f32 v7, v5;
	v4 =	vadd.f32 v13, v4;
	v10 =	vld [tilespmem:s22+$0xFFFFF400]  }
0x219: {  	v7 =	vld [tilespmem:s22+$0xFFFFF810];
	v3 =	vadd.f32 v12, v3  }
0x21a: {  	v59 =	vld [tilespmem:s22+$0xFFFFF600];
	v5 =	vadd.f32 v9, v5;
	v4 =	vadd.f32 v15, v4  }
0x21b: {  	v6 =	vadd.f32 v6, v8;
	v8 =	vld [tilespmem:s22+$0xFFFFFA10];
	v3 =	vadd.f32 v14, v3  }
0x21c: {  	v9 =	vld [tilespmem:s22+$0xFFFFF800];
	v5 =	vadd.f32 v11, v5;
	v4 =	vadd.f32 v17, v4  }
0x21d: {  	v6 =	vadd.f32 v10, v6;
	v10 =	vld [tilespmem:s22+$0xFFFFFC10];
	v3 =	vadd.f32 v16, v3  }
0x21e: {  	v11 =	vld [tilespmem:s22+$0xFFFFFA00];
	v5 =	vadd.f32 v7, v5;
	v4 =	vadd.f32 v43, v4  }
0x21f: {  	v7 =	vld [tilespmem:s22+$0xFFFFFE10];
	v6 =	vadd.f32 v59, v6;
	v3 =	vadd.f32 v18, v3  }
0x220: {  	v60 =	vld [tilespmem:s22+$0xFFFFFC00];
	v4 =	vadd.f32 v45, v4;
	v5 =	vadd.f32 v8, v5  }
0x221: {  	v8 =	vld [tilespmem:s22+$0x10];
	v6 =	vadd.f32 v9, v6;
	v3 =	vadd.f32 v44, v3  }
0x222: {  	v9 =	vld [tilespmem:s22+$0xFFFFFE00];
	v4 =	vadd.f32 v47, v4;
	v5 =	vadd.f32 v10, v5  }
0x223: {  	v10 =	vld [tilespmem:s22+$0x210];
	v6 =	vadd.f32 v11, v6;
	v3 =	vadd.f32 v46, v3  }
0x224: {  	v11 =	vld [tilespmem:s22+$0x0];
	v4 =	vadd.f32 v49, v4;
	v5 =	vadd.f32 v7, v5  }
0x225: {  	v7 =	vld [tilespmem:s22+$0x410];
	v6 =	vadd.f32 v60, v6;
	v3 =	vadd.f32 v48, v3  }
0x226: {  	v61 =	vld [tilespmem:s22+$0x200];
	v4 =	vadd.f32 v51, v4;
	v5 =	vadd.f32 v8, v5  }
0x227: {  	v8 =	vld [tilespmem:s22+$0x610];
	v6 =	vadd.f32 v9, v6;
	v3 =	vadd.f32 v50, v3  }
0x228: {  	v9 =	vld [tilespmem:s22+$0x400];
	v4 =	vadd.f32 v53, v4;
	v5 =	vadd.f32 v10, v5  }
0x229: {  	v10 =	vld [tilespmem:s22+$0x810];
	v6 =	vadd.f32 v11, v6;
	v3 =	vadd.f32 v52, v3  }
0x22a: {  	v11 =	vld [tilespmem:s22+$0x600];
	v4 =	vadd.f32 v55, v4;
	v5 =	vadd.f32 v7, v5  }
0x22b: {  	v62 =	vld [tilespmem:s22+$0xA10];
	v6 =	vadd.f32 v61, v6;
	v7 =	vadd.f32 v54, v3  }
0x22c: {  	v63 =	vld [tilespmem:s22+$0x800];
	v4 =	vadd.f32 v57, v4;
	v5 =	vadd.f32 v8, v5  }
0x22d: {  	v3 =	vld [tilespmem:s22+$0xC10];
	v6 =	vadd.f32 v9, v6;
	v7 =	vadd.f32 v56, v7  }
0x22e: {  	s15 =	simm.s32 $0x1B010;
	v8 =	vadd.f32 v58, v4;
	v4 =	vld [tilespmem:s22+$0xA00];
	v9 =	vadd.f32 v10, v5  }
0x22f: {  	v5 =	vld [tilespmem:s22+$0xE10];
	v6 =	vadd.f32 v11, v6;
	[tilespmem:s15+$0x0] =	vst v7  }
0x230: {  	v7 =	vld [tilespmem:s22+$0xC00];
	[tilespmem:s15+$0xFFFFFFF0] =	vst v8;
	v8 =	vadd.f32 v62, v9  }
0x231: {  	s16 =	simm.s32 $0x2;
	s17 =	simm.s32 $0x1A040;
	v9 =	vadd.f32 v63, v6;
	v6 =	vld [tilespmem:s22+$0xE00]  }
.LBB2_22:
0x232: {  	v10 =	vld [tilespmem:s17+$0xFFFFF010];
	v3 =	vadd.f32 v3, v8  }
0x233: {  	s16 =	sadd.s32 $0x2, s16;
	v8 =	vld [tilespmem:s17+$0xFFFFF210];
	v4 =	vadd.f32 v4, v9  }
0x234: {  	p0 =	slt.u32 s16, $0x6;
	v9 =	vld [tilespmem:s17+$0xFFFFF200];
	v3 =	vadd.f32 v5, v3  }
0x235: {  	s15 =	sadd.s32 $0x20, s15;
	v5 =	vld [tilespmem:s17+$0xFFFFF410];
	v4 =	vadd.f32 v7, v4  }
0x236: {  	v7 =	vld [tilespmem:s17+$0xFFFFF000];
	[tilespmem:s15+$0x0] =	vst v3  }
0x237: {  	v3 =	vld [tilespmem:s17+$0xFFFFF610];
	v4 =	vadd.f32 v6, v4  }
0x238: {  	v6 =	vld [tilespmem:s17+$0xFFFFF400];
	v8 =	vadd.f32 v8, v10  }
0x239: {  	v10 =	vld [tilespmem:s17+$0xFFFFF810];
	[tilespmem:s15+$0xFFFFFFF0] =	vst v4  }
0x23a: {  	v4 =	vld [tilespmem:s17+$0xFFFFF600];
	v5 =	vadd.f32 v5, v8  }
0x23b: {  	v7 =	vadd.f32 v9, v7;
	v8 =	vld [tilespmem:s17+$0xFFFFFA10]  }
0x23c: {  	v9 =	vld [tilespmem:s17+$0xFFFFF800];
	v3 =	vadd.f32 v3, v5  }
0x23d: {  	v5 =	vadd.f32 v6, v7;
	v6 =	vld [tilespmem:s17+$0xFFFFFC10]  }
0x23e: {  	v7 =	vld [tilespmem:s17+$0xFFFFFA00];
	v3 =	vadd.f32 v10, v3  }
0x23f: {  	v4 =	vadd.f32 v4, v5;
	v5 =	vld [tilespmem:s17+$0xFFFFFE10]  }
0x240: {  	v10 =	vld [tilespmem:s17+$0xFFFFFC00];
	v3 =	vadd.f32 v8, v3  }
0x241: {  	v4 =	vadd.f32 v9, v4;
	v8 =	vld [tilespmem:s17+$0x10]  }
0x242: {  	v9 =	vld [tilespmem:s17+$0xFFFFFE00];
	v3 =	vadd.f32 v6, v3  }
0x243: {  	v4 =	vadd.f32 v7, v4;
	v6 =	vld [tilespmem:s17+$0x210]  }
0x244: {  	v7 =	vld [tilespmem:s17+$0x0];
	v3 =	vadd.f32 v5, v3  }
0x245: {  	v4 =	vadd.f32 v10, v4;
	v5 =	vld [tilespmem:s17+$0x410]  }
0x246: {  	v10 =	vld [tilespmem:s17+$0x200];
	v3 =	vadd.f32 v8, v3  }
0x247: {  	v4 =	vadd.f32 v9, v4;
	v8 =	vld [tilespmem:s17+$0x610]  }
0x248: {  	v9 =	vld [tilespmem:s17+$0x400];
	v3 =	vadd.f32 v6, v3  }
0x249: {  	v4 =	vadd.f32 v7, v4;
	v6 =	vld [tilespmem:s17+$0x810]  }
0x24a: {  	v7 =	vld [tilespmem:s17+$0x600];
	v3 =	vadd.f32 v5, v3  }
0x24b: {  	v4 =	vadd.f32 v10, v4;
	v10 =	vld [tilespmem:s17+$0xA10]  }
0x24c: {  	v11 =	vld [tilespmem:s17+$0x800];
	v5 =	vadd.f32 v8, v3  }
.Ltmp13:
0x24d: {  	v8 =	vadd.f32 v9, v4;
	v3 =	vld [tilespmem:s17+$0xC10];
	(pc) =	sbr.rel @p0 .LBB2_22-.Ltmp13, $4  }
0x24e: {  	v4 =	vld [tilespmem:s17+$0xA00];
	v6 =	vadd.f32 v6, v5  }
0x24f: {  	v9 =	vadd.f32 v7, v8;
	v5 =	vld [tilespmem:s17+$0xE10]  }
0x250: {  	v7 =	vld [tilespmem:s17+$0xC00];
	v8 =	vadd.f32 v10, v6  }
0x251: {  	v9 =	vadd.f32 v11, v9;
	v6 =	vld [tilespmem:s17+$0xE00];
	s17 =	sadd.s32 $0x20, s17  }
0x252: {  	_ = 	snop  }
0x253: {  	v4 =	vadd.f32 v4, v9  }
0x254: {  	v3 =	vadd.f32 v3, v8  }
0x255: {  	v4 =	vadd.f32 v7, v4  }
0x256: {  	v3 =	vadd.f32 v5, v3  }
0x257: {  	s15 =	sadd.s32 $0x20, s15;
	v4 =	vadd.f32 v6, v4  }
0x258: {  	[tilespmem:s15+$0x0] =	vst v3  }
0x259: {  	s16 =	simm.s32 $0x1A100;
	[tilespmem:s15+$0xFFFFFFF0] =	vst v4  }
0x25a: {  	v3 =	vld [tilespmem:s16+$0xFFFFF010]  }
0x25b: {  	v4 =	vld [tilespmem:s16+$0xFFFFF210]  }
0x25c: {  	v5 =	vld [tilespmem:s16+$0xFFFFF200]  }
0x25d: {  	v6 =	vld [tilespmem:s16+$0xFFFFF410]  }
0x25e: {  	v7 =	vld [tilespmem:s16+$0xFFFFF000]  }
0x25f: {  	v8 =	vld [tilespmem:s16+$0xFFFFF610]  }
0x260: {  	v9 =	vld [tilespmem:s16+$0xFFFFF400]  }
0x261: {  	v10 =	vld [tilespmem:s16+$0xFFFFF810]  }
0x262: {  	v11 =	vld [tilespmem:s16+$0xFFFFF600]  }
0x263: {  	v12 =	vld [tilespmem:s16+$0xFFFFFA10]  }
0x264: {  	v13 =	vld [tilespmem:s16+$0xFFFFF800]  }
0x265: {  	v14 =	vld [tilespmem:s16+$0xFFFFFC10]  }
0x266: {  	v15 =	vld [tilespmem:s16+$0xFFFFFA00]  }
0x267: {  	v16 =	vld [tilespmem:s16+$0xFFFFFE10]  }
0x268: {  	v17 =	vld [tilespmem:s16+$0xFFFFFC00]  }
0x269: {  	v18 =	vld [tilespmem:s16+$0x10]  }
0x26a: {  	v19 =	vld [tilespmem:s16+$0xFFFFFE00]  }
0x26b: {  	v20 =	vld [tilespmem:s16+$0x210]  }
0x26c: {  	v21 =	vld [tilespmem:s16+$0x0]  }
0x26d: {  	v22 =	vld [tilespmem:s16+$0x410]  }
0x26e: {  	v23 =	vld [tilespmem:s16+$0x200]  }
0x26f: {  	v24 =	vld [tilespmem:s16+$0x610]  }
0x270: {  	v25 =	vld [tilespmem:s16+$0x400]  }
0x271: {  	v26 =	vld [tilespmem:s16+$0x810]  }
0x272: {  	v27 =	vld [tilespmem:s16+$0x600]  }
0x273: {  	v28 =	vld [tilespmem:s16+$0xA10]  }
0x274: {  	v29 =	vld [tilespmem:s16+$0x800]  }
0x275: {  	v30 =	vld [tilespmem:s16+$0xC10]  }
0x276: {  	v31 =	vld [tilespmem:s16+$0xA00]  }
0x277: {  	v32 =	vld [tilespmem:s16+$0xE10]  }
0x278: {  	v33 =	vld [tilespmem:s16+$0xC00]  }
0x279: {  	s17 =	simm.s32 $0x1A120;
	v34 =	vld [tilespmem:s16+$0xE00];
	v3 =	vadd.f32 v4, v3  }
0x27a: {  	v4 =	vadd.f32 v5, v7;
	v5 =	vld [tilespmem:s17+$0xFFFFF010]  }
0x27b: {  	v7 =	vld [tilespmem:s17+$0xFFFFF210];
	v3 =	vadd.f32 v6, v3  }
0x27c: {  	v4 =	vadd.f32 v9, v4;
	v6 =	vld [tilespmem:s17+$0xFFFFF200]  }
0x27d: {  	v9 =	vld [tilespmem:s17+$0xFFFFF410];
	v3 =	vadd.f32 v8, v3  }
0x27e: {  	v4 =	vadd.f32 v11, v4;
	v8 =	vld [tilespmem:s17+$0xFFFFF000]  }
0x27f: {  	v11 =	vld [tilespmem:s17+$0xFFFFF610];
	v3 =	vadd.f32 v10, v3  }
0x280: {  	v5 =	vadd.f32 v7, v5;
	v4 =	vadd.f32 v13, v4;
	v10 =	vld [tilespmem:s17+$0xFFFFF400]  }
0x281: {  	v7 =	vld [tilespmem:s17+$0xFFFFF810];
	v3 =	vadd.f32 v12, v3  }
0x282: {  	v59 =	vld [tilespmem:s17+$0xFFFFF600];
	v5 =	vadd.f32 v9, v5;
	v4 =	vadd.f32 v15, v4  }
0x283: {  	v6 =	vadd.f32 v6, v8;
	v8 =	vld [tilespmem:s17+$0xFFFFFA10];
	v3 =	vadd.f32 v14, v3  }
0x284: {  	v9 =	vld [tilespmem:s17+$0xFFFFF800];
	v5 =	vadd.f32 v11, v5;
	v4 =	vadd.f32 v17, v4  }
0x285: {  	v6 =	vadd.f32 v10, v6;
	v10 =	vld [tilespmem:s17+$0xFFFFFC10];
	v3 =	vadd.f32 v16, v3  }
0x286: {  	v11 =	vld [tilespmem:s17+$0xFFFFFA00];
	v5 =	vadd.f32 v7, v5;
	v4 =	vadd.f32 v19, v4  }
0x287: {  	v7 =	vld [tilespmem:s17+$0xFFFFFE10];
	v6 =	vadd.f32 v59, v6;
	v3 =	vadd.f32 v18, v3  }
0x288: {  	v60 =	vld [tilespmem:s17+$0xFFFFFC00];
	v4 =	vadd.f32 v21, v4;
	v5 =	vadd.f32 v8, v5  }
0x289: {  	v8 =	vld [tilespmem:s17+$0x10];
	v6 =	vadd.f32 v9, v6;
	v3 =	vadd.f32 v20, v3  }
0x28a: {  	v9 =	vld [tilespmem:s17+$0xFFFFFE00];
	v4 =	vadd.f32 v23, v4;
	v5 =	vadd.f32 v10, v5  }
0x28b: {  	v10 =	vld [tilespmem:s17+$0x210];
	v6 =	vadd.f32 v11, v6;
	v3 =	vadd.f32 v22, v3  }
0x28c: {  	v11 =	vld [tilespmem:s17+$0x0];
	v4 =	vadd.f32 v25, v4;
	v5 =	vadd.f32 v7, v5  }
0x28d: {  	v7 =	vld [tilespmem:s17+$0x410];
	v6 =	vadd.f32 v60, v6;
	v3 =	vadd.f32 v24, v3  }
0x28e: {  	v61 =	vld [tilespmem:s17+$0x200];
	v4 =	vadd.f32 v27, v4;
	v5 =	vadd.f32 v8, v5  }
0x28f: {  	v8 =	vld [tilespmem:s17+$0x610];
	v6 =	vadd.f32 v9, v6;
	v3 =	vadd.f32 v26, v3  }
0x290: {  	v9 =	vld [tilespmem:s17+$0x400];
	v4 =	vadd.f32 v29, v4;
	v5 =	vadd.f32 v10, v5  }
0x291: {  	v10 =	vld [tilespmem:s17+$0x810];
	v6 =	vadd.f32 v11, v6;
	v3 =	vadd.f32 v28, v3  }
0x292: {  	v11 =	vld [tilespmem:s17+$0x600];
	v4 =	vadd.f32 v31, v4;
	v5 =	vadd.f32 v7, v5  }
0x293: {  	v62 =	vld [tilespmem:s17+$0xA10];
	v6 =	vadd.f32 v61, v6;
	v7 =	vadd.f32 v30, v3  }
0x294: {  	v63 =	vld [tilespmem:s17+$0x800];
	v4 =	vadd.f32 v33, v4;
	v5 =	vadd.f32 v8, v5  }
0x295: {  	v3 =	vld [tilespmem:s17+$0xC10];
	v6 =	vadd.f32 v9, v6;
	v7 =	vadd.f32 v32, v7  }
0x296: {  	s15 =	simm.s32 $0x1B090;
	v8 =	vadd.f32 v34, v4;
	v4 =	vld [tilespmem:s17+$0xA00];
	v9 =	vadd.f32 v10, v5  }
0x297: {  	v5 =	vld [tilespmem:s17+$0xE10];
	v6 =	vadd.f32 v11, v6;
	[tilespmem:s15+$0x0] =	vst v7  }
0x298: {  	v7 =	vld [tilespmem:s17+$0xC00];
	[tilespmem:s15+$0xFFFFFFF0] =	vst v8;
	v8 =	vadd.f32 v62, v9  }
0x299: {  	s16 =	simm.s32 $0x2;
	v9 =	vadd.f32 v63, v6;
	v6 =	vld [tilespmem:s17+$0xE00];
	s17 =	simm.s32 $0x1A140  }
.LBB2_24:
0x29a: {  	v10 =	vld [tilespmem:s17+$0xFFFFF010];
	v3 =	vadd.f32 v3, v8  }
0x29b: {  	s16 =	sadd.s32 $0x2, s16;
	v8 =	vld [tilespmem:s17+$0xFFFFF210];
	v4 =	vadd.f32 v4, v9  }
0x29c: {  	p0 =	slt.u32 s16, $0x6;
	v9 =	vld [tilespmem:s17+$0xFFFFF200];
	v3 =	vadd.f32 v5, v3  }
0x29d: {  	s15 =	sadd.s32 $0x20, s15;
	v5 =	vld [tilespmem:s17+$0xFFFFF410];
	v4 =	vadd.f32 v7, v4  }
0x29e: {  	v7 =	vld [tilespmem:s17+$0xFFFFF000];
	[tilespmem:s15+$0x0] =	vst v3  }
0x29f: {  	v3 =	vld [tilespmem:s17+$0xFFFFF610];
	v4 =	vadd.f32 v6, v4  }
0x2a0: {  	v6 =	vld [tilespmem:s17+$0xFFFFF400];
	v8 =	vadd.f32 v8, v10  }
0x2a1: {  	v10 =	vld [tilespmem:s17+$0xFFFFF810];
	[tilespmem:s15+$0xFFFFFFF0] =	vst v4  }
0x2a2: {  	v4 =	vld [tilespmem:s17+$0xFFFFF600];
	v5 =	vadd.f32 v5, v8  }
0x2a3: {  	v7 =	vadd.f32 v9, v7;
	v8 =	vld [tilespmem:s17+$0xFFFFFA10]  }
0x2a4: {  	v9 =	vld [tilespmem:s17+$0xFFFFF800];
	v3 =	vadd.f32 v3, v5  }
0x2a5: {  	v5 =	vadd.f32 v6, v7;
	v6 =	vld [tilespmem:s17+$0xFFFFFC10]  }
0x2a6: {  	v7 =	vld [tilespmem:s17+$0xFFFFFA00];
	v3 =	vadd.f32 v10, v3  }
0x2a7: {  	v4 =	vadd.f32 v4, v5;
	v5 =	vld [tilespmem:s17+$0xFFFFFE10]  }
0x2a8: {  	v10 =	vld [tilespmem:s17+$0xFFFFFC00];
	v3 =	vadd.f32 v8, v3  }
0x2a9: {  	v4 =	vadd.f32 v9, v4;
	v8 =	vld [tilespmem:s17+$0x10]  }
0x2aa: {  	v9 =	vld [tilespmem:s17+$0xFFFFFE00];
	v3 =	vadd.f32 v6, v3  }
0x2ab: {  	v4 =	vadd.f32 v7, v4;
	v6 =	vld [tilespmem:s17+$0x210]  }
0x2ac: {  	v7 =	vld [tilespmem:s17+$0x0];
	v3 =	vadd.f32 v5, v3  }
0x2ad: {  	v4 =	vadd.f32 v10, v4;
	v5 =	vld [tilespmem:s17+$0x410]  }
0x2ae: {  	v10 =	vld [tilespmem:s17+$0x200];
	v3 =	vadd.f32 v8, v3  }
0x2af: {  	v4 =	vadd.f32 v9, v4;
	v8 =	vld [tilespmem:s17+$0x610]  }
0x2b0: {  	v9 =	vld [tilespmem:s17+$0x400];
	v3 =	vadd.f32 v6, v3  }
0x2b1: {  	v4 =	vadd.f32 v7, v4;
	v6 =	vld [tilespmem:s17+$0x810]  }
0x2b2: {  	v7 =	vld [tilespmem:s17+$0x600];
	v3 =	vadd.f32 v5, v3  }
0x2b3: {  	v4 =	vadd.f32 v10, v4;
	v10 =	vld [tilespmem:s17+$0xA10]  }
0x2b4: {  	v11 =	vld [tilespmem:s17+$0x800];
	v5 =	vadd.f32 v8, v3  }
.Ltmp14:
0x2b5: {  	v8 =	vadd.f32 v9, v4;
	v3 =	vld [tilespmem:s17+$0xC10];
	(pc) =	sbr.rel @p0 .LBB2_24-.Ltmp14, $4  }
0x2b6: {  	v4 =	vld [tilespmem:s17+$0xA00];
	v6 =	vadd.f32 v6, v5  }
0x2b7: {  	v9 =	vadd.f32 v7, v8;
	v5 =	vld [tilespmem:s17+$0xE10]  }
0x2b8: {  	v7 =	vld [tilespmem:s17+$0xC00];
	v8 =	vadd.f32 v10, v6  }
0x2b9: {  	v9 =	vadd.f32 v11, v9;
	v6 =	vld [tilespmem:s17+$0xE00];
	s17 =	sadd.s32 $0x20, s17  }
0x2ba: {  	_ = 	snop  }
0x2bb: {  	v4 =	vadd.f32 v4, v9  }
0x2bc: {  	v3 =	vadd.f32 v3, v8  }
0x2bd: {  	v4 =	vadd.f32 v7, v4  }
0x2be: {  	v3 =	vadd.f32 v5, v3  }
0x2bf: {  	s15 =	sadd.s32 $0x20, s15;
	v4 =	vadd.f32 v6, v4  }
0x2c0: {  	[tilespmem:s15+$0x0] =	vst v3  }
0x2c1: {  	s16 =	simm.s32 $0x1A080;
	[tilespmem:s15+$0xFFFFFFF0] =	vst v4  }
0x2c2: {  	v3 =	vld [tilespmem:s16+$0xFFFFF010]  }
0x2c3: {  	v4 =	vld [tilespmem:s16+$0xFFFFF210]  }
0x2c4: {  	v5 =	vld [tilespmem:s16+$0xFFFFF200]  }
0x2c5: {  	v6 =	vld [tilespmem:s16+$0xFFFFF410]  }
0x2c6: {  	v7 =	vld [tilespmem:s16+$0xFFFFF000]  }
0x2c7: {  	v8 =	vld [tilespmem:s16+$0xFFFFF610]  }
0x2c8: {  	v9 =	vld [tilespmem:s16+$0xFFFFF400]  }
0x2c9: {  	v10 =	vld [tilespmem:s16+$0xFFFFF600];
	v3 =	vadd.f32 v4, v3  }
0x2ca: {  	v4 =	vld [tilespmem:s16+$0xFFFFF810]  }
0x2cb: {  	v5 =	vadd.f32 v5, v7;
	v7 =	vld [tilespmem:s16+$0xFFFFF800];
	v3 =	vadd.f32 v6, v3  }
0x2cc: {  	v6 =	vld [tilespmem:s16+$0xFFFFFA10]  }
0x2cd: {  	v5 =	vadd.f32 v9, v5;
	v9 =	vld [tilespmem:s16+$0xFFFFFA00];
	v3 =	vadd.f32 v8, v3  }
0x2ce: {  	v8 =	vld [tilespmem:s16+$0xFFFFFC10]  }
0x2cf: {  	v3 =	vadd.f32 v4, v3;
	v4 =	vadd.f32 v10, v5;
	v5 =	vld [tilespmem:s16+$0xFFFFFE10]  }
0x2d0: {  	v10 =	vld [tilespmem:s16+$0xFFFFFC00]  }
0x2d1: {  	v3 =	vadd.f32 v6, v3;
	v4 =	vadd.f32 v7, v4;
	v6 =	vld [tilespmem:s16+$0x10]  }
0x2d2: {  	v7 =	vld [tilespmem:s16+$0xFFFFFE00]  }
0x2d3: {  	v3 =	vadd.f32 v8, v3;
	v4 =	vadd.f32 v9, v4;
	v8 =	vld [tilespmem:s16+$0x210]  }
0x2d4: {  	v9 =	vld [tilespmem:s16+$0x0]  }
0x2d5: {  	v3 =	vadd.f32 v5, v3;
	v4 =	vadd.f32 v10, v4;
	v5 =	vld [tilespmem:s16+$0x410]  }
0x2d6: {  	v10 =	vld [tilespmem:s16+$0x200]  }
0x2d7: {  	v3 =	vadd.f32 v6, v3;
	v4 =	vadd.f32 v7, v4;
	v6 =	vld [tilespmem:s16+$0x610]  }
0x2d8: {  	v7 =	vld [tilespmem:s16+$0x400]  }
0x2d9: {  	v3 =	vadd.f32 v8, v3;
	v4 =	vadd.f32 v9, v4;
	v8 =	vld [tilespmem:s16+$0x810]  }
0x2da: {  	v9 =	vld [tilespmem:s16+$0x600]  }
0x2db: {  	v3 =	vadd.f32 v5, v3;
	v4 =	vadd.f32 v10, v4;
	v5 =	vld [tilespmem:s16+$0xA10]  }
0x2dc: {  	p1 =	por $0x1, $0x1;
	v10 =	vld [tilespmem:s16+$0x800]  }
.Ltmp15:
0x2dd: {  	v11 =	vadd.f32 v6, v3;
	v4 =	vadd.f32 v7, v4;
	v3 =	vld [tilespmem:s16+$0xC10];
	(pc) =	sbr.rel @!p1 .LBB2_26-.Ltmp15, $4  }
0x2de: {  	v6 =	vld [tilespmem:s16+$0xA00]  }
0x2df: {  	v7 =	vld [tilespmem:s16+$0xC00];
	v8 =	vadd.f32 v8, v11;
	v9 =	vadd.f32 v9, v4  }
0x2e0: {  	v4 =	vld [tilespmem:s16+$0xE10]  }
0x2e1: {  	p0 =	por $0x0, $0x0;
	s15 =	simm.s32 $0x1B110;
	v8 =	vadd.f32 v5, v8;
	v9 =	vadd.f32 v10, v9;
	v5 =	vld [tilespmem:s16+$0xE00];
	s16 =	simm.s32 $0x1A0A0  }
0x2e2: {  	v10 =	vld [tilespmem:s16+$0xFFFFF010]  }
0x2e3: {  	v11 =	vld [tilespmem:s16+$0xFFFFF210]  }
0x2e4: {  	v12 =	vld [tilespmem:s16+$0xFFFFF200]  }
0x2e5: {  	v13 =	vld [tilespmem:s16+$0xFFFFF410]  }
0x2e6: {  	v14 =	vld [tilespmem:s16+$0xFFFFF000]  }
0x2e7: {  	v15 =	vld [tilespmem:s16+$0xFFFFF610]  }
0x2e8: {  	v16 =	vld [tilespmem:s16+$0xFFFFF400];
	v10 =	vadd.f32 v11, v10  }
0x2e9: {  	v11 =	vld [tilespmem:s16+$0xFFFFF810]  }
0x2ea: {  	v17 =	vld [tilespmem:s16+$0xFFFFF600];
	v10 =	vadd.f32 v13, v10  }
0x2eb: {  	v47 =	vld [tilespmem:s16+$0xFFFFFA10];
	v12 =	vadd.f32 v12, v14  }
0x2ec: {  	v48 =	vld [tilespmem:s16+$0xFFFFF800];
	v10 =	vadd.f32 v15, v10  }
0x2ed: {  	v49 =	vld [tilespmem:s16+$0xFFFFFC10];
	v12 =	vadd.f32 v16, v12  }
0x2ee: {  	v50 =	vld [tilespmem:s16+$0xFFFFFA00];
	v10 =	vadd.f32 v11, v10  }
0x2ef: {  	v51 =	vld [tilespmem:s16+$0xFFFFFE10];
	v11 =	vadd.f32 v17, v12  }
0x2f0: {  	v52 =	vld [tilespmem:s16+$0xFFFFFC00];
	v10 =	vadd.f32 v47, v10  }
0x2f1: {  	v53 =	vld [tilespmem:s16+$0x10];
	v11 =	vadd.f32 v48, v11  }
0x2f2: {  	v54 =	vld [tilespmem:s16+$0xFFFFFE00];
	v10 =	vadd.f32 v49, v10  }
0x2f3: {  	v55 =	vld [tilespmem:s16+$0x210];
	v11 =	vadd.f32 v50, v11  }
0x2f4: {  	v56 =	vld [tilespmem:s16+$0x0];
	v10 =	vadd.f32 v51, v10  }
0x2f5: {  	v57 =	vld [tilespmem:s16+$0x410];
	v11 =	vadd.f32 v52, v11  }
0x2f6: {  	v58 =	vld [tilespmem:s16+$0x200];
	v10 =	vadd.f32 v53, v10  }
0x2f7: {  	v59 =	vld [tilespmem:s16+$0x610];
	v11 =	vadd.f32 v54, v11  }
0x2f8: {  	v60 =	vld [tilespmem:s16+$0x400];
	v10 =	vadd.f32 v55, v10  }
0x2f9: {  	v61 =	vld [tilespmem:s16+$0x810];
	v11 =	vadd.f32 v56, v11  }
0x2fa: {  	v6 =	vadd.f32 v6, v9;
	v9 =	vld [tilespmem:s16+$0x600];
	v10 =	vadd.f32 v57, v10  }
0x2fb: {  	v62 =	vld [tilespmem:s16+$0xA10];
	v8 =	vadd.f32 v3, v8;
	v11 =	vadd.f32 v58, v11  }
0x2fc: {  	v63 =	vld [tilespmem:s16+$0x800];
	p3 =	por $0x1, $0x1;
	v6 =	vadd.f32 v7, v6;
	v7 =	vadd.f32 v59, v10  }
.Ltmp16:
0x2fd: {  	v3 =	vld [tilespmem:s16+$0xC10];
	v8 =	vadd.f32 v4, v8;
	v10 =	vadd.f32 v60, v11;
	(pc) =	sbr.rel @!p3 .LBB2_28-.Ltmp16, $4  }
0x2fe: {  	v5 =	vadd.f32 v5, v6;
	v6 =	vld [tilespmem:s16+$0xA00];
	v11 =	vadd.f32 v61, v7  }
0x2ff: {  	v4 =	vld [tilespmem:s16+$0xE10];
	v9 =	vadd.f32 v9, v10  }
0x300: {  	s17 =	simm.s32 $0x2;
	[tilespmem:s15+$0x0] =	vst v8;
	v7 =	vld [tilespmem:s16+$0xC00];
	v8 =	vadd.f32 v62, v11  }
0x301: {  	s18 =	simm.s32 $0x1A0C0;
	p2 =	por $0x1, $0x1;
	[tilespmem:s15+$0xFFFFFFF0] =	vst v5;
	v5 =	vld [tilespmem:s16+$0xE00];
	s16 =	simm.s32 $0x1B110;
	v9 =	vadd.f32 v63, v9  }
.LBB2_29:
0x302: {  	v10 =	vld [tilespmem:s18+$0xFFFFF010];
	v3 =	vadd.f32 v3, v8  }
0x303: {  	s17 =	sadd.s32 $0x2, s17;
	v8 =	vld [tilespmem:s18+$0xFFFFF210];
	v6 =	vadd.f32 v6, v9  }
0x304: {  	p3 =	slt.u32 s17, $0x6;
	v9 =	vld [tilespmem:s18+$0xFFFFF200];
	v3 =	vadd.f32 v4, v3  }
0x305: {  	s16 =	sadd.s32 $0x20, s16;
	v4 =	vld [tilespmem:s18+$0xFFFFF410];
	v6 =	vadd.f32 v7, v6  }
0x306: {  	v7 =	vld [tilespmem:s18+$0xFFFFF000];
	[tilespmem:s16+$0x0] =	vst v3  }
0x307: {  	v3 =	vld [tilespmem:s18+$0xFFFFF610];
	v5 =	vadd.f32 v5, v6  }
0x308: {  	v6 =	vld [tilespmem:s18+$0xFFFFF400];
	v8 =	vadd.f32 v8, v10  }
0x309: {  	v10 =	vld [tilespmem:s18+$0xFFFFF810];
	[tilespmem:s16+$0xFFFFFFF0] =	vst v5  }
0x30a: {  	v5 =	vld [tilespmem:s18+$0xFFFFF600];
	v4 =	vadd.f32 v4, v8  }
0x30b: {  	v7 =	vadd.f32 v9, v7;
	v8 =	vld [tilespmem:s18+$0xFFFFFA10]  }
0x30c: {  	v9 =	vld [tilespmem:s18+$0xFFFFF800];
	v3 =	vadd.f32 v3, v4  }
0x30d: {  	v4 =	vadd.f32 v6, v7;
	v6 =	vld [tilespmem:s18+$0xFFFFFC10]  }
0x30e: {  	v7 =	vld [tilespmem:s18+$0xFFFFFA00];
	v3 =	vadd.f32 v10, v3  }
0x30f: {  	v4 =	vadd.f32 v5, v4;
	v5 =	vld [tilespmem:s18+$0xFFFFFE10]  }
0x310: {  	v10 =	vld [tilespmem:s18+$0xFFFFFC00];
	v3 =	vadd.f32 v8, v3  }
0x311: {  	v4 =	vadd.f32 v9, v4;
	v8 =	vld [tilespmem:s18+$0x10]  }
0x312: {  	v9 =	vld [tilespmem:s18+$0xFFFFFE00];
	v3 =	vadd.f32 v6, v3  }
0x313: {  	v4 =	vadd.f32 v7, v4;
	v6 =	vld [tilespmem:s18+$0x210]  }
0x314: {  	v7 =	vld [tilespmem:s18+$0x0];
	v3 =	vadd.f32 v5, v3  }
0x315: {  	v4 =	vadd.f32 v10, v4;
	v5 =	vld [tilespmem:s18+$0x410]  }
0x316: {  	v10 =	vld [tilespmem:s18+$0x200];
	v3 =	vadd.f32 v8, v3  }
0x317: {  	v4 =	vadd.f32 v9, v4;
	v8 =	vld [tilespmem:s18+$0x610]  }
0x318: {  	v9 =	vld [tilespmem:s18+$0x400];
	v3 =	vadd.f32 v6, v3  }
0x319: {  	v4 =	vadd.f32 v7, v4;
	v7 =	vld [tilespmem:s18+$0x810]  }
0x31a: {  	v11 =	vld [tilespmem:s18+$0x600];
	v3 =	vadd.f32 v5, v3  }
0x31b: {  	v4 =	vadd.f32 v10, v4;
	v5 =	vld [tilespmem:s18+$0xA10]  }
0x31c: {  	v10 =	vld [tilespmem:s18+$0x800];
	v8 =	vadd.f32 v8, v3  }
.Ltmp17:
0x31d: {  	v4 =	vadd.f32 v9, v4;
	v3 =	vld [tilespmem:s18+$0xC10];
	(pc) =	sbr.rel @p3 .LBB2_29-.Ltmp17, $4  }
0x31e: {  	v6 =	vld [tilespmem:s18+$0xA00];
	v8 =	vadd.f32 v7, v8  }
0x31f: {  	v9 =	vadd.f32 v11, v4;
	v4 =	vld [tilespmem:s18+$0xE10]  }
0x320: {  	v7 =	vld [tilespmem:s18+$0xC00];
	v8 =	vadd.f32 v5, v8  }
0x321: {  	v9 =	vadd.f32 v10, v9;
	v5 =	vld [tilespmem:s18+$0xE00];
	s18 =	sadd.s32 $0x20, s18  }
.LBB2_30:
0x322: {  	_ = 	snop  }
0x323: {  	v6 =	vadd.f32 v6, v9  }
0x324: {  	v3 =	vadd.f32 v3, v8  }
0x325: {  	v6 =	vadd.f32 v7, v6  }
0x326: {  	s16 =	sadd.s32 @p2 $0x20, s16;
	v3 =	vadd.f32 v4, v3  }
0x327: {  	s15 =	smov.u32 @p2 s16;
	v4 =	vadd.f32 v5, v6  }
0x328: {  	[tilespmem:s15+$0x0] =	vst v3  }
0x329: {  	s22 =	simm.s32 $0x1A180;
	[tilespmem:s15+$0xFFFFFFF0] =	vst v4  }
0x32a: {  	v3 =	vld [tilespmem:s22+$0xFFFFF010]  }
0x32b: {  	v4 =	vld [tilespmem:s22+$0xFFFFF210]  }
0x32c: {  	v5 =	vld [tilespmem:s22+$0xFFFFF200]  }
0x32d: {  	v6 =	vld [tilespmem:s22+$0xFFFFF410]  }
0x32e: {  	v7 =	vld [tilespmem:s22+$0xFFFFF000]  }
0x32f: {  	v8 =	vld [tilespmem:s22+$0xFFFFF610]  }
0x330: {  	v9 =	vld [tilespmem:s22+$0xFFFFF400]  }
0x331: {  	v10 =	vld [tilespmem:s22+$0xFFFFF600];
	v3 =	vadd.f32 v4, v3  }
0x332: {  	v4 =	vld [tilespmem:s22+$0xFFFFF810]  }
0x333: {  	v5 =	vadd.f32 v5, v7;
	v7 =	vld [tilespmem:s22+$0xFFFFF800];
	v3 =	vadd.f32 v6, v3  }
0x334: {  	v6 =	vld [tilespmem:s22+$0xFFFFFA10]  }
0x335: {  	v5 =	vadd.f32 v9, v5;
	v9 =	vld [tilespmem:s22+$0xFFFFFA00];
	v3 =	vadd.f32 v8, v3  }
0x336: {  	v8 =	vld [tilespmem:s22+$0xFFFFFC10]  }
0x337: {  	v3 =	vadd.f32 v4, v3;
	v4 =	vadd.f32 v10, v5;
	v5 =	vld [tilespmem:s22+$0xFFFFFE10]  }
0x338: {  	v10 =	vld [tilespmem:s22+$0xFFFFFC00]  }
0x339: {  	v3 =	vadd.f32 v6, v3;
	v4 =	vadd.f32 v7, v4;
	v6 =	vld [tilespmem:s22+$0x10]  }
0x33a: {  	v7 =	vld [tilespmem:s22+$0xFFFFFE00]  }
0x33b: {  	v3 =	vadd.f32 v8, v3;
	v4 =	vadd.f32 v9, v4;
	v8 =	vld [tilespmem:s22+$0x210]  }
0x33c: {  	v9 =	vld [tilespmem:s22+$0x0]  }
0x33d: {  	v3 =	vadd.f32 v5, v3;
	v4 =	vadd.f32 v10, v4;
	v5 =	vld [tilespmem:s22+$0x410]  }
0x33e: {  	v10 =	vld [tilespmem:s22+$0x200]  }
0x33f: {  	v3 =	vadd.f32 v6, v3;
	v4 =	vadd.f32 v7, v4;
	v6 =	vld [tilespmem:s22+$0x610]  }
0x340: {  	v7 =	vld [tilespmem:s22+$0x400]  }
0x341: {  	v3 =	vadd.f32 v8, v3;
	v4 =	vadd.f32 v9, v4;
	v8 =	vld [tilespmem:s22+$0x810]  }
0x342: {  	v9 =	vld [tilespmem:s22+$0x600]  }
0x343: {  	v3 =	vadd.f32 v5, v3;
	v4 =	vadd.f32 v10, v4;
	v5 =	vld [tilespmem:s22+$0xA10]  }
0x344: {  	v10 =	vld [tilespmem:s22+$0x800]  }
.Ltmp18:
0x345: {  	v11 =	vadd.f32 v6, v3;
	v4 =	vadd.f32 v7, v4;
	v3 =	vld [tilespmem:s22+$0xC10];
	(pc) =	sbr.rel @!p1 .LBB2_31-.Ltmp18, $4  }
0x346: {  	v6 =	vld [tilespmem:s22+$0xA00]  }
0x347: {  	v7 =	vld [tilespmem:s22+$0xC00];
	v8 =	vadd.f32 v8, v11;
	v9 =	vadd.f32 v9, v4  }
0x348: {  	v4 =	vld [tilespmem:s22+$0xE10]  }
0x349: {  	s17 =	simm.s32 $0x1A1A0;
	s15 =	simm.s32 $0x1B190;
	v8 =	vadd.f32 v5, v8;
	v9 =	vadd.f32 v10, v9;
	v5 =	vld [tilespmem:s22+$0xE00]  }
0x34a: {  	v10 =	vld [tilespmem:s17+$0xFFFFF010]  }
0x34b: {  	v11 =	vld [tilespmem:s17+$0xFFFFF210]  }
0x34c: {  	v12 =	vld [tilespmem:s17+$0xFFFFF200]  }
0x34d: {  	v13 =	vld [tilespmem:s17+$0xFFFFF410]  }
0x34e: {  	v14 =	vld [tilespmem:s17+$0xFFFFF000]  }
0x34f: {  	v15 =	vld [tilespmem:s17+$0xFFFFF610]  }
0x350: {  	v16 =	vld [tilespmem:s17+$0xFFFFF400];
	v10 =	vadd.f32 v11, v10  }
0x351: {  	v11 =	vld [tilespmem:s17+$0xFFFFF810]  }
0x352: {  	v17 =	vld [tilespmem:s17+$0xFFFFF600];
	v10 =	vadd.f32 v13, v10  }
0x353: {  	v47 =	vld [tilespmem:s17+$0xFFFFFA10];
	v12 =	vadd.f32 v12, v14  }
0x354: {  	v48 =	vld [tilespmem:s17+$0xFFFFF800];
	v10 =	vadd.f32 v15, v10  }
0x355: {  	v49 =	vld [tilespmem:s17+$0xFFFFFC10];
	v12 =	vadd.f32 v16, v12  }
0x356: {  	v50 =	vld [tilespmem:s17+$0xFFFFFA00];
	v10 =	vadd.f32 v11, v10  }
0x357: {  	v51 =	vld [tilespmem:s17+$0xFFFFFE10];
	v11 =	vadd.f32 v17, v12  }
0x358: {  	v52 =	vld [tilespmem:s17+$0xFFFFFC00];
	v10 =	vadd.f32 v47, v10  }
0x359: {  	v53 =	vld [tilespmem:s17+$0x10];
	v11 =	vadd.f32 v48, v11  }
0x35a: {  	v54 =	vld [tilespmem:s17+$0xFFFFFE00];
	v10 =	vadd.f32 v49, v10  }
0x35b: {  	v55 =	vld [tilespmem:s17+$0x210];
	v11 =	vadd.f32 v50, v11  }
0x35c: {  	v56 =	vld [tilespmem:s17+$0x0];
	v10 =	vadd.f32 v51, v10  }
0x35d: {  	v57 =	vld [tilespmem:s17+$0x410];
	v11 =	vadd.f32 v52, v11  }
0x35e: {  	v58 =	vld [tilespmem:s17+$0x200];
	v10 =	vadd.f32 v53, v10  }
0x35f: {  	v59 =	vld [tilespmem:s17+$0x610];
	v11 =	vadd.f32 v54, v11  }
0x360: {  	v60 =	vld [tilespmem:s17+$0x400];
	v10 =	vadd.f32 v55, v10  }
0x361: {  	v61 =	vld [tilespmem:s17+$0x810];
	v11 =	vadd.f32 v56, v11  }
0x362: {  	v6 =	vadd.f32 v6, v9;
	v9 =	vld [tilespmem:s17+$0x600];
	v10 =	vadd.f32 v57, v10  }
0x363: {  	v62 =	vld [tilespmem:s17+$0xA10];
	v8 =	vadd.f32 v3, v8;
	v11 =	vadd.f32 v58, v11  }
0x364: {  	v63 =	vld [tilespmem:s17+$0x800];
	p1 =	por $0x1, $0x1;
	v6 =	vadd.f32 v7, v6;
	v7 =	vadd.f32 v59, v10  }
.Ltmp19:
0x365: {  	v3 =	vld [tilespmem:s17+$0xC10];
	v8 =	vadd.f32 v4, v8;
	v10 =	vadd.f32 v60, v11;
	(pc) =	sbr.rel @!p1 .LBB2_33-.Ltmp19, $4  }
0x366: {  	v5 =	vadd.f32 v5, v6;
	v6 =	vld [tilespmem:s17+$0xA00];
	v11 =	vadd.f32 v61, v7  }
0x367: {  	v4 =	vld [tilespmem:s17+$0xE10];
	v9 =	vadd.f32 v9, v10  }
0x368: {  	s16 =	simm.s32 $0x2;
	[tilespmem:s15+$0x0] =	vst v8;
	v7 =	vld [tilespmem:s17+$0xC00];
	v8 =	vadd.f32 v62, v11  }
0x369: {  	s18 =	simm.s32 $0x1A1C0;
	p0 =	por $0x1, $0x1;
	[tilespmem:s15+$0xFFFFFFF0] =	vst v5;
	v5 =	vld [tilespmem:s17+$0xE00];
	s17 =	simm.s32 $0x1B190;
	v9 =	vadd.f32 v63, v9  }
.LBB2_34:
0x36a: {  	v10 =	vld [tilespmem:s18+$0xFFFFF010];
	v3 =	vadd.f32 v3, v8  }
0x36b: {  	s16 =	sadd.s32 $0x2, s16;
	v8 =	vld [tilespmem:s18+$0xFFFFF210];
	v6 =	vadd.f32 v6, v9  }
0x36c: {  	p1 =	slt.u32 s16, $0x6;
	v9 =	vld [tilespmem:s18+$0xFFFFF200];
	v3 =	vadd.f32 v4, v3  }
0x36d: {  	s17 =	sadd.s32 $0x20, s17;
	v4 =	vld [tilespmem:s18+$0xFFFFF410];
	v6 =	vadd.f32 v7, v6  }
0x36e: {  	v7 =	vld [tilespmem:s18+$0xFFFFF000];
	[tilespmem:s17+$0x0] =	vst v3  }
0x36f: {  	v3 =	vld [tilespmem:s18+$0xFFFFF610];
	v5 =	vadd.f32 v5, v6  }
0x370: {  	v6 =	vld [tilespmem:s18+$0xFFFFF400];
	v8 =	vadd.f32 v8, v10  }
0x371: {  	v10 =	vld [tilespmem:s18+$0xFFFFF810];
	[tilespmem:s17+$0xFFFFFFF0] =	vst v5  }
0x372: {  	v5 =	vld [tilespmem:s18+$0xFFFFF600];
	v4 =	vadd.f32 v4, v8  }
0x373: {  	v7 =	vadd.f32 v9, v7;
	v8 =	vld [tilespmem:s18+$0xFFFFFA10]  }
0x374: {  	v9 =	vld [tilespmem:s18+$0xFFFFF800];
	v3 =	vadd.f32 v3, v4  }
0x375: {  	v4 =	vadd.f32 v6, v7;
	v6 =	vld [tilespmem:s18+$0xFFFFFC10]  }
0x376: {  	v7 =	vld [tilespmem:s18+$0xFFFFFA00];
	v3 =	vadd.f32 v10, v3  }
0x377: {  	v4 =	vadd.f32 v5, v4;
	v5 =	vld [tilespmem:s18+$0xFFFFFE10]  }
0x378: {  	v10 =	vld [tilespmem:s18+$0xFFFFFC00];
	v3 =	vadd.f32 v8, v3  }
0x379: {  	v4 =	vadd.f32 v9, v4;
	v8 =	vld [tilespmem:s18+$0x10]  }
0x37a: {  	v9 =	vld [tilespmem:s18+$0xFFFFFE00];
	v3 =	vadd.f32 v6, v3  }
0x37b: {  	v4 =	vadd.f32 v7, v4;
	v6 =	vld [tilespmem:s18+$0x210]  }
0x37c: {  	v7 =	vld [tilespmem:s18+$0x0];
	v3 =	vadd.f32 v5, v3  }
0x37d: {  	v4 =	vadd.f32 v10, v4;
	v5 =	vld [tilespmem:s18+$0x410]  }
0x37e: {  	v10 =	vld [tilespmem:s18+$0x200];
	v3 =	vadd.f32 v8, v3  }
0x37f: {  	v4 =	vadd.f32 v9, v4;
	v8 =	vld [tilespmem:s18+$0x610]  }
0x380: {  	v9 =	vld [tilespmem:s18+$0x400];
	v3 =	vadd.f32 v6, v3  }
0x381: {  	v4 =	vadd.f32 v7, v4;
	v7 =	vld [tilespmem:s18+$0x810]  }
0x382: {  	v11 =	vld [tilespmem:s18+$0x600];
	v3 =	vadd.f32 v5, v3  }
0x383: {  	v4 =	vadd.f32 v10, v4;
	v5 =	vld [tilespmem:s18+$0xA10]  }
0x384: {  	v10 =	vld [tilespmem:s18+$0x800];
	v8 =	vadd.f32 v8, v3  }
.Ltmp20:
0x385: {  	v4 =	vadd.f32 v9, v4;
	v3 =	vld [tilespmem:s18+$0xC10];
	(pc) =	sbr.rel @p1 .LBB2_34-.Ltmp20, $4  }
0x386: {  	v6 =	vld [tilespmem:s18+$0xA00];
	v8 =	vadd.f32 v7, v8  }
0x387: {  	v9 =	vadd.f32 v11, v4;
	v4 =	vld [tilespmem:s18+$0xE10]  }
0x388: {  	v7 =	vld [tilespmem:s18+$0xC00];
	v8 =	vadd.f32 v5, v8  }
0x389: {  	v9 =	vadd.f32 v10, v9;
	v5 =	vld [tilespmem:s18+$0xE00];
	s18 =	sadd.s32 $0x20, s18  }
.LBB2_35:
0x38a: {  	_ = 	snop  }
0x38b: {  	v6 =	vadd.f32 v6, v9  }
0x38c: {  	v3 =	vadd.f32 v3, v8  }
0x38d: {  	v6 =	vadd.f32 v7, v6  }
0x38e: {  	s16 =	sadd.s32 @p0 $0x20, s17;
	v3 =	vadd.f32 v4, v3  }
0x38f: {  	s15 =	smov.u32 @p0 s16;
	v63 =	vadd.f32 v5, v6  }
0x390: {  	[tilespmem:s15+$0x0] =	vst v3  }
0x391: {  	s20 =	simm.s32 $0x0;
	s21 =	simm.s32 $0x1B000;
	[tilespmem:s15+$0xFFFFFFF0] =	vst v63  }
0x392: {  	[hbm4b:s23+s20] =	stream.linear.scatter [tilespmem:s21], [sflag:$0x4], $0x100, $0x38;
	[tilespmem:$0x1D200] =	vst v63  }
0x393: {  	_ =	swait.ge [sflag:s10], $0x100  }
0x394: {  	s13 =	sadd.s32 $0x1, s13;
	[sflag:s10] =	ssyncset.done $0x0  }
0x395: {  	s22 =	simm.s32 $0x1B100;
	p0 =	sne.s32 s13, s25;
	[sflag:s10] =	ssyncadd.s32 $0xFFFFFF00  }
0x396: {  	[hbm4b:s24+s20] =	stream.linear.scatter [tilespmem:s22], [sflag:$0x4], $0x100, $0x38;
	[tilespmem:$0x1D200] =	vst v63  }
.Ltmp21:
0x397: {  	_ = 	snop;
	(pc) =	sbr.rel @p0 .LBB2_1-.Ltmp21, $4  }
.Ltmp22:
0x398: {  	_ = 	snop;
	(pc) =	sbr.rel @!p0 .LBB2_36-.Ltmp22, $4  }
0x399: {  	_ =	swait.ge [sflag:s10], $0x100  }
0x39a: {  	[sflag:s10] =	ssyncset.done $0x0  }
0x39b: {  	[sflag:s10] =	ssyncadd.s32 $0xFFFFFF00  }
0x39c: {  	_ = 	snop  }
.LBB2_26:
.Ltmp23:
0x39d: {  	(pc) =	sbr.rel .LBB2_30-.Ltmp23, $2  }
0x39e: {  	_ =	sdelay $0x2  }
0x39f: {  	s16 =	simm.s32 $0x1B110;
	p2 =	por $0x0, $0x0  }
.LBB2_31:
.Ltmp24:
0x3a0: {  	(pc) =	sbr.rel .LBB2_35-.Ltmp24, $2  }
0x3a1: {  	_ =	sdelay $0x2  }
0x3a2: {  	s17 =	simm.s32 $0x1B190  }
.LBB2_28:
.Ltmp25:
0x3a3: {  	(pc) =	sbr.rel .LBB2_30-.Ltmp25, $2  }
0x3a4: {  	_ =	sdelay $0x2  }
0x3a5: {  	s16 =	simm.s32 $0x1B110  }
.LBB2_33:
.Ltmp26:
0x3a6: {  	(pc) =	sbr.rel .LBB2_35-.Ltmp26, $2  }
0x3a7: {  	_ =	sdelay $0x2  }
0x3a8: {  	s17 =	simm.s32 $0x1B190  }
.LBB2_36:
0x3a9: {  	_ =	sfence.sel $0x180000  }
0x3aa: {  	[bflag:$0x0] =	sbarrier.arrive $0xFFFF  }
0x3ab: {  	_ =	strace $0x90000047  }
0x3ac: {  	s0 =	stileid.u32;
	[bflag:$0x2] =	sbarrier.arrive $0xFFFF  }
0x3ad: {  	p0 =	sne.s32 s0, $0x0;
	s0 =	rddreg [dreg:$0x3]  }
0x3ae: {  	s0 =	sadd.s32 @!p0 $0x100000, s0  }
0x3af: {  	[sflag:s0] =	ssyncadd.tile.s32 @!p0 $0x1;
	_ =	shalt  }
.Lfunc_end2:
_tile_overlayer_lowered:
.L_overlay_start_2:
0x3b0: {  	(tag) =	ssettag $0x2  }
0x3b1: {  	s0 =	rddreg [dreg:$0x0];
	s2 =	stileid.u32  }
0x3b2: {  	s1 =	rddreg [dreg:$0x1];
	p0 =	sne.s32 s2, $0x0  }
0x3b3: {  	s3 =	rddreg [dreg:$0x2];
	[bflag:$0x3] =	sbarrier.arrive $0xFFFF;
	s2 =	simm.s32 @!p0 $0x1C04  }
0x3b4: {  	[timem:s3], [sflag:s2] =	dma.local @!p0 [hbm:s0], s1  }
0x3b5: {  	s0 =	simm.s32 @!p0 $0x4  }
0x3b6: {  	_ =	swait.ge @!p0 [sflag:s0], s1  }
0x3b7: {  	s1 =	ssub.s32 @!p0 $0x0, s1;
	[sflag:s0] =	ssyncset.done @!p0 $0x0  }
0x3b8: {  	[sflag:s0] =	ssyncadd.s32 @!p0 s1  }
0x3b9: {  	[bflag:$0x3] =	sbarrier.arrive $0xFFFF  }
0x3ba: {  	_ =	shalt  }

</sc_bundles>
